<compile_context>
chip_gen: v7x
topology: tpu7x:2x2x1
jax: 0.10.2.dev20260603
libtpu: 0.0.44.dev20260713+nightly
codegen_flags: <defaults>
</compile_context>

<pallas_src>
import functools
import math

import jax
import jax.numpy as jnp
from jax import lax
from jax.experimental import pallas as pl
from jax.experimental.pallas import tpu as pltpu
from jax.experimental.pallas import tpu_sc as plsc

D = 16
NC = 2
NS = 16
NW = NC * NS
CHUNK = 1280
GSUB = 128
BB = CHUNK // 128
NSUB = CHUNK // GSUB
NGRP = CHUNK // D
LOGC = -0.5 * D * math.log(2.0 * math.pi)


def _mu_to_rowmajor(muT):
    n = muT.shape[1]
    s_blk = 12800
    r_blk = s_blk * D // 128
    grid = pl.cdiv(n, s_blk)

    def body(x_ref, o_ref):
        t = x_ref[...].T.reshape(r_blk, 8, D)
        for c in range(8):
            o_ref[:, c * D:(c + 1) * D] = t[:, c, :]

    out = pl.pallas_call(
        body,
        grid=(grid,),
        in_specs=[pl.BlockSpec((D, s_blk), lambda i: (0, i))],
        out_specs=pl.BlockSpec((r_blk, 128), lambda i: (i, 0)),
        out_shape=jax.ShapeDtypeStruct((n * D // 128, 128), jnp.float32),
    )(muT)
    return out.reshape(n, D)


@functools.partial(jax.jit, static_argnames=("m",))
def _log_prob_sc(zq, idx2d, mu, m):
    per_w = m // NW
    n_chunks = per_w // CHUNK

    mesh = plsc.VectorSubcoreMesh(core_axis_name="c", subcore_axis_name="s")

    @functools.partial(
        pl.kernel,
        out_type=jax.ShapeDtypeStruct((m,), jnp.float32),
        mesh=mesh,
        scratch_types=[
            pltpu.VMEM((2, CHUNK), jnp.int32),
            pltpu.VMEM((2, CHUNK, D), jnp.float32),
            pltpu.VMEM((2, 2, BB, 8, 128), jnp.float32),
            pltpu.VMEM((2, CHUNK), jnp.float32),
            pltpu.SemaphoreType.DMA,
            pltpu.SemaphoreType.DMA,
            pltpu.SemaphoreType.DMA,
            pltpu.SemaphoreType.DMA,
        ],
        compiler_params=pltpu.CompilerParams(
            use_tc_tiling_on_sc=False,
            needs_layout_passes=False,
        ),
    )
    def k(zq_hbm, idx_hbm, mu_hbm, out_hbm,
          idx_v, mu_v, z_v, out_v, sem_mu, sem_z, sem_i, sem_o):
        wid = lax.axis_index("s") * NC + lax.axis_index("c")
        row_base = wid * per_w

        def fire_idx(ci, b):
            cbase = row_base + ci * CHUNK
            pltpu.async_copy(
                idx_hbm.at[pl.ds(cbase, CHUNK)], idx_v.at[b], sem_i)

        def fire_inputs(ci, b):
            cbase = row_base + ci * CHUNK
            bb0 = cbase // 128
            for g in range(NSUB):
                pltpu.async_copy(
                    mu_hbm.at[idx_v.at[b, pl.ds(g * GSUB, GSUB)]],
                    mu_v.at[b, pl.ds(g * GSUB, GSUB)],
                    sem_mu,
                )
            for fg in range(2):
                pltpu.async_copy(
                    zq_hbm.at[fg, pl.ds(bb0, BB)], z_v.at[b, fg], sem_z)

        def wait_idx(b):
            pltpu.make_async_copy(
                idx_hbm.at[pl.ds(0, CHUNK)], idx_v.at[b], sem_i).wait()

        def wait_inputs(b):
            pltpu.make_async_copy(
                mu_hbm.at[pl.ds(0, CHUNK)], mu_v.at[b], sem_mu).wait()
            pltpu.make_async_copy(
                zq_hbm.at[:, pl.ds(0, BB)], z_v.at[b], sem_z).wait()

        def fire_out(ci, b):
            cbase = row_base + ci * CHUNK
            pltpu.async_copy(
                out_v.at[b], out_hbm.at[pl.ds(cbase, CHUNK)], sem_o)

        def wait_out(b):
            pltpu.make_async_copy(
                out_v.at[b], out_hbm.at[pl.ds(0, CHUNK)], sem_o).wait()

        def compute(b):
            lane = lax.iota(jnp.int32, D)

            @plsc.parallel_loop(0, NGRP, 1, unroll=2)
            def group_body(g):
                bbl = g // 8
                b0 = (g % 8) * D
                rows = g * D + lane
                acc = []
                for d in range(D):
                    zc = z_v[b, d // 8, bbl, d % 8, pl.ds(b0, D)]
                    mc = plsc.load_gather(
                        mu_v.at[b], [rows, jnp.full((D,), d, jnp.int32)]
                    )
                    t = zc - mc
                    sq = t * t
                    if d < 4:
                        acc.append(sq)
                    else:
                        acc[d % 4] = acc[d % 4] + sq
                tot = (acc[0] + acc[1]) + (acc[2] + acc[3])
                out_v[b, pl.ds(g * D, D)] = -0.5 * tot + LOGC

        fire_idx(0, 0)
        fire_idx(1, 1)
        wait_idx(0)
        fire_inputs(0, 0)

        @pl.loop(0, n_chunks, step=2)
        def chunk_loop(cc):
            for b in range(2):
                ci = cc + b
                nb = 1 - b

                @pl.when(ci + 1 < n_chunks)
                def _():
                    wait_idx(nb)
                    fire_inputs(ci + 1, nb)

                wait_inputs(b)

                @pl.when(ci + 2 < n_chunks)
                def _():
                    fire_idx(ci + 2, b)

                @pl.when(ci >= 2)
                def _():
                    wait_out(b)

                compute(b)
                fire_out(ci, b)

        wait_out(0)
        wait_out(1)

    return k(zq, idx2d, mu)


def kernel(z, sensor_idx, mu):
    m = z.shape[0]
    zq = z.reshape(m // 128, 128, 2, 8).transpose(2, 0, 3, 1)
    idx2d = sensor_idx.astype(jnp.int32)
    mu_rm = _mu_to_rowmajor(mu.T)
    return _log_prob_sc(zq, idx2d, mu_rm, m)

# --- scband reference (transcript-rebuilt; emitter-appended) ---
"""Pipeline reference for scband-entity-aware-gaussian-35459249996133 (READ-ONLY COPY).

The authoritative reference and input builder live on the scoring server;
editing this copy changes nothing except your own understanding.
"""

import math
import jax, jax.numpy as jnp
import numpy as np

N_SENSOR = 1000000
Z_DIM = 16
M = 3276800

def setup_inputs(seed: int = 0) -> dict:
    key = jax.random.key(seed)
    k_z, k_idx, k_mu = jax.random.split(key, 3)
    z = jax.random.normal(k_z, (M, Z_DIM), dtype=jnp.float32)
    sensor_idx = jax.random.randint(k_idx, (M,), 0, N_SENSOR, dtype=jnp.int64 if jax.config.read('jax_enable_x64') else jnp.int32)
    mu = jax.random.normal(k_mu, (N_SENSOR, Z_DIM), dtype=jnp.float32)
    return {"z": z, "sensor_idx": sensor_idx, "mu": mu}

def reference(z, sensor_idx, mu):
    # mu_k = self.mu[sensor_idx]
    mu_k = jnp.take(mu, sensor_idx, axis=0)
    diff = z - mu_k
    log_p = -0.5 * jnp.sum(diff ** 2, axis=-1) - 0.5 * mu.shape[1] * math.log(2.0 * math.pi)
    return log_p

if __name__ == "__main__":
    import jax
    _d = setup_inputs()
    print(jax.jit(kernel)(*tuple(_d.values())))

</pallas_src>

<mosaic_0001>
#map = affine_map<(d0, d1) -> (0, 0, 0, 0)>
#map1 = affine_map<(d0, d1) -> (0)>
#map2 = affine_map<(d0, d1) -> (0, 0)>
module attributes {stable_mosaic.version = 14 : i64} {
  func.func @k(%arg0: i32, %arg1: i32, %arg2: memref<2x25600x8x128xf32, #tpu.memory_space<hbm>>, %arg3: memref<3276800xi32, #tpu.memory_space<hbm>>, %arg4: memref<1000000x16xf32, #tpu.memory_space<hbm>>, %arg5: memref<3276800xf32, #tpu.memory_space<hbm>>, %arg6: memref<2x1280xi32, #tpu.memory_space<vmem>>, %arg7: memref<2x1280x16xf32, #tpu.memory_space<vmem>>, %arg8: memref<2x2x10x8x128xf32, #tpu.memory_space<vmem>>, %arg9: memref<2x1280xf32, #tpu.memory_space<vmem>>, %arg10: memref<!tpu.dma_semaphore, #tpu.memory_space<semaphore_mem>>, %arg11: memref<!tpu.dma_semaphore, #tpu.memory_space<semaphore_mem>>, %arg12: memref<!tpu.dma_semaphore, #tpu.memory_space<semaphore_mem>>, %arg13: memref<!tpu.dma_semaphore, #tpu.memory_space<semaphore_mem>>) attributes {dimension_semantics = [#tpu.dimension_semantics<core_parallel>, #tpu.dimension_semantics<subcore_parallel>], iteration_bounds = array<i64: 2, 16>, scalar_prefetch = 0 : i64, scratch_operands = 8 : i64, tpu.core_type = #tpu.core_type<sc_vector_subcore>, window_params = [{transform_indices = #map}, {transform_indices = #map1}, {transform_indices = #map2}, {transform_indices = #map1}]} {
    %mul3A = arith.constant 2 : i32
    %mul3A_0 = arith.muli %arg1, %mul3A : i32
    %add3A = arith.addi %mul3A_0, %arg0 : i32
    %mul3A_1 = arith.constant 102400 : i32
    %mul3A_2 = arith.muli %add3A, %mul3A_1 : i32
    %add3A_3 = arith.constant 0 : i32
    %add3A_4 = arith.addi %mul3A_2, %add3A_3 : i32
    %dma_start3A = arith.constant 0 : i32
    %dma_start3A_5 = arith.constant 0 : i32
    %dma_start3A_6 = tpu.memref_slice %arg6[%dma_start3A, %dma_start3A_5] : memref<2x1280xi32, #tpu.memory_space<vmem>> -> memref<1x1280xi32, #tpu.memory_space<vmem>>
    %dma_start3A_7 = tpu.memref_squeeze %dma_start3A_6 : memref<1x1280xi32, #tpu.memory_space<vmem>> -> memref<1280xi32, #tpu.memory_space<vmem>>
    %dma_start3A_8 = tpu.memref_slice %arg3[%add3A_4] : memref<3276800xi32, #tpu.memory_space<hbm>> -> memref<1280xi32, #tpu.memory_space<hbm>>
    %dma_start3A_9 = arith.constant 0 : i32
    %dma_start3A_10 = tpu.memref_slice %arg6[%dma_start3A, %dma_start3A_9] : memref<2x1280xi32, #tpu.memory_space<vmem>> -> memref<1x1280xi32, #tpu.memory_space<vmem>>
    %dma_start3A_11 = tpu.memref_squeeze %dma_start3A_10 : memref<1x1280xi32, #tpu.memory_space<vmem>> -> memref<1280xi32, #tpu.memory_space<vmem>>
    %dma_start3A_12 = tpu.memref_slice %arg3[%add3A_4] : memref<3276800xi32, #tpu.memory_space<hbm>> -> memref<1280xi32, #tpu.memory_space<hbm>>
    tpu.enqueue_dma source(%dma_start3A_12 : memref<1280xi32, #tpu.memory_space<hbm>>) target(%dma_start3A_11 : memref<1280xi32, #tpu.memory_space<vmem>>) target_semaphore(%arg12 : memref<!tpu.dma_semaphore, #tpu.memory_space<semaphore_mem>>)
    %add3A_13 = arith.constant 1280 : i32
    %add3A_14 = arith.addi %mul3A_2, %add3A_13 : i32
    %dma_start3A_15 = arith.constant 1 : i32
    %dma_start3A_16 = arith.constant 0 : i32
    %dma_start3A_17 = tpu.memref_slice %arg6[%dma_start3A_15, %dma_start3A_16] : memref<2x1280xi32, #tpu.memory_space<vmem>> -> memref<1x1280xi32, #tpu.memory_space<vmem>>
    %dma_start3A_18 = tpu.memref_squeeze %dma_start3A_17 : memref<1x1280xi32, #tpu.memory_space<vmem>> -> memref<1280xi32, #tpu.memory_space<vmem>>
    %dma_start3A_19 = tpu.memref_slice %arg3[%add3A_14] : memref<3276800xi32, #tpu.memory_space<hbm>> -> memref<1280xi32, #tpu.memory_space<hbm>>
    %dma_start3A_20 = arith.constant 0 : i32
    %dma_start3A_21 = tpu.memref_slice %arg6[%dma_start3A_15, %dma_start3A_20] : memref<2x1280xi32, #tpu.memory_space<vmem>> -> memref<1x1280xi32, #tpu.memory_space<vmem>>
    %dma_start3A_22 = tpu.memref_squeeze %dma_start3A_21 : memref<1x1280xi32, #tpu.memory_space<vmem>> -> memref<1280xi32, #tpu.memory_space<vmem>>
    %dma_start3A_23 = tpu.memref_slice %arg3[%add3A_14] : memref<3276800xi32, #tpu.memory_space<hbm>> -> memref<1280xi32, #tpu.memory_space<hbm>>
    tpu.enqueue_dma source(%dma_start3A_23 : memref<1280xi32, #tpu.memory_space<hbm>>) target(%dma_start3A_22 : memref<1280xi32, #tpu.memory_space<vmem>>) target_semaphore(%arg12 : memref<!tpu.dma_semaphore, #tpu.memory_space<semaphore_mem>>)
    %dma_wait3A = arith.constant 0 : i32
    %dma_wait3A_24 = arith.constant 0 : i32
    %dma_wait3A_25 = tpu.memref_slice %arg6[%dma_wait3A, %dma_wait3A_24] : memref<2x1280xi32, #tpu.memory_space<vmem>> -> memref<1x1280xi32, #tpu.memory_space<vmem>>
    %dma_wait3A_26 = tpu.memref_squeeze %dma_wait3A_25 : memref<1x1280xi32, #tpu.memory_space<vmem>> -> memref<1280xi32, #tpu.memory_space<vmem>>
    %dma_wait3A_27 = arith.constant 0 : i32
    %dma_wait3A_28 = tpu.memref_slice %arg3[%dma_wait3A_27] : memref<3276800xi32, #tpu.memory_space<hbm>> -> memref<1280xi32, #tpu.memory_space<hbm>>
    %dma_wait3A_29 = arith.constant 0 : i32
    %dma_wait3A_30 = tpu.memref_slice %arg6[%dma_wait3A, %dma_wait3A_29] : memref<2x1280xi32, #tpu.memory_space<vmem>> -> memref<1x1280xi32, #tpu.memory_space<vmem>>
    %dma_wait3A_31 = tpu.memref_squeeze %dma_wait3A_30 : memref<1x1280xi32, #tpu.memory_space<vmem>> -> memref<1280xi32, #tpu.memory_space<vmem>>
    %dma_wait3A_32 = arith.constant 0 : i32
    %dma_wait3A_33 = tpu.memref_slice %arg3[%dma_wait3A_32] : memref<3276800xi32, #tpu.memory_space<hbm>> -> memref<1280xi32, #tpu.memory_space<hbm>>
    tpu.wait_dma2 semaphore(%arg12 : memref<!tpu.dma_semaphore, #tpu.memory_space<semaphore_mem>>) src(%dma_wait3A_33 : memref<1280xi32, #tpu.memory_space<hbm>>) dst(%dma_wait3A_31 : memref<1280xi32, #tpu.memory_space<vmem>>)
    %add3A_34 = arith.constant 0 : i32
    %add3A_35 = arith.addi %mul3A_2, %add3A_34 : i32
    %jit3A = arith.constant 128 : i32
    %div3A = arith.divsi %add3A_35, %jit3A : i32
    %sign3A = arith.constant 0 : i32
    %sign3A_36 = arith.cmpi sgt, %add3A_35, %sign3A : i32
    %sign3A_37 = arith.extui %sign3A_36 : i1 to i32
    %sign3A_38 = arith.constant 0 : i32
    %sign3A_39 = arith.cmpi slt, %add3A_35, %sign3A_38 : i32
    %sign3A_40 = arith.extui %sign3A_39 : i1 to i32
    %sign3A_41 = arith.subi %sign3A_37, %sign3A_40 : i32
    %sign3A_42 = arith.constant 0 : i32
    %sign3A_43 = arith.cmpi sgt, %jit3A, %sign3A_42 : i32
    %sign3A_44 = arith.extui %sign3A_43 : i1 to i32
    %sign3A_45 = arith.constant 0 : i32
    %sign3A_46 = arith.cmpi slt, %jit3A, %sign3A_45 : i32
    %sign3A_47 = arith.extui %sign3A_46 : i1 to i32
    %sign3A_48 = arith.subi %sign3A_44, %sign3A_47 : i32
    %ne3A = arith.cmpi ne, %sign3A_41, %sign3A_48 : i32
    %rem3A = arith.remsi %add3A_35, %jit3A : i32
    %ne3A_49 = arith.constant 0 : i32
    %ne3A_50 = arith.cmpi ne, %rem3A, %ne3A_49 : i32
    %and3A = arith.andi %ne3A, %ne3A_50 : i1
    %sub3A = arith.constant 1 : i32
    %sub3A_51 = arith.subi %div3A, %sub3A : i32
    %select_n3A = arith.select %and3A, %sub3A_51, %div3A : i32
    %dma_start3A_52 = arith.constant 0 : i32
    %dma_start3A_53 = arith.constant 0 : i32
    %dma_start3A_54 = arith.constant 0 : i32
    %dma_start3A_55 = arith.constant 0 : i32
    %dma_start3A_56 = tpu.memref_slice %arg7[%dma_start3A_53, %dma_start3A_54, %dma_start3A_55] : memref<2x1280x16xf32, #tpu.memory_space<vmem>> -> memref<1x128x16xf32, #tpu.memory_space<vmem>>
    %dma_start3A_57 = tpu.memref_squeeze %dma_start3A_56 : memref<1x128x16xf32, #tpu.memory_space<vmem>> -> memref<128x16xf32, #tpu.memory_space<vmem>>
    %dma_start3A_58 = arith.constant 0 : i32
    %dma_start3A_59 = tpu.memref_slice %arg6[%dma_start3A_52, %dma_start3A_58] : memref<2x1280xi32, #tpu.memory_space<vmem>> -> memref<1x128xi32, #tpu.memory_space<vmem>>
    %dma_start3A_60 = tpu.memref_squeeze %dma_start3A_59 : memref<1x128xi32, #tpu.memory_space<vmem>> -> memref<128xi32, #tpu.memory_space<vmem>>
    %dma_start3A_61 = arith.constant 0 : i32
    %dma_start3A_62 = arith.constant 0 : i32
    %dma_start3A_63 = tpu.memref_slice %arg4[%dma_start3A_61, %dma_start3A_62] : memref<1000000x16xf32, #tpu.memory_space<hbm>> -> memref<1000000x16xf32, #tpu.memory_space<hbm>>
    tpu.enqueue_indirect_dma source(%dma_start3A_63 : memref<1000000x16xf32, #tpu.memory_space<hbm>>) target(%dma_start3A_57 : memref<128x16xf32, #tpu.memory_space<vmem>>) offsets(%dma_start3A_60 : memref<128xi32, #tpu.memory_space<vmem>>) semaphore(%arg10 : memref<!tpu.dma_semaphore, #tpu.memory_space<semaphore_mem>>)
    %dma_start3A_64 = arith.constant 0 : i32
    %dma_start3A_65 = arith.constant 0 : i32
    %dma_start3A_66 = arith.constant 128 : i32
    %dma_start3A_67 = arith.constant 0 : i32
    %dma_start3A_68 = tpu.memref_slice %arg7[%dma_start3A_65, %dma_start3A_66, %dma_start3A_67] : memref<2x1280x16xf32, #tpu.memory_space<vmem>> -> memref<1x128x16xf32, #tpu.memory_space<vmem>>
    %dma_start3A_69 = tpu.memref_squeeze %dma_start3A_68 : memref<1x128x16xf32, #tpu.memory_space<vmem>> -> memref<128x16xf32, #tpu.memory_space<vmem>>
    %dma_start3A_70 = arith.constant 128 : i32
    %dma_start3A_71 = tpu.memref_slice %arg6[%dma_start3A_64, %dma_start3A_70] : memref<2x1280xi32, #tpu.memory_space<vmem>> -> memref<1x128xi32, #tpu.memory_space<vmem>>
    %dma_start3A_72 = tpu.memref_squeeze %dma_start3A_71 : memref<1x128xi32, #tpu.memory_space<vmem>> -> memref<128xi32, #tpu.memory_space<vmem>>
    %dma_start3A_73 = arith.constant 0 : i32
    %dma_start3A_74 = arith.constant 0 : i32
    %dma_start3A_75 = tpu.memref_slice %arg4[%dma_start3A_73, %dma_start3A_74] : memref<1000000x16xf32, #tpu.memory_space<hbm>> -> memref<1000000x16xf32, #tpu.memory_space<hbm>>
    tpu.enqueue_indirect_dma source(%dma_start3A_75 : memref<1000000x16xf32, #tpu.memory_space<hbm>>) target(%dma_start3A_69 : memref<128x16xf32, #tpu.memory_space<vmem>>) offsets(%dma_start3A_72 : memref<128xi32, #tpu.memory_space<vmem>>) semaphore(%arg10 : memref<!tpu.dma_semaphore, #tpu.memory_space<semaphore_mem>>)
    %dma_start3A_76 = arith.constant 0 : i32
    %dma_start3A_77 = arith.constant 0 : i32
    %dma_start3A_78 = arith.constant 256 : i32
    %dma_start3A_79 = arith.constant 0 : i32
    %dma_start3A_80 = tpu.memref_slice %arg7[%dma_start3A_77, %dma_start3A_78, %dma_start3A_79] : memref<2x1280x16xf32, #tpu.memory_space<vmem>> -> memref<1x128x16xf32, #tpu.memory_space<vmem>>
    %dma_start3A_81 = tpu.memref_squeeze %dma_start3A_80 : memref<1x128x16xf32, #tpu.memory_space<vmem>> -> memref<128x16xf32, #tpu.memory_space<vmem>>
    %dma_start3A_82 = arith.constant 256 : i32
    %dma_start3A_83 = tpu.memref_slice %arg6[%dma_start3A_76, %dma_start3A_82] : memref<2x1280xi32, #tpu.memory_space<vmem>> -> memref<1x128xi32, #tpu.memory_space<vmem>>
    %dma_start3A_84 = tpu.memref_squeeze %dma_start3A_83 : memref<1x128xi32, #tpu.memory_space<vmem>> -> memref<128xi32, #tpu.memory_space<vmem>>
    %dma_start3A_85 = arith.constant 0 : i32
    %dma_start3A_86 = arith.constant 0 : i32
    %dma_start3A_87 = tpu.memref_slice %arg4[%dma_start3A_85, %dma_start3A_86] : memref<1000000x16xf32, #tpu.memory_space<hbm>> -> memref<1000000x16xf32, #tpu.memory_space<hbm>>
    tpu.enqueue_indirect_dma source(%dma_start3A_87 : memref<1000000x16xf32, #tpu.memory_space<hbm>>) target(%dma_start3A_81 : memref<128x16xf32, #tpu.memory_space<vmem>>) offsets(%dma_start3A_84 : memref<128xi32, #tpu.memory_space<vmem>>) semaphore(%arg10 : memref<!tpu.dma_semaphore, #tpu.memory_space<semaphore_mem>>)
    %dma_start3A_88 = arith.constant 0 : i32
    %dma_start3A_89 = arith.constant 0 : i32
    %dma_start3A_90 = arith.constant 384 : i32
    %dma_start3A_91 = arith.constant 0 : i32
    %dma_start3A_92 = tpu.memref_slice %arg7[%dma_start3A_89, %dma_start3A_90, %dma_start3A_91] : memref<2x1280x16xf32, #tpu.memory_space<vmem>> -> memref<1x128x16xf32, #tpu.memory_space<vmem>>
    %dma_start3A_93 = tpu.memref_squeeze %dma_start3A_92 : memref<1x128x16xf32, #tpu.memory_space<vmem>> -> memref<128x16xf32, #tpu.memory_space<vmem>>
    %dma_start3A_94 = arith.constant 384 : i32
    %dma_start3A_95 = tpu.memref_slice %arg6[%dma_start3A_88, %dma_start3A_94] : memref<2x1280xi32, #tpu.memory_space<vmem>> -> memref<1x128xi32, #tpu.memory_space<vmem>>
    %dma_start3A_96 = tpu.memref_squeeze %dma_start3A_95 : memref<1x128xi32, #tpu.memory_space<vmem>> -> memref<128xi32, #tpu.memory_space<vmem>>
    %dma_start3A_97 = arith.constant 0 : i32
    %dma_start3A_98 = arith.constant 0 : i32
    %dma_start3A_99 = tpu.memref_slice %arg4[%dma_start3A_97, %dma_start3A_98] : memref<1000000x16xf32, #tpu.memory_space<hbm>> -> memref<1000000x16xf32, #tpu.memory_space<hbm>>
    tpu.enqueue_indirect_dma source(%dma_start3A_99 : memref<1000000x16xf32, #tpu.memory_space<hbm>>) target(%dma_start3A_93 : memref<128x16xf32, #tpu.memory_space<vmem>>) offsets(%dma_start3A_96 : memref<128xi32, #tpu.memory_space<vmem>>) semaphore(%arg10 : memref<!tpu.dma_semaphore, #tpu.memory_space<semaphore_mem>>)
    %dma_start3A_100 = arith.constant 0 : i32
    %dma_start3A_101 = arith.constant 0 : i32
    %dma_start3A_102 = arith.constant 512 : i32
    %dma_start3A_103 = arith.constant 0 : i32
    %dma_start3A_104 = tpu.memref_slice %arg7[%dma_start3A_101, %dma_start3A_102, %dma_start3A_103] : memref<2x1280x16xf32, #tpu.memory_space<vmem>> -> memref<1x128x16xf32, #tpu.memory_space<vmem>>
    %dma_start3A_105 = tpu.memref_squeeze %dma_start3A_104 : memref<1x128x16xf32, #tpu.memory_space<vmem>> -> memref<128x16xf32, #tpu.memory_space<vmem>>
    %dma_start3A_106 = arith.constant 512 : i32
    %dma_start3A_107 = tpu.memref_slice %arg6[%dma_start3A_100, %dma_start3A_106] : memref<2x1280xi32, #tpu.memory_space<vmem>> -> memref<1x128xi32, #tpu.memory_space<vmem>>
    %dma_start3A_108 = tpu.memref_squeeze %dma_start3A_107 : memref<1x128xi32, #tpu.memory_space<vmem>> -> memref<128xi32, #tpu.memory_space<vmem>>
    %dma_start3A_109 = arith.constant 0 : i32
    %dma_start3A_110 = arith.constant 0 : i32
    %dma_start3A_111 = tpu.memref_slice %arg4[%dma_start3A_109, %dma_start3A_110] : memref<1000000x16xf32, #tpu.memory_space<hbm>> -> memref<1000000x16xf32, #tpu.memory_space<hbm>>
    tpu.enqueue_indirect_dma source(%dma_start3A_111 : memref<1000000x16xf32, #tpu.memory_space<hbm>>) target(%dma_start3A_105 : memref<128x16xf32, #tpu.memory_space<vmem>>) offsets(%dma_start3A_108 : memref<128xi32, #tpu.memory_space<vmem>>) semaphore(%arg10 : memref<!tpu.dma_semaphore, #tpu.memory_space<semaphore_mem>>)
    %dma_start3A_112 = arith.constant 0 : i32
    %dma_start3A_113 = arith.constant 0 : i32
    %dma_start3A_114 = arith.constant 640 : i32
    %dma_start3A_115 = arith.constant 0 : i32
    %dma_start3A_116 = tpu.memref_slice %arg7[%dma_start3A_113, %dma_start3A_114, %dma_start3A_115] : memref<2x1280x16xf32, #tpu.memory_space<vmem>> -> memref<1x128x16xf32, #tpu.memory_space<vmem>>
    %dma_start3A_117 = tpu.memref_squeeze %dma_start3A_116 : memref<1x128x16xf32, #tpu.memory_space<vmem>> -> memref<128x16xf32, #tpu.memory_space<vmem>>
    %dma_start3A_118 = arith.constant 640 : i32
    %dma_start3A_119 = tpu.memref_slice %arg6[%dma_start3A_112, %dma_start3A_118] : memref<2x1280xi32, #tpu.memory_space<vmem>> -> memref<1x128xi32, #tpu.memory_space<vmem>>
    %dma_start3A_120 = tpu.memref_squeeze %dma_start3A_119 : memref<1x128xi32, #tpu.memory_space<vmem>> -> memref<128xi32, #tpu.memory_space<vmem>>
    %dma_start3A_121 = arith.constant 0 : i32
    %dma_start3A_122 = arith.constant 0 : i32
    %dma_start3A_123 = tpu.memref_slice %arg4[%dma_start3A_121, %dma_start3A_122] : memref<1000000x16xf32, #tpu.memory_space<hbm>> -> memref<1000000x16xf32, #tpu.memory_space<hbm>>
    tpu.enqueue_indirect_dma source(%dma_start3A_123 : memref<1000000x16xf32, #tpu.memory_space<hbm>>) target(%dma_start3A_117 : memref<128x16xf32, #tpu.memory_space<vmem>>) offsets(%dma_start3A_120 : memref<128xi32, #tpu.memory_space<vmem>>) semaphore(%arg10 : memref<!tpu.dma_semaphore, #tpu.memory_space<semaphore_mem>>)
    %dma_start3A_124 = arith.constant 0 : i32
    %dma_start3A_125 = arith.constant 0 : i32
    %dma_start3A_126 = arith.constant 768 : i32
    %dma_start3A_127 = arith.constant 0 : i32
    %dma_start3A_128 = tpu.memref_slice %arg7[%dma_start3A_125, %dma_start3A_126, %dma_start3A_127] : memref<2x1280x16xf32, #tpu.memory_space<vmem>> -> memref<1x128x16xf32, #tpu.memory_space<vmem>>
    %dma_start3A_129 = tpu.memref_squeeze %dma_start3A_128 : memref<1x128x16xf32, #tpu.memory_space<vmem>> -> memref<128x16xf32, #tpu.memory_space<vmem>>
    %dma_start3A_130 = arith.constant 768 : i32
    %dma_start3A_131 = tpu.memref_slice %arg6[%dma_start3A_124, %dma_start3A_130] : memref<2x1280xi32, #tpu.memory_space<vmem>> -> memref<1x128xi32, #tpu.memory_space<vmem>>
    %dma_start3A_132 = tpu.memref_squeeze %dma_start3A_131 : memref<1x128xi32, #tpu.memory_space<vmem>> -> memref<128xi32, #tpu.memory_space<vmem>>
    %dma_start3A_133 = arith.constant 0 : i32
    %dma_start3A_134 = arith.constant 0 : i32
    %dma_start3A_135 = tpu.memref_slice %arg4[%dma_start3A_133, %dma_start3A_134] : memref<1000000x16xf32, #tpu.memory_space<hbm>> -> memref<1000000x16xf32, #tpu.memory_space<hbm>>
    tpu.enqueue_indirect_dma source(%dma_start3A_135 : memref<1000000x16xf32, #tpu.memory_space<hbm>>) target(%dma_start3A_129 : memref<128x16xf32, #tpu.memory_space<vmem>>) offsets(%dma_start3A_132 : memref<128xi32, #tpu.memory_space<vmem>>) semaphore(%arg10 : memref<!tpu.dma_semaphore, #tpu.memory_space<semaphore_mem>>)
    %dma_start3A_136 = arith.constant 0 : i32
    %dma_start3A_137 = arith.constant 0 : i32
    %dma_start3A_138 = arith.constant 896 : i32
    %dma_start3A_139 = arith.constant 0 : i32
    %dma_start3A_140 = tpu.memref_slice %arg7[%dma_start3A_137, %dma_start3A_138, %dma_start3A_139] : memref<2x1280x16xf32, #tpu.memory_space<vmem>> -> memref<1x128x16xf32, #tpu.memory_space<vmem>>
    %dma_start3A_141 = tpu.memref_squeeze %dma_start3A_140 : memref<1x128x16xf32, #tpu.memory_space<vmem>> -> memref<128x16xf32, #tpu.memory_space<vmem>>
    %dma_start3A_142 = arith.constant 896 : i32
    %dma_start3A_143 = tpu.memref_slice %arg6[%dma_start3A_136, %dma_start3A_142] : memref<2x1280xi32, #tpu.memory_space<vmem>> -> memref<1x128xi32, #tpu.memory_space<vmem>>
    %dma_start3A_144 = tpu.memref_squeeze %dma_start3A_143 : memref<1x128xi32, #tpu.memory_space<vmem>> -> memref<128xi32, #tpu.memory_space<vmem>>
    %dma_start3A_145 = arith.constant 0 : i32
    %dma_start3A_146 = arith.constant 0 : i32
    %dma_start3A_147 = tpu.memref_slice %arg4[%dma_start3A_145, %dma_start3A_146] : memref<1000000x16xf32, #tpu.memory_space<hbm>> -> memref<1000000x16xf32, #tpu.memory_space<hbm>>
    tpu.enqueue_indirect_dma source(%dma_start3A_147 : memref<1000000x16xf32, #tpu.memory_space<hbm>>) target(%dma_start3A_141 : memref<128x16xf32, #tpu.memory_space<vmem>>) offsets(%dma_start3A_144 : memref<128xi32, #tpu.memory_space<vmem>>) semaphore(%arg10 : memref<!tpu.dma_semaphore, #tpu.memory_space<semaphore_mem>>)
    %dma_start3A_148 = arith.constant 0 : i32
    %dma_start3A_149 = arith.constant 0 : i32
    %dma_start3A_150 = arith.constant 1024 : i32
    %dma_start3A_151 = arith.constant 0 : i32
    %dma_start3A_152 = tpu.memref_slice %arg7[%dma_start3A_149, %dma_start3A_150, %dma_start3A_151] : memref<2x1280x16xf32, #tpu.memory_space<vmem>> -> memref<1x128x16xf32, #tpu.memory_space<vmem>>
    %dma_start3A_153 = tpu.memref_squeeze %dma_start3A_152 : memref<1x128x16xf32, #tpu.memory_space<vmem>> -> memref<128x16xf32, #tpu.memory_space<vmem>>
    %dma_start3A_154 = arith.constant 1024 : i32
    %dma_start3A_155 = tpu.memref_slice %arg6[%dma_start3A_148, %dma_start3A_154] : memref<2x1280xi32, #tpu.memory_space<vmem>> -> memref<1x128xi32, #tpu.memory_space<vmem>>
    %dma_start3A_156 = tpu.memref_squeeze %dma_start3A_155 : memref<1x128xi32, #tpu.memory_space<vmem>> -> memref<128xi32, #tpu.memory_space<vmem>>
    %dma_start3A_157 = arith.constant 0 : i32
    %dma_start3A_158 = arith.constant 0 : i32
    %dma_start3A_159 = tpu.memref_slice %arg4[%dma_start3A_157, %dma_start3A_158] : memref<1000000x16xf32, #tpu.memory_space<hbm>> -> memref<1000000x16xf32, #tpu.memory_space<hbm>>
    tpu.enqueue_indirect_dma source(%dma_start3A_159 : memref<1000000x16xf32, #tpu.memory_space<hbm>>) target(%dma_start3A_153 : memref<128x16xf32, #tpu.memory_space<vmem>>) offsets(%dma_start3A_156 : memref<128xi32, #tpu.memory_space<vmem>>) semaphore(%arg10 : memref<!tpu.dma_semaphore, #tpu.memory_space<semaphore_mem>>)
    %dma_start3A_160 = arith.constant 0 : i32
    %dma_start3A_161 = arith.constant 0 : i32
    %dma_start3A_162 = arith.constant 1152 : i32
    %dma_start3A_163 = arith.constant 0 : i32
    %dma_start3A_164 = tpu.memref_slice %arg7[%dma_start3A_161, %dma_start3A_162, %dma_start3A_163] : memref<2x1280x16xf32, #tpu.memory_space<vmem>> -> memref<1x128x16xf32, #tpu.memory_space<vmem>>
    %dma_start3A_165 = tpu.memref_squeeze %dma_start3A_164 : memref<1x128x16xf32, #tpu.memory_space<vmem>> -> memref<128x16xf32, #tpu.memory_space<vmem>>
    %dma_start3A_166 = arith.constant 1152 : i32
    %dma_start3A_167 = tpu.memref_slice %arg6[%dma_start3A_160, %dma_start3A_166] : memref<2x1280xi32, #tpu.memory_space<vmem>> -> memref<1x128xi32, #tpu.memory_space<vmem>>
    %dma_start3A_168 = tpu.memref_squeeze %dma_start3A_167 : memref<1x128xi32, #tpu.memory_space<vmem>> -> memref<128xi32, #tpu.memory_space<vmem>>
    %dma_start3A_169 = arith.constant 0 : i32
    %dma_start3A_170 = arith.constant 0 : i32
    %dma_start3A_171 = tpu.memref_slice %arg4[%dma_start3A_169, %dma_start3A_170] : memref<1000000x16xf32, #tpu.memory_space<hbm>> -> memref<1000000x16xf32, #tpu.memory_space<hbm>>
    tpu.enqueue_indirect_dma source(%dma_start3A_171 : memref<1000000x16xf32, #tpu.memory_space<hbm>>) target(%dma_start3A_165 : memref<128x16xf32, #tpu.memory_space<vmem>>) offsets(%dma_start3A_168 : memref<128xi32, #tpu.memory_space<vmem>>) semaphore(%arg10 : memref<!tpu.dma_semaphore, #tpu.memory_space<semaphore_mem>>)
    %dma_start3A_172 = arith.constant 0 : i32
    %dma_start3A_173 = arith.constant 0 : i32
    %dma_start3A_174 = arith.constant 0 : i32
    %dma_start3A_175 = arith.constant 0 : i32
    %dma_start3A_176 = arith.constant 0 : i32
    %dma_start3A_177 = arith.constant 0 : i32
    %dma_start3A_178 = tpu.memref_slice %arg8[%dma_start3A_173, %dma_start3A_174, %dma_start3A_175, %dma_start3A_176, %dma_start3A_177] : memref<2x2x10x8x128xf32, #tpu.memory_space<vmem>> -> memref<1x1x10x8x128xf32, #tpu.memory_space<vmem>>
    %dma_start3A_179 = tpu.memref_squeeze %dma_start3A_178 : memref<1x1x10x8x128xf32, #tpu.memory_space<vmem>> -> memref<10x8x128xf32, #tpu.memory_space<vmem>>
    %dma_start3A_180 = arith.constant 0 : i32
    %dma_start3A_181 = arith.constant 0 : i32
    %dma_start3A_182 = tpu.memref_slice %arg2[%dma_start3A_172, %select_n3A, %dma_start3A_180, %dma_start3A_181] : memref<2x25600x8x128xf32, #tpu.memory_space<hbm>> -> memref<1x10x8x128xf32, #tpu.memory_space<hbm>>
    %dma_start3A_183 = tpu.memref_squeeze %dma_start3A_182 : memref<1x10x8x128xf32, #tpu.memory_space<hbm>> -> memref<10x8x128xf32, #tpu.memory_space<hbm>>
    %dma_start3A_184 = arith.constant 0 : i32
    %dma_start3A_185 = arith.constant 0 : i32
    %dma_start3A_186 = arith.constant 0 : i32
    %dma_start3A_187 = tpu.memref_slice %arg8[%dma_start3A_173, %dma_start3A_174, %dma_start3A_184, %dma_start3A_185, %dma_start3A_186] : memref<2x2x10x8x128xf32, #tpu.memory_space<vmem>> -> memref<1x1x10x8x128xf32, #tpu.memory_space<vmem>>
    %dma_start3A_188 = tpu.memref_squeeze %dma_start3A_187 : memref<1x1x10x8x128xf32, #tpu.memory_space<vmem>> -> memref<10x8x128xf32, #tpu.memory_space<vmem>>
    %dma_start3A_189 = arith.constant 0 : i32
    %dma_start3A_190 = arith.constant 0 : i32
    %dma_start3A_191 = tpu.memref_slice %arg2[%dma_start3A_172, %select_n3A, %dma_start3A_189, %dma_start3A_190] : memref<2x25600x8x128xf32, #tpu.memory_space<hbm>> -> memref<1x10x8x128xf32, #tpu.memory_space<hbm>>
    %dma_start3A_192 = tpu.memref_squeeze %dma_start3A_191 : memref<1x10x8x128xf32, #tpu.memory_space<hbm>> -> memref<10x8x128xf32, #tpu.memory_space<hbm>>
    tpu.enqueue_dma source(%dma_start3A_192 : memref<10x8x128xf32, #tpu.memory_space<hbm>>) target(%dma_start3A_188 : memref<10x8x128xf32, #tpu.memory_space<vmem>>) target_semaphore(%arg11 : memref<!tpu.dma_semaphore, #tpu.memory_space<semaphore_mem>>)
    %dma_start3A_193 = arith.constant 1 : i32
    %dma_start3A_194 = arith.constant 0 : i32
    %dma_start3A_195 = arith.constant 1 : i32
    %dma_start3A_196 = arith.constant 0 : i32
    %dma_start3A_197 = arith.constant 0 : i32
    %dma_start3A_198 = arith.constant 0 : i32
    %dma_start3A_199 = tpu.memref_slice %arg8[%dma_start3A_194, %dma_start3A_195, %dma_start3A_196, %dma_start3A_197, %dma_start3A_198] : memref<2x2x10x8x128xf32, #tpu.memory_space<vmem>> -> memref<1x1x10x8x128xf32, #tpu.memory_space<vmem>>
    %dma_start3A_200 = tpu.memref_squeeze %dma_start3A_199 : memref<1x1x10x8x128xf32, #tpu.memory_space<vmem>> -> memref<10x8x128xf32, #tpu.memory_space<vmem>>
    %dma_start3A_201 = arith.constant 0 : i32
    %dma_start3A_202 = arith.constant 0 : i32
    %dma_start3A_203 = tpu.memref_slice %arg2[%dma_start3A_193, %select_n3A, %dma_start3A_201, %dma_start3A_202] : memref<2x25600x8x128xf32, #tpu.memory_space<hbm>> -> memref<1x10x8x128xf32, #tpu.memory_space<hbm>>
    %dma_start3A_204 = tpu.memref_squeeze %dma_start3A_203 : memref<1x10x8x128xf32, #tpu.memory_space<hbm>> -> memref<10x8x128xf32, #tpu.memory_space<hbm>>
    %dma_start3A_205 = arith.constant 0 : i32
    %dma_start3A_206 = arith.constant 0 : i32
    %dma_start3A_207 = arith.constant 0 : i32
    %dma_start3A_208 = tpu.memref_slice %arg8[%dma_start3A_194, %dma_start3A_195, %dma_start3A_205, %dma_start3A_206, %dma_start3A_207] : memref<2x2x10x8x128xf32, #tpu.memory_space<vmem>> -> memref<1x1x10x8x128xf32, #tpu.memory_space<vmem>>
    %dma_start3A_209 = tpu.memref_squeeze %dma_start3A_208 : memref<1x1x10x8x128xf32, #tpu.memory_space<vmem>> -> memref<10x8x128xf32, #tpu.memory_space<vmem>>
    %dma_start3A_210 = arith.constant 0 : i32
    %dma_start3A_211 = arith.constant 0 : i32
    %dma_start3A_212 = tpu.memref_slice %arg2[%dma_start3A_193, %select_n3A, %dma_start3A_210, %dma_start3A_211] : memref<2x25600x8x128xf32, #tpu.memory_space<hbm>> -> memref<1x10x8x128xf32, #tpu.memory_space<hbm>>
    %dma_start3A_213 = tpu.memref_squeeze %dma_start3A_212 : memref<1x10x8x128xf32, #tpu.memory_space<hbm>> -> memref<10x8x128xf32, #tpu.memory_space<hbm>>
    tpu.enqueue_dma source(%dma_start3A_213 : memref<10x8x128xf32, #tpu.memory_space<hbm>>) target(%dma_start3A_209 : memref<10x8x128xf32, #tpu.memory_space<vmem>>) target_semaphore(%arg11 : memref<!tpu.dma_semaphore, #tpu.memory_space<semaphore_mem>>)
    %scan3A = arith.constant 0 : i32
    %scan3A_214 = arith.constant 40 : i32
    %scan3A_215 = arith.addi %scan3A, %scan3A_214 : i32
    %scan3A_216 = arith.constant 1 : i32
    scf.for %scan3A_240 = %scan3A to %scan3A_215 step %scan3A_216  : i32 {
      %mul3A_241 = arith.constant 2 : i32
      %mul3A_242 = arith.muli %scan3A_240, %mul3A_241 : i32
      %add3A_243 = arith.constant 0 : i32
      %add3A_244 = arith.addi %add3A_243, %mul3A_242 : i32
      %add3A_245 = arith.constant 0 : i32
      %add3A_246 = arith.addi %add3A_244, %add3A_245 : i32
      %add3A_247 = arith.constant 1 : i32
      %add3A_248 = arith.addi %add3A_246, %add3A_247 : i32
      %lt3A = arith.constant 80 : i32
      %lt3A_249 = arith.cmpi slt, %add3A_248, %lt3A : i32
      %convert_element_type3A = arith.extui %lt3A_249 : i1 to i32
      %cond3A = arith.constant 0 : i32
      %cond3A_250 = arith.cmpi ne, %convert_element_type3A, %cond3A : i32
      scf.if %cond3A_250 {
        %dma_wait3A_389 = arith.constant 1 : i32
        %dma_wait3A_390 = arith.constant 0 : i32
        %dma_wait3A_391 = tpu.memref_slice %arg6[%dma_wait3A_389, %dma_wait3A_390] : memref<2x1280xi32, #tpu.memory_space<vmem>> -> memref<1x1280xi32, #tpu.memory_space<vmem>>
        %dma_wait3A_392 = tpu.memref_squeeze %dma_wait3A_391 : memref<1x1280xi32, #tpu.memory_space<vmem>> -> memref<1280xi32, #tpu.memory_space<vmem>>
        %dma_wait3A_393 = arith.constant 0 : i32
        %dma_wait3A_394 = tpu.memref_slice %arg3[%dma_wait3A_393] : memref<3276800xi32, #tpu.memory_space<hbm>> -> memref<1280xi32, #tpu.memory_space<hbm>>
        %dma_wait3A_395 = arith.constant 0 : i32
        %dma_wait3A_396 = tpu.memref_slice %arg6[%dma_wait3A_389, %dma_wait3A_395] : memref<2x1280xi32, #tpu.memory_space<vmem>> -> memref<1x1280xi32, #tpu.memory_space<vmem>>
        %dma_wait3A_397 = tpu.memref_squeeze %dma_wait3A_396 : memref<1x1280xi32, #tpu.memory_space<vmem>> -> memref<1280xi32, #tpu.memory_space<vmem>>
        %dma_wait3A_398 = arith.constant 0 : i32
        %dma_wait3A_399 = tpu.memref_slice %arg3[%dma_wait3A_398] : memref<3276800xi32, #tpu.memory_space<hbm>> -> memref<1280xi32, #tpu.memory_space<hbm>>
        tpu.wait_dma2 semaphore(%arg12 : memref<!tpu.dma_semaphore, #tpu.memory_space<semaphore_mem>>) src(%dma_wait3A_399 : memref<1280xi32, #tpu.memory_space<hbm>>) dst(%dma_wait3A_397 : memref<1280xi32, #tpu.memory_space<vmem>>)
        %add3A_400 = arith.constant 1 : i32
        %add3A_401 = arith.addi %add3A_246, %add3A_400 : i32
        %mul3A_402 = arith.constant 1280 : i32
        %mul3A_403 = arith.muli %add3A_401, %mul3A_402 : i32
        %add3A_404 = arith.addi %mul3A_2, %mul3A_403 : i32
        %jit3A_405 = arith.constant 128 : i32
        %div3A_406 = arith.divsi %add3A_404, %jit3A_405 : i32
        %sign3A_407 = arith.constant 0 : i32
        %sign3A_408 = arith.cmpi sgt, %add3A_404, %sign3A_407 : i32
        %sign3A_409 = arith.extui %sign3A_408 : i1 to i32
        %sign3A_410 = arith.constant 0 : i32
        %sign3A_411 = arith.cmpi slt, %add3A_404, %sign3A_410 : i32
        %sign3A_412 = arith.extui %sign3A_411 : i1 to i32
        %sign3A_413 = arith.subi %sign3A_409, %sign3A_412 : i32
        %sign3A_414 = arith.constant 0 : i32
        %sign3A_415 = arith.cmpi sgt, %jit3A_405, %sign3A_414 : i32
        %sign3A_416 = arith.extui %sign3A_415 : i1 to i32
        %sign3A_417 = arith.constant 0 : i32
        %sign3A_418 = arith.cmpi slt, %jit3A_405, %sign3A_417 : i32
        %sign3A_419 = arith.extui %sign3A_418 : i1 to i32
        %sign3A_420 = arith.subi %sign3A_416, %sign3A_419 : i32
        %ne3A_421 = arith.cmpi ne, %sign3A_413, %sign3A_420 : i32
        %rem3A_422 = arith.remsi %add3A_404, %jit3A_405 : i32
        %ne3A_423 = arith.constant 0 : i32
        %ne3A_424 = arith.cmpi ne, %rem3A_422, %ne3A_423 : i32
        %and3A_425 = arith.andi %ne3A_421, %ne3A_424 : i1
        %sub3A_426 = arith.constant 1 : i32
        %sub3A_427 = arith.subi %div3A_406, %sub3A_426 : i32
        %select_n3A_428 = arith.select %and3A_425, %sub3A_427, %div3A_406 : i32
        %dma_start3A_429 = arith.constant 1 : i32
        %dma_start3A_430 = arith.constant 1 : i32
        %dma_start3A_431 = arith.constant 0 : i32
        %dma_start3A_432 = arith.constant 0 : i32
        %dma_start3A_433 = tpu.memref_slice %arg7[%dma_start3A_430, %dma_start3A_431, %dma_start3A_432] : memref<2x1280x16xf32, #tpu.memory_space<vmem>> -> memref<1x128x16xf32, #tpu.memory_space<vmem>>
        %dma_start3A_434 = tpu.memref_squeeze %dma_start3A_433 : memref<1x128x16xf32, #tpu.memory_space<vmem>> -> memref<128x16xf32, #tpu.memory_space<vmem>>
        %dma_start3A_435 = arith.constant 0 : i32
        %dma_start3A_436 = tpu.memref_slice %arg6[%dma_start3A_429, %dma_start3A_435] : memref<2x1280xi32, #tpu.memory_space<vmem>> -> memref<1x128xi32, #tpu.memory_space<vmem>>
        %dma_start3A_437 = tpu.memref_squeeze %dma_start3A_436 : memref<1x128xi32, #tpu.memory_space<vmem>> -> memref<128xi32, #tpu.memory_space<vmem>>
        %dma_start3A_438 = arith.constant 0 : i32
        %dma_start3A_439 = arith.constant 0 : i32
        %dma_start3A_440 = tpu.memref_slice %arg4[%dma_start3A_438, %dma_start3A_439] : memref<1000000x16xf32, #tpu.memory_space<hbm>> -> memref<1000000x16xf32, #tpu.memory_space<hbm>>
        tpu.enqueue_indirect_dma source(%dma_start3A_440 : memref<1000000x16xf32, #tpu.memory_space<hbm>>) target(%dma_start3A_434 : memref<128x16xf32, #tpu.memory_space<vmem>>) offsets(%dma_start3A_437 : memref<128xi32, #tpu.memory_space<vmem>>) semaphore(%arg10 : memref<!tpu.dma_semaphore, #tpu.memory_space<semaphore_mem>>)
        %dma_start3A_441 = arith.constant 1 : i32
        %dma_start3A_442 = arith.constant 1 : i32
        %dma_start3A_443 = arith.constant 128 : i32
        %dma_start3A_444 = arith.constant 0 : i32
        %dma_start3A_445 = tpu.memref_slice %arg7[%dma_start3A_442, %dma_start3A_443, %dma_start3A_444] : memref<2x1280x16xf32, #tpu.memory_space<vmem>> -> memref<1x128x16xf32, #tpu.memory_space<vmem>>
        %dma_start3A_446 = tpu.memref_squeeze %dma_start3A_445 : memref<1x128x16xf32, #tpu.memory_space<vmem>> -> memref<128x16xf32, #tpu.memory_space<vmem>>
        %dma_start3A_447 = arith.constant 128 : i32
        %dma_start3A_448 = tpu.memref_slice %arg6[%dma_start3A_441, %dma_start3A_447] : memref<2x1280xi32, #tpu.memory_space<vmem>> -> memref<1x128xi32, #tpu.memory_space<vmem>>
        %dma_start3A_449 = tpu.memref_squeeze %dma_start3A_448 : memref<1x128xi32, #tpu.memory_space<vmem>> -> memref<128xi32, #tpu.memory_space<vmem>>
        %dma_start3A_450 = arith.constant 0 : i32
        %dma_start3A_451 = arith.constant 0 : i32
        %dma_start3A_452 = tpu.memref_slice %arg4[%dma_start3A_450, %dma_start3A_451] : memref<1000000x16xf32, #tpu.memory_space<hbm>> -> memref<1000000x16xf32, #tpu.memory_space<hbm>>
        tpu.enqueue_indirect_dma source(%dma_start3A_452 : memref<1000000x16xf32, #tpu.memory_space<hbm>>) target(%dma_start3A_446 : memref<128x16xf32, #tpu.memory_space<vmem>>) offsets(%dma_start3A_449 : memref<128xi32, #tpu.memory_space<vmem>>) semaphore(%arg10 : memref<!tpu.dma_semaphore, #tpu.memory_space<semaphore_mem>>)
        %dma_start3A_453 = arith.constant 1 : i32
        %dma_start3A_454 = arith.constant 1 : i32
        %dma_start3A_455 = arith.constant 256 : i32
        %dma_start3A_456 = arith.constant 0 : i32
        %dma_start3A_457 = tpu.memref_slice %arg7[%dma_start3A_454, %dma_start3A_455, %dma_start3A_456] : memref<2x1280x16xf32, #tpu.memory_space<vmem>> -> memref<1x128x16xf32, #tpu.memory_space<vmem>>
        %dma_start3A_458 = tpu.memref_squeeze %dma_start3A_457 : memref<1x128x16xf32, #tpu.memory_space<vmem>> -> memref<128x16xf32, #tpu.memory_space<vmem>>
        %dma_start3A_459 = arith.constant 256 : i32
        %dma_start3A_460 = tpu.memref_slice %arg6[%dma_start3A_453, %dma_start3A_459] : memref<2x1280xi32, #tpu.memory_space<vmem>> -> memref<1x128xi32, #tpu.memory_space<vmem>>
        %dma_start3A_461 = tpu.memref_squeeze %dma_start3A_460 : memref<1x128xi32, #tpu.memory_space<vmem>> -> memref<128xi32, #tpu.memory_space<vmem>>
        %dma_start3A_462 = arith.constant 0 : i32
        %dma_start3A_463 = arith.constant 0 : i32
        %dma_start3A_464 = tpu.memref_slice %arg4[%dma_start3A_462, %dma_start3A_463] : memref<1000000x16xf32, #tpu.memory_space<hbm>> -> memref<1000000x16xf32, #tpu.memory_space<hbm>>
        tpu.enqueue_indirect_dma source(%dma_start3A_464 : memref<1000000x16xf32, #tpu.memory_space<hbm>>) target(%dma_start3A_458 : memref<128x16xf32, #tpu.memory_space<vmem>>) offsets(%dma_start3A_461 : memref<128xi32, #tpu.memory_space<vmem>>) semaphore(%arg10 : memref<!tpu.dma_semaphore, #tpu.memory_space<semaphore_mem>>)
        %dma_start3A_465 = arith.constant 1 : i32
        %dma_start3A_466 = arith.constant 1 : i32
        %dma_start3A_467 = arith.constant 384 : i32
        %dma_start3A_468 = arith.constant 0 : i32
        %dma_start3A_469 = tpu.memref_slice %arg7[%dma_start3A_466, %dma_start3A_467, %dma_start3A_468] : memref<2x1280x16xf32, #tpu.memory_space<vmem>> -> memref<1x128x16xf32, #tpu.memory_space<vmem>>
        %dma_start3A_470 = tpu.memref_squeeze %dma_start3A_469 : memref<1x128x16xf32, #tpu.memory_space<vmem>> -> memref<128x16xf32, #tpu.memory_space<vmem>>
        %dma_start3A_471 = arith.constant 384 : i32
        %dma_start3A_472 = tpu.memref_slice %arg6[%dma_start3A_465, %dma_start3A_471] : memref<2x1280xi32, #tpu.memory_space<vmem>> -> memref<1x128xi32, #tpu.memory_space<vmem>>
        %dma_start3A_473 = tpu.memref_squeeze %dma_start3A_472 : memref<1x128xi32, #tpu.memory_space<vmem>> -> memref<128xi32, #tpu.memory_space<vmem>>
        %dma_start3A_474 = arith.constant 0 : i32
        %dma_start3A_475 = arith.constant 0 : i32
        %dma_start3A_476 = tpu.memref_slice %arg4[%dma_start3A_474, %dma_start3A_475] : memref<1000000x16xf32, #tpu.memory_space<hbm>> -> memref<1000000x16xf32, #tpu.memory_space<hbm>>
        tpu.enqueue_indirect_dma source(%dma_start3A_476 : memref<1000000x16xf32, #tpu.memory_space<hbm>>) target(%dma_start3A_470 : memref<128x16xf32, #tpu.memory_space<vmem>>) offsets(%dma_start3A_473 : memref<128xi32, #tpu.memory_space<vmem>>) semaphore(%arg10 : memref<!tpu.dma_semaphore, #tpu.memory_space<semaphore_mem>>)
        %dma_start3A_477 = arith.constant 1 : i32
        %dma_start3A_478 = arith.constant 1 : i32
        %dma_start3A_479 = arith.constant 512 : i32
        %dma_start3A_480 = arith.constant 0 : i32
        %dma_start3A_481 = tpu.memref_slice %arg7[%dma_start3A_478, %dma_start3A_479, %dma_start3A_480] : memref<2x1280x16xf32, #tpu.memory_space<vmem>> -> memref<1x128x16xf32, #tpu.memory_space<vmem>>
        %dma_start3A_482 = tpu.memref_squeeze %dma_start3A_481 : memref<1x128x16xf32, #tpu.memory_space<vmem>> -> memref<128x16xf32, #tpu.memory_space<vmem>>
        %dma_start3A_483 = arith.constant 512 : i32
        %dma_start3A_484 = tpu.memref_slice %arg6[%dma_start3A_477, %dma_start3A_483] : memref<2x1280xi32, #tpu.memory_space<vmem>> -> memref<1x128xi32, #tpu.memory_space<vmem>>
        %dma_start3A_485 = tpu.memref_squeeze %dma_start3A_484 : memref<1x128xi32, #tpu.memory_space<vmem>> -> memref<128xi32, #tpu.memory_space<vmem>>
        %dma_start3A_486 = arith.constant 0 : i32
        %dma_start3A_487 = arith.constant 0 : i32
        %dma_start3A_488 = tpu.memref_slice %arg4[%dma_start3A_486, %dma_start3A_487] : memref<1000000x16xf32, #tpu.memory_space<hbm>> -> memref<1000000x16xf32, #tpu.memory_space<hbm>>
        tpu.enqueue_indirect_dma source(%dma_start3A_488 : memref<1000000x16xf32, #tpu.memory_space<hbm>>) target(%dma_start3A_482 : memref<128x16xf32, #tpu.memory_space<vmem>>) offsets(%dma_start3A_485 : memref<128xi32, #tpu.memory_space<vmem>>) semaphore(%arg10 : memref<!tpu.dma_semaphore, #tpu.memory_space<semaphore_mem>>)
        %dma_start3A_489 = arith.constant 1 : i32
        %dma_start3A_490 = arith.constant 1 : i32
        %dma_start3A_491 = arith.constant 640 : i32
        %dma_start3A_492 = arith.constant 0 : i32
        %dma_start3A_493 = tpu.memref_slice %arg7[%dma_start3A_490, %dma_start3A_491, %dma_start3A_492] : memref<2x1280x16xf32, #tpu.memory_space<vmem>> -> memref<1x128x16xf32, #tpu.memory_space<vmem>>
        %dma_start3A_494 = tpu.memref_squeeze %dma_start3A_493 : memref<1x128x16xf32, #tpu.memory_space<vmem>> -> memref<128x16xf32, #tpu.memory_space<vmem>>
        %dma_start3A_495 = arith.constant 640 : i32
        %dma_start3A_496 = tpu.memref_slice %arg6[%dma_start3A_489, %dma_start3A_495] : memref<2x1280xi32, #tpu.memory_space<vmem>> -> memref<1x128xi32, #tpu.memory_space<vmem>>
        %dma_start3A_497 = tpu.memref_squeeze %dma_start3A_496 : memref<1x128xi32, #tpu.memory_space<vmem>> -> memref<128xi32, #tpu.memory_space<vmem>>
        %dma_start3A_498 = arith.constant 0 : i32
        %dma_start3A_499 = arith.constant 0 : i32
        %dma_start3A_500 = tpu.memref_slice %arg4[%dma_start3A_498, %dma_start3A_499] : memref<1000000x16xf32, #tpu.memory_space<hbm>> -> memref<1000000x16xf32, #tpu.memory_space<hbm>>
        tpu.enqueue_indirect_dma source(%dma_start3A_500 : memref<1000000x16xf32, #tpu.memory_space<hbm>>) target(%dma_start3A_494 : memref<128x16xf32, #tpu.memory_space<vmem>>) offsets(%dma_start3A_497 : memref<128xi32, #tpu.memory_space<vmem>>) semaphore(%arg10 : memref<!tpu.dma_semaphore, #tpu.memory_space<semaphore_mem>>)
        %dma_start3A_501 = arith.constant 1 : i32
        %dma_start3A_502 = arith.constant 1 : i32
        %dma_start3A_503 = arith.constant 768 : i32
        %dma_start3A_504 = arith.constant 0 : i32
        %dma_start3A_505 = tpu.memref_slice %arg7[%dma_start3A_502, %dma_start3A_503, %dma_start3A_504] : memref<2x1280x16xf32, #tpu.memory_space<vmem>> -> memref<1x128x16xf32, #tpu.memory_space<vmem>>
        %dma_start3A_506 = tpu.memref_squeeze %dma_start3A_505 : memref<1x128x16xf32, #tpu.memory_space<vmem>> -> memref<128x16xf32, #tpu.memory_space<vmem>>
        %dma_start3A_507 = arith.constant 768 : i32
        %dma_start3A_508 = tpu.memref_slice %arg6[%dma_start3A_501, %dma_start3A_507] : memref<2x1280xi32, #tpu.memory_space<vmem>> -> memref<1x128xi32, #tpu.memory_space<vmem>>
        %dma_start3A_509 = tpu.memref_squeeze %dma_start3A_508 : memref<1x128xi32, #tpu.memory_space<vmem>> -> memref<128xi32, #tpu.memory_space<vmem>>
        %dma_start3A_510 = arith.constant 0 : i32
        %dma_start3A_511 = arith.constant 0 : i32
        %dma_start3A_512 = tpu.memref_slice %arg4[%dma_start3A_510, %dma_start3A_511] : memref<1000000x16xf32, #tpu.memory_space<hbm>> -> memref<1000000x16xf32, #tpu.memory_space<hbm>>
        tpu.enqueue_indirect_dma source(%dma_start3A_512 : memref<1000000x16xf32, #tpu.memory_space<hbm>>) target(%dma_start3A_506 : memref<128x16xf32, #tpu.memory_space<vmem>>) offsets(%dma_start3A_509 : memref<128xi32, #tpu.memory_space<vmem>>) semaphore(%arg10 : memref<!tpu.dma_semaphore, #tpu.memory_space<semaphore_mem>>)
        %dma_start3A_513 = arith.constant 1 : i32
        %dma_start3A_514 = arith.constant 1 : i32
        %dma_start3A_515 = arith.constant 896 : i32
        %dma_start3A_516 = arith.constant 0 : i32
        %dma_start3A_517 = tpu.memref_slice %arg7[%dma_start3A_514, %dma_start3A_515, %dma_start3A_516] : memref<2x1280x16xf32, #tpu.memory_space<vmem>> -> memref<1x128x16xf32, #tpu.memory_space<vmem>>
        %dma_start3A_518 = tpu.memref_squeeze %dma_start3A_517 : memref<1x128x16xf32, #tpu.memory_space<vmem>> -> memref<128x16xf32, #tpu.memory_space<vmem>>
        %dma_start3A_519 = arith.constant 896 : i32
        %dma_start3A_520 = tpu.memref_slice %arg6[%dma_start3A_513, %dma_start3A_519] : memref<2x1280xi32, #tpu.memory_space<vmem>> -> memref<1x128xi32, #tpu.memory_space<vmem>>
        %dma_start3A_521 = tpu.memref_squeeze %dma_start3A_520 : memref<1x128xi32, #tpu.memory_space<vmem>> -> memref<128xi32, #tpu.memory_space<vmem>>
        %dma_start3A_522 = arith.constant 0 : i32
        %dma_start3A_523 = arith.constant 0 : i32
        %dma_start3A_524 = tpu.memref_slice %arg4[%dma_start3A_522, %dma_start3A_523] : memref<1000000x16xf32, #tpu.memory_space<hbm>> -> memref<1000000x16xf32, #tpu.memory_space<hbm>>
        tpu.enqueue_indirect_dma source(%dma_start3A_524 : memref<1000000x16xf32, #tpu.memory_space<hbm>>) target(%dma_start3A_518 : memref<128x16xf32, #tpu.memory_space<vmem>>) offsets(%dma_start3A_521 : memref<128xi32, #tpu.memory_space<vmem>>) semaphore(%arg10 : memref<!tpu.dma_semaphore, #tpu.memory_space<semaphore_mem>>)
        %dma_start3A_525 = arith.constant 1 : i32
        %dma_start3A_526 = arith.constant 1 : i32
        %dma_start3A_527 = arith.constant 1024 : i32
        %dma_start3A_528 = arith.constant 0 : i32
        %dma_start3A_529 = tpu.memref_slice %arg7[%dma_start3A_526, %dma_start3A_527, %dma_start3A_528] : memref<2x1280x16xf32, #tpu.memory_space<vmem>> -> memref<1x128x16xf32, #tpu.memory_space<vmem>>
        %dma_start3A_530 = tpu.memref_squeeze %dma_start3A_529 : memref<1x128x16xf32, #tpu.memory_space<vmem>> -> memref<128x16xf32, #tpu.memory_space<vmem>>
        %dma_start3A_531 = arith.constant 1024 : i32
        %dma_start3A_532 = tpu.memref_slice %arg6[%dma_start3A_525, %dma_start3A_531] : memref<2x1280xi32, #tpu.memory_space<vmem>> -> memref<1x128xi32, #tpu.memory_space<vmem>>
        %dma_start3A_533 = tpu.memref_squeeze %dma_start3A_532 : memref<1x128xi32, #tpu.memory_space<vmem>> -> memref<128xi32, #tpu.memory_space<vmem>>
        %dma_start3A_534 = arith.constant 0 : i32
        %dma_start3A_535 = arith.constant 0 : i32
        %dma_start3A_536 = tpu.memref_slice %arg4[%dma_start3A_534, %dma_start3A_535] : memref<1000000x16xf32, #tpu.memory_space<hbm>> -> memref<1000000x16xf32, #tpu.memory_space<hbm>>
        tpu.enqueue_indirect_dma source(%dma_start3A_536 : memref<1000000x16xf32, #tpu.memory_space<hbm>>) target(%dma_start3A_530 : memref<128x16xf32, #tpu.memory_space<vmem>>) offsets(%dma_start3A_533 : memref<128xi32, #tpu.memory_space<vmem>>) semaphore(%arg10 : memref<!tpu.dma_semaphore, #tpu.memory_space<semaphore_mem>>)
        %dma_start3A_537 = arith.constant 1 : i32
        %dma_start3A_538 = arith.constant 1 : i32
        %dma_start3A_539 = arith.constant 1152 : i32
        %dma_start3A_540 = arith.constant 0 : i32
        %dma_start3A_541 = tpu.memref_slice %arg7[%dma_start3A_538, %dma_start3A_539, %dma_start3A_540] : memref<2x1280x16xf32, #tpu.memory_space<vmem>> -> memref<1x128x16xf32, #tpu.memory_space<vmem>>
        %dma_start3A_542 = tpu.memref_squeeze %dma_start3A_541 : memref<1x128x16xf32, #tpu.memory_space<vmem>> -> memref<128x16xf32, #tpu.memory_space<vmem>>
        %dma_start3A_543 = arith.constant 1152 : i32
        %dma_start3A_544 = tpu.memref_slice %arg6[%dma_start3A_537, %dma_start3A_543] : memref<2x1280xi32, #tpu.memory_space<vmem>> -> memref<1x128xi32, #tpu.memory_space<vmem>>
        %dma_start3A_545 = tpu.memref_squeeze %dma_start3A_544 : memref<1x128xi32, #tpu.memory_space<vmem>> -> memref<128xi32, #tpu.memory_space<vmem>>
        %dma_start3A_546 = arith.constant 0 : i32
        %dma_start3A_547 = arith.constant 0 : i32
        %dma_start3A_548 = tpu.memref_slice %arg4[%dma_start3A_546, %dma_start3A_547] : memref<1000000x16xf32, #tpu.memory_space<hbm>> -> memref<1000000x16xf32, #tpu.memory_space<hbm>>
        tpu.enqueue_indirect_dma source(%dma_start3A_548 : memref<1000000x16xf32, #tpu.memory_space<hbm>>) target(%dma_start3A_542 : memref<128x16xf32, #tpu.memory_space<vmem>>) offsets(%dma_start3A_545 : memref<128xi32, #tpu.memory_space<vmem>>) semaphore(%arg10 : memref<!tpu.dma_semaphore, #tpu.memory_space<semaphore_mem>>)
        %dma_start3A_549 = arith.constant 0 : i32
        %dma_start3A_550 = arith.constant 1 : i32
        %dma_start3A_551 = arith.constant 0 : i32
        %dma_start3A_552 = arith.constant 0 : i32
        %dma_start3A_553 = arith.constant 0 : i32
        %dma_start3A_554 = arith.constant 0 : i32
        %dma_start3A_555 = tpu.memref_slice %arg8[%dma_start3A_550, %dma_start3A_551, %dma_start3A_552, %dma_start3A_553, %dma_start3A_554] : memref<2x2x10x8x128xf32, #tpu.memory_space<vmem>> -> memref<1x1x10x8x128xf32, #tpu.memory_space<vmem>>
        %dma_start3A_556 = tpu.memref_squeeze %dma_start3A_555 : memref<1x1x10x8x128xf32, #tpu.memory_space<vmem>> -> memref<10x8x128xf32, #tpu.memory_space<vmem>>
        %dma_start3A_557 = arith.constant 0 : i32
        %dma_start3A_558 = arith.constant 0 : i32
        %dma_start3A_559 = tpu.memref_slice %arg2[%dma_start3A_549, %select_n3A_428, %dma_start3A_557, %dma_start3A_558] : memref<2x25600x8x128xf32, #tpu.memory_space<hbm>> -> memref<1x10x8x128xf32, #tpu.memory_space<hbm>>
        %dma_start3A_560 = tpu.memref_squeeze %dma_start3A_559 : memref<1x10x8x128xf32, #tpu.memory_space<hbm>> -> memref<10x8x128xf32, #tpu.memory_space<hbm>>
        %dma_start3A_561 = arith.constant 0 : i32
        %dma_start3A_562 = arith.constant 0 : i32
        %dma_start3A_563 = arith.constant 0 : i32
        %dma_start3A_564 = tpu.memref_slice %arg8[%dma_start3A_550, %dma_start3A_551, %dma_start3A_561, %dma_start3A_562, %dma_start3A_563] : memref<2x2x10x8x128xf32, #tpu.memory_space<vmem>> -> memref<1x1x10x8x128xf32, #tpu.memory_space<vmem>>
        %dma_start3A_565 = tpu.memref_squeeze %dma_start3A_564 : memref<1x1x10x8x128xf32, #tpu.memory_space<vmem>> -> memref<10x8x128xf32, #tpu.memory_space<vmem>>
        %dma_start3A_566 = arith.constant 0 : i32
        %dma_start3A_567 = arith.constant 0 : i32
        %dma_start3A_568 = tpu.memref_slice %arg2[%dma_start3A_549, %select_n3A_428, %dma_start3A_566, %dma_start3A_567] : memref<2x25600x8x128xf32, #tpu.memory_space<hbm>> -> memref<1x10x8x128xf32, #tpu.memory_space<hbm>>
        %dma_start3A_569 = tpu.memref_squeeze %dma_start3A_568 : memref<1x10x8x128xf32, #tpu.memory_space<hbm>> -> memref<10x8x128xf32, #tpu.memory_space<hbm>>
        tpu.enqueue_dma source(%dma_start3A_569 : memref<10x8x128xf32, #tpu.memory_space<hbm>>) target(%dma_start3A_565 : memref<10x8x128xf32, #tpu.memory_space<vmem>>) target_semaphore(%arg11 : memref<!tpu.dma_semaphore, #tpu.memory_space<semaphore_mem>>)
        %dma_start3A_570 = arith.constant 1 : i32
        %dma_start3A_571 = arith.constant 1 : i32
        %dma_start3A_572 = arith.constant 1 : i32
        %dma_start3A_573 = arith.constant 0 : i32
        %dma_start3A_574 = arith.constant 0 : i32
        %dma_start3A_575 = arith.constant 0 : i32
        %dma_start3A_576 = tpu.memref_slice %arg8[%dma_start3A_571, %dma_start3A_572, %dma_start3A_573, %dma_start3A_574, %dma_start3A_575] : memref<2x2x10x8x128xf32, #tpu.memory_space<vmem>> -> memref<1x1x10x8x128xf32, #tpu.memory_space<vmem>>
        %dma_start3A_577 = tpu.memref_squeeze %dma_start3A_576 : memref<1x1x10x8x128xf32, #tpu.memory_space<vmem>> -> memref<10x8x128xf32, #tpu.memory_space<vmem>>
        %dma_start3A_578 = arith.constant 0 : i32
        %dma_start3A_579 = arith.constant 0 : i32
        %dma_start3A_580 = tpu.memref_slice %arg2[%dma_start3A_570, %select_n3A_428, %dma_start3A_578, %dma_start3A_579] : memref<2x25600x8x128xf32, #tpu.memory_space<hbm>> -> memref<1x10x8x128xf32, #tpu.memory_space<hbm>>
        %dma_start3A_581 = tpu.memref_squeeze %dma_start3A_580 : memref<1x10x8x128xf32, #tpu.memory_space<hbm>> -> memref<10x8x128xf32, #tpu.memory_space<hbm>>
        %dma_start3A_582 = arith.constant 0 : i32
        %dma_start3A_583 = arith.constant 0 : i32
        %dma_start3A_584 = arith.constant 0 : i32
        %dma_start3A_585 = tpu.memref_slice %arg8[%dma_start3A_571, %dma_start3A_572, %dma_start3A_582, %dma_start3A_583, %dma_start3A_584] : memref<2x2x10x8x128xf32, #tpu.memory_space<vmem>> -> memref<1x1x10x8x128xf32, #tpu.memory_space<vmem>>
        %dma_start3A_586 = tpu.memref_squeeze %dma_start3A_585 : memref<1x1x10x8x128xf32, #tpu.memory_space<vmem>> -> memref<10x8x128xf32, #tpu.memory_space<vmem>>
        %dma_start3A_587 = arith.constant 0 : i32
        %dma_start3A_588 = arith.constant 0 : i32
        %dma_start3A_589 = tpu.memref_slice %arg2[%dma_start3A_570, %select_n3A_428, %dma_start3A_587, %dma_start3A_588] : memref<2x25600x8x128xf32, #tpu.memory_space<hbm>> -> memref<1x10x8x128xf32, #tpu.memory_space<hbm>>
        %dma_start3A_590 = tpu.memref_squeeze %dma_start3A_589 : memref<1x10x8x128xf32, #tpu.memory_space<hbm>> -> memref<10x8x128xf32, #tpu.memory_space<hbm>>
        tpu.enqueue_dma source(%dma_start3A_590 : memref<10x8x128xf32, #tpu.memory_space<hbm>>) target(%dma_start3A_586 : memref<10x8x128xf32, #tpu.memory_space<vmem>>) target_semaphore(%arg11 : memref<!tpu.dma_semaphore, #tpu.memory_space<semaphore_mem>>)
      } else {
      }
      %dma_wait3A_251 = arith.constant 0 : i32
      %dma_wait3A_252 = arith.constant 0 : i32
      %dma_wait3A_253 = arith.constant 0 : i32
      %dma_wait3A_254 = tpu.memref_slice %arg7[%dma_wait3A_251, %dma_wait3A_252, %dma_wait3A_253] : memref<2x1280x16xf32, #tpu.memory_space<vmem>> -> memref<1x1280x16xf32, #tpu.memory_space<vmem>>
      %dma_wait3A_255 = tpu.memref_squeeze %dma_wait3A_254 : memref<1x1280x16xf32, #tpu.memory_space<vmem>> -> memref<1280x16xf32, #tpu.memory_space<vmem>>
      %dma_wait3A_256 = arith.constant 0 : i32
      %dma_wait3A_257 = arith.constant 0 : i32
      %dma_wait3A_258 = tpu.memref_slice %arg4[%dma_wait3A_256, %dma_wait3A_257] : memref<1000000x16xf32, #tpu.memory_space<hbm>> -> memref<1280x16xf32, #tpu.memory_space<hbm>>
      %dma_wait3A_259 = arith.constant 0 : i32
      %dma_wait3A_260 = arith.constant 0 : i32
      %dma_wait3A_261 = tpu.memref_slice %arg7[%dma_wait3A_251, %dma_wait3A_259, %dma_wait3A_260] : memref<2x1280x16xf32, #tpu.memory_space<vmem>> -> memref<1x1280x16xf32, #tpu.memory_space<vmem>>
      %dma_wait3A_262 = tpu.memref_squeeze %dma_wait3A_261 : memref<1x1280x16xf32, #tpu.memory_space<vmem>> -> memref<1280x16xf32, #tpu.memory_space<vmem>>
      %dma_wait3A_263 = arith.constant 0 : i32
      %dma_wait3A_264 = arith.constant 0 : i32
      %dma_wait3A_265 = tpu.memref_slice %arg4[%dma_wait3A_263, %dma_wait3A_264] : memref<1000000x16xf32, #tpu.memory_space<hbm>> -> memref<1280x16xf32, #tpu.memory_space<hbm>>
      tpu.wait_dma2 semaphore(%arg10 : memref<!tpu.dma_semaphore, #tpu.memory_space<semaphore_mem>>) src(%dma_wait3A_265 : memref<1280x16xf32, #tpu.memory_space<hbm>>) dst(%dma_wait3A_262 : memref<1280x16xf32, #tpu.memory_space<vmem>>)
      %dma_wait3A_266 = arith.constant 0 : i32
      %dma_wait3A_267 = arith.constant 0 : i32
      %dma_wait3A_268 = arith.constant 0 : i32
      %dma_wait3A_269 = arith.constant 0 : i32
      %dma_wait3A_270 = arith.constant 0 : i32
      %dma_wait3A_271 = tpu.memref_slice %arg8[%dma_wait3A_266, %dma_wait3A_267, %dma_wait3A_268, %dma_wait3A_269, %dma_wait3A_270] : memref<2x2x10x8x128xf32, #tpu.memory_space<vmem>> -> memref<1x2x10x8x128xf32, #tpu.memory_space<vmem>>
      %dma_wait3A_272 = tpu.memref_squeeze %dma_wait3A_271 : memref<1x2x10x8x128xf32, #tpu.memory_space<vmem>> -> memref<2x10x8x128xf32, #tpu.memory_space<vmem>>
      %dma_wait3A_273 = arith.constant 0 : i32
      %dma_wait3A_274 = arith.constant 0 : i32
      %dma_wait3A_275 = arith.constant 0 : i32
      %dma_wait3A_276 = arith.constant 0 : i32
      %dma_wait3A_277 = tpu.memref_slice %arg2[%dma_wait3A_273, %dma_wait3A_274, %dma_wait3A_275, %dma_wait3A_276] : memref<2x25600x8x128xf32, #tpu.memory_space<hbm>> -> memref<2x10x8x128xf32, #tpu.memory_space<hbm>>
      %dma_wait3A_278 = arith.constant 0 : i32
      %dma_wait3A_279 = arith.constant 0 : i32
      %dma_wait3A_280 = arith.constant 0 : i32
      %dma_wait3A_281 = arith.constant 0 : i32
      %dma_wait3A_282 = tpu.memref_slice %arg8[%dma_wait3A_266, %dma_wait3A_278, %dma_wait3A_279, %dma_wait3A_280, %dma_wait3A_281] : memref<2x2x10x8x128xf32, #tpu.memory_space<vmem>> -> memref<1x2x10x8x128xf32, #tpu.memory_space<vmem>>
      %dma_wait3A_283 = tpu.memref_squeeze %dma_wait3A_282 : memref<1x2x10x8x128xf32, #tpu.memory_space<vmem>> -> memref<2x10x8x128xf32, #tpu.memory_space<vmem>>
      %dma_wait3A_284 = arith.constant 0 : i32
      %dma_wait3A_285 = arith.constant 0 : i32
      %dma_wait3A_286 = arith.constant 0 : i32
      %dma_wait3A_287 = arith.constant 0 : i32
      %dma_wait3A_288 = tpu.memref_slice %arg2[%dma_wait3A_284, %dma_wait3A_285, %dma_wait3A_286, %dma_wait3A_287] : memref<2x25600x8x128xf32, #tpu.memory_space<hbm>> -> memref<2x10x8x128xf32, #tpu.memory_space<hbm>>
      tpu.wait_dma2 semaphore(%arg11 : memref<!tpu.dma_semaphore, #tpu.memory_space<semaphore_mem>>) src(%dma_wait3A_288 : memref<2x10x8x128xf32, #tpu.memory_space<hbm>>) dst(%dma_wait3A_283 : memref<2x10x8x128xf32, #tpu.memory_space<vmem>>)
      %add3A_289 = arith.constant 2 : i32
      %add3A_290 = arith.addi %add3A_246, %add3A_289 : i32
      %lt3A_291 = arith.constant 80 : i32
      %lt3A_292 = arith.cmpi slt, %add3A_290, %lt3A_291 : i32
      %convert_element_type3A_293 = arith.extui %lt3A_292 : i1 to i32
      %cond3A_294 = arith.constant 0 : i32
      %cond3A_295 = arith.cmpi ne, %convert_element_type3A_293, %cond3A_294 : i32
      scf.if %cond3A_295 {
        %add3A_389 = arith.constant 2 : i32
        %add3A_390 = arith.addi %add3A_246, %add3A_389 : i32
        %mul3A_391 = arith.constant 1280 : i32
        %mul3A_392 = arith.muli %add3A_390, %mul3A_391 : i32
        %add3A_393 = arith.addi %mul3A_2, %mul3A_392 : i32
        %dma_start3A_394 = arith.constant 0 : i32
        %dma_start3A_395 = arith.constant 0 : i32
        %dma_start3A_396 = tpu.memref_slice %arg6[%dma_start3A_394, %dma_start3A_395] : memref<2x1280xi32, #tpu.memory_space<vmem>> -> memref<1x1280xi32, #tpu.memory_space<vmem>>
        %dma_start3A_397 = tpu.memref_squeeze %dma_start3A_396 : memref<1x1280xi32, #tpu.memory_space<vmem>> -> memref<1280xi32, #tpu.memory_space<vmem>>
        %dma_start3A_398 = tpu.memref_slice %arg3[%add3A_393] : memref<3276800xi32, #tpu.memory_space<hbm>> -> memref<1280xi32, #tpu.memory_space<hbm>>
        %dma_start3A_399 = arith.constant 0 : i32
        %dma_start3A_400 = tpu.memref_slice %arg6[%dma_start3A_394, %dma_start3A_399] : memref<2x1280xi32, #tpu.memory_space<vmem>> -> memref<1x1280xi32, #tpu.memory_space<vmem>>
        %dma_start3A_401 = tpu.memref_squeeze %dma_start3A_400 : memref<1x1280xi32, #tpu.memory_space<vmem>> -> memref<1280xi32, #tpu.memory_space<vmem>>
        %dma_start3A_402 = tpu.memref_slice %arg3[%add3A_393] : memref<3276800xi32, #tpu.memory_space<hbm>> -> memref<1280xi32, #tpu.memory_space<hbm>>
        tpu.enqueue_dma source(%dma_start3A_402 : memref<1280xi32, #tpu.memory_space<hbm>>) target(%dma_start3A_401 : memref<1280xi32, #tpu.memory_space<vmem>>) target_semaphore(%arg12 : memref<!tpu.dma_semaphore, #tpu.memory_space<semaphore_mem>>)
      } else {
      }
      %ge3A = arith.constant 2 : i32
      %ge3A_296 = arith.cmpi sge, %add3A_246, %ge3A : i32
      %convert_element_type3A_297 = arith.extui %ge3A_296 : i1 to i32
      %cond3A_298 = arith.constant 0 : i32
      %cond3A_299 = arith.cmpi ne, %convert_element_type3A_297, %cond3A_298 : i32
      scf.if %cond3A_299 {
        %dma_wait3A_389 = arith.constant 0 : i32
        %dma_wait3A_390 = arith.constant 0 : i32
        %dma_wait3A_391 = tpu.memref_slice %arg9[%dma_wait3A_389, %dma_wait3A_390] : memref<2x1280xf32, #tpu.memory_space<vmem>> -> memref<1x1280xf32, #tpu.memory_space<vmem>>
        %dma_wait3A_392 = tpu.memref_squeeze %dma_wait3A_391 : memref<1x1280xf32, #tpu.memory_space<vmem>> -> memref<1280xf32, #tpu.memory_space<vmem>>
        %dma_wait3A_393 = arith.constant 0 : i32
        %dma_wait3A_394 = tpu.memref_slice %arg5[%dma_wait3A_393] : memref<3276800xf32, #tpu.memory_space<hbm>> -> memref<1280xf32, #tpu.memory_space<hbm>>
        %dma_wait3A_395 = arith.constant 0 : i32
        %dma_wait3A_396 = tpu.memref_slice %arg5[%dma_wait3A_395] : memref<3276800xf32, #tpu.memory_space<hbm>> -> memref<1280xf32, #tpu.memory_space<hbm>>
        %dma_wait3A_397 = arith.constant 0 : i32
        %dma_wait3A_398 = tpu.memref_slice %arg9[%dma_wait3A_389, %dma_wait3A_397] : memref<2x1280xf32, #tpu.memory_space<vmem>> -> memref<1x1280xf32, #tpu.memory_space<vmem>>
        %dma_wait3A_399 = tpu.memref_squeeze %dma_wait3A_398 : memref<1x1280xf32, #tpu.memory_space<vmem>> -> memref<1280xf32, #tpu.memory_space<vmem>>
        tpu.wait_dma2 semaphore(%arg13 : memref<!tpu.dma_semaphore, #tpu.memory_space<semaphore_mem>>) src(%dma_wait3A_399 : memref<1280xf32, #tpu.memory_space<vmem>>) dst(%dma_wait3A_396 : memref<1280xf32, #tpu.memory_space<hbm>>)
      } else {
      }
      %iota3A = tpu.iota {dimensions = array<i32: 0>} : vector<16xi32>
      %parallel_loop3A = arith.constant 0 : i32
      %parallel_loop3A_300 = arith.constant 80 : i32
      %parallel_loop3A_301 = arith.constant 1 : i32
      scf.for %parallel_loop3A_389 = %parallel_loop3A to %parallel_loop3A_300 step %parallel_loop3A_301  : i32 {
        %parallel_loop3A_390 = arith.constant 8 : i32
        %parallel_loop3A_391 = arith.divsi %parallel_loop3A_389, %parallel_loop3A_390 : i32
        %parallel_loop3A_392 = arith.constant 0 : i32
        %parallel_loop3A_393 = arith.cmpi sgt, %parallel_loop3A_389, %parallel_loop3A_392 : i32
        %parallel_loop3A_394 = arith.extui %parallel_loop3A_393 : i1 to i32
        %parallel_loop3A_395 = arith.constant 0 : i32
        %parallel_loop3A_396 = arith.cmpi slt, %parallel_loop3A_389, %parallel_loop3A_395 : i32
        %parallel_loop3A_397 = arith.extui %parallel_loop3A_396 : i1 to i32
        %parallel_loop3A_398 = arith.subi %parallel_loop3A_394, %parallel_loop3A_397 : i32
        %parallel_loop3A_399 = arith.constant 0 : i32
        %parallel_loop3A_400 = arith.cmpi sgt, %parallel_loop3A_390, %parallel_loop3A_399 : i32
        %parallel_loop3A_401 = arith.extui %parallel_loop3A_400 : i1 to i32
        %parallel_loop3A_402 = arith.constant 0 : i32
        %parallel_loop3A_403 = arith.cmpi slt, %parallel_loop3A_390, %parallel_loop3A_402 : i32
        %parallel_loop3A_404 = arith.extui %parallel_loop3A_403 : i1 to i32
        %parallel_loop3A_405 = arith.subi %parallel_loop3A_401, %parallel_loop3A_404 : i32
        %parallel_loop3A_406 = arith.cmpi ne, %parallel_loop3A_398, %parallel_loop3A_405 : i32
        %parallel_loop3A_407 = arith.remsi %parallel_loop3A_389, %parallel_loop3A_390 : i32
        %parallel_loop3A_408 = arith.constant 0 : i32
        %parallel_loop3A_409 = arith.cmpi ne, %parallel_loop3A_407, %parallel_loop3A_408 : i32
        %parallel_loop3A_410 = arith.andi %parallel_loop3A_406, %parallel_loop3A_409 : i1
        %parallel_loop3A_411 = arith.constant 1 : i32
        %parallel_loop3A_412 = arith.subi %parallel_loop3A_391, %parallel_loop3A_411 : i32
        %parallel_loop3A_413 = arith.select %parallel_loop3A_410, %parallel_loop3A_412, %parallel_loop3A_391 : i32
        %parallel_loop3A_414 = arith.constant 8 : i32
        %parallel_loop3A_415 = arith.constant 0 : i32
        %parallel_loop3A_416 = arith.cmpi eq, %parallel_loop3A_414, %parallel_loop3A_415 : i32
        %parallel_loop3A_417 = arith.constant 1 : i32
        %parallel_loop3A_418 = arith.select %parallel_loop3A_416, %parallel_loop3A_417, %parallel_loop3A_414 : i32
        %parallel_loop3A_419 = arith.remsi %parallel_loop3A_389, %parallel_loop3A_418 : i32
        %parallel_loop3A_420 = arith.constant 0 : i32
        %parallel_loop3A_421 = arith.cmpi ne, %parallel_loop3A_419, %parallel_loop3A_420 : i32
        %parallel_loop3A_422 = arith.constant 0 : i32
        %parallel_loop3A_423 = arith.cmpi slt, %parallel_loop3A_419, %parallel_loop3A_422 : i32
        %parallel_loop3A_424 = arith.constant 0 : i32
        %parallel_loop3A_425 = arith.cmpi slt, %parallel_loop3A_418, %parallel_loop3A_424 : i32
        %parallel_loop3A_426 = arith.xori %parallel_loop3A_423, %parallel_loop3A_425 : i1
        %parallel_loop3A_427 = arith.andi %parallel_loop3A_426, %parallel_loop3A_421 : i1
        %parallel_loop3A_428 = arith.addi %parallel_loop3A_419, %parallel_loop3A_418 : i32
        %parallel_loop3A_429 = arith.select %parallel_loop3A_427, %parallel_loop3A_428, %parallel_loop3A_419 : i32
        %parallel_loop3A_430 = arith.constant 16 : i32
        %parallel_loop3A_431 = arith.muli %parallel_loop3A_429, %parallel_loop3A_430 : i32
        %parallel_loop3A_432 = arith.constant 16 : i32
        %parallel_loop3A_433 = arith.muli %parallel_loop3A_389, %parallel_loop3A_432 : i32
        %parallel_loop3A_434 = vector.broadcast %parallel_loop3A_433 : i32 to vector<16xi32>
        %parallel_loop3A_435 = arith.addi %parallel_loop3A_434, %iota3A : vector<16xi32>
        %parallel_loop3A_436 = arith.constant 0 : i32
        %parallel_loop3A_437 = arith.constant 0 : i32
        %parallel_loop3A_438 = arith.constant 0 : i32
        %parallel_loop3A_439 = arith.index_cast %parallel_loop3A_436 : i32 to index
        %parallel_loop3A_440 = arith.index_cast %parallel_loop3A_437 : i32 to index
        %parallel_loop3A_441 = arith.index_cast %parallel_loop3A_413 : i32 to index
        %parallel_loop3A_442 = arith.index_cast %parallel_loop3A_438 : i32 to index
        %parallel_loop3A_443 = arith.index_cast %parallel_loop3A_431 : i32 to index
        %parallel_loop3A_444 = tpu.vector_load %arg8[%parallel_loop3A_439, %parallel_loop3A_440, %parallel_loop3A_441, %parallel_loop3A_442, %parallel_loop3A_443] {strides = array<i32>} : memref<2x2x10x8x128xf32, #tpu.memory_space<vmem>>, vector<16xf32>,
        %parallel_loop3A_445 = arith.constant 0 : i32
        %parallel_loop3A_446 = vector.broadcast %parallel_loop3A_445 : i32 to vector<16xi32>
        %parallel_loop3A_447 = arith.constant 0 : i32
        %parallel_loop3A_448 = arith.constant 0 : i32
        %parallel_loop3A_449 = arith.constant 0 : i32
        %parallel_loop3A_450 = tpu.memref_slice %arg7[%parallel_loop3A_447, %parallel_loop3A_448, %parallel_loop3A_449] : memref<2x1280x16xf32, #tpu.memory_space<vmem>> -> memref<1x1280x16xf32, #tpu.memory_space<vmem>>
        %parallel_loop3A_451 = tpu.memref_squeeze %parallel_loop3A_450 : memref<1x1280x16xf32, #tpu.memory_space<vmem>> -> memref<1280x16xf32, #tpu.memory_space<vmem>>
        %parallel_loop3A_452 = tpu.vector_load_idx %parallel_loop3A_451[%parallel_loop3A_435, %parallel_loop3A_446] : memref<1280x16xf32, #tpu.memory_space<vmem>>[vector<16xi32>, vector<16xi32>], vector<16xf32>,
        %parallel_loop3A_453 = arith.subf %parallel_loop3A_444, %parallel_loop3A_452 : vector<16xf32>
        %parallel_loop3A_454 = arith.mulf %parallel_loop3A_453, %parallel_loop3A_453 : vector<16xf32>
        %parallel_loop3A_455 = arith.constant 0 : i32
        %parallel_loop3A_456 = arith.constant 0 : i32
        %parallel_loop3A_457 = arith.constant 1 : i32
        %parallel_loop3A_458 = arith.index_cast %parallel_loop3A_455 : i32 to index
        %parallel_loop3A_459 = arith.index_cast %parallel_loop3A_456 : i32 to index
        %parallel_loop3A_460 = arith.index_cast %parallel_loop3A_413 : i32 to index
        %parallel_loop3A_461 = arith.index_cast %parallel_loop3A_457 : i32 to index
        %parallel_loop3A_462 = arith.index_cast %parallel_loop3A_431 : i32 to index
        %parallel_loop3A_463 = tpu.vector_load %arg8[%parallel_loop3A_458, %parallel_loop3A_459, %parallel_loop3A_460, %parallel_loop3A_461, %parallel_loop3A_462] {strides = array<i32>} : memref<2x2x10x8x128xf32, #tpu.memory_space<vmem>>, vector<16xf32>,
        %parallel_loop3A_464 = arith.constant 1 : i32
        %parallel_loop3A_465 = vector.broadcast %parallel_loop3A_464 : i32 to vector<16xi32>
        %parallel_loop3A_466 = arith.constant 0 : i32
        %parallel_loop3A_467 = arith.constant 0 : i32
        %parallel_loop3A_468 = arith.constant 0 : i32
        %parallel_loop3A_469 = tpu.memref_slice %arg7[%parallel_loop3A_466, %parallel_loop3A_467, %parallel_loop3A_468] : memref<2x1280x16xf32, #tpu.memory_space<vmem>> -> memref<1x1280x16xf32, #tpu.memory_space<vmem>>
        %parallel_loop3A_470 = tpu.memref_squeeze %parallel_loop3A_469 : memref<1x1280x16xf32, #tpu.memory_space<vmem>> -> memref<1280x16xf32, #tpu.memory_space<vmem>>
        %parallel_loop3A_471 = tpu.vector_load_idx %parallel_loop3A_470[%parallel_loop3A_435, %parallel_loop3A_465] : memref<1280x16xf32, #tpu.memory_space<vmem>>[vector<16xi32>, vector<16xi32>], vector<16xf32>,
        %parallel_loop3A_472 = arith.subf %parallel_loop3A_463, %parallel_loop3A_471 : vector<16xf32>
        %parallel_loop3A_473 = arith.mulf %parallel_loop3A_472, %parallel_loop3A_472 : vector<16xf32>
        %parallel_loop3A_474 = arith.constant 0 : i32
        %parallel_loop3A_475 = arith.constant 0 : i32
        %parallel_loop3A_476 = arith.constant 2 : i32
        %parallel_loop3A_477 = arith.index_cast %parallel_loop3A_474 : i32 to index
        %parallel_loop3A_478 = arith.index_cast %parallel_loop3A_475 : i32 to index
        %parallel_loop3A_479 = arith.index_cast %parallel_loop3A_413 : i32 to index
        %parallel_loop3A_480 = arith.index_cast %parallel_loop3A_476 : i32 to index
        %parallel_loop3A_481 = arith.index_cast %parallel_loop3A_431 : i32 to index
        %parallel_loop3A_482 = tpu.vector_load %arg8[%parallel_loop3A_477, %parallel_loop3A_478, %parallel_loop3A_479, %parallel_loop3A_480, %parallel_loop3A_481] {strides = array<i32>} : memref<2x2x10x8x128xf32, #tpu.memory_space<vmem>>, vector<16xf32>,
        %parallel_loop3A_483 = arith.constant 2 : i32
        %parallel_loop3A_484 = vector.broadcast %parallel_loop3A_483 : i32 to vector<16xi32>
        %parallel_loop3A_485 = arith.constant 0 : i32
        %parallel_loop3A_486 = arith.constant 0 : i32
        %parallel_loop3A_487 = arith.constant 0 : i32
        %parallel_loop3A_488 = tpu.memref_slice %arg7[%parallel_loop3A_485, %parallel_loop3A_486, %parallel_loop3A_487] : memref<2x1280x16xf32, #tpu.memory_space<vmem>> -> memref<1x1280x16xf32, #tpu.memory_space<vmem>>
        %parallel_loop3A_489 = tpu.memref_squeeze %parallel_loop3A_488 : memref<1x1280x16xf32, #tpu.memory_space<vmem>> -> memref<1280x16xf32, #tpu.memory_space<vmem>>
        %parallel_loop3A_490 = tpu.vector_load_idx %parallel_loop3A_489[%parallel_loop3A_435, %parallel_loop3A_484] : memref<1280x16xf32, #tpu.memory_space<vmem>>[vector<16xi32>, vector<16xi32>], vector<16xf32>,
        %parallel_loop3A_491 = arith.subf %parallel_loop3A_482, %parallel_loop3A_490 : vector<16xf32>
        %parallel_loop3A_492 = arith.mulf %parallel_loop3A_491, %parallel_loop3A_491 : vector<16xf32>
        %parallel_loop3A_493 = arith.constant 0 : i32
        %parallel_loop3A_494 = arith.constant 0 : i32
        %parallel_loop3A_495 = arith.constant 3 : i32
        %parallel_loop3A_496 = arith.index_cast %parallel_loop3A_493 : i32 to index
        %parallel_loop3A_497 = arith.index_cast %parallel_loop3A_494 : i32 to index
        %parallel_loop3A_498 = arith.index_cast %parallel_loop3A_413 : i32 to index
        %parallel_loop3A_499 = arith.index_cast %parallel_loop3A_495 : i32 to index
        %parallel_loop3A_500 = arith.index_cast %parallel_loop3A_431 : i32 to index
        %parallel_loop3A_501 = tpu.vector_load %arg8[%parallel_loop3A_496, %parallel_loop3A_497, %parallel_loop3A_498, %parallel_loop3A_499, %parallel_loop3A_500] {strides = array<i32>} : memref<2x2x10x8x128xf32, #tpu.memory_space<vmem>>, vector<16xf32>,
        %parallel_loop3A_502 = arith.constant 3 : i32
        %parallel_loop3A_503 = vector.broadcast %parallel_loop3A_502 : i32 to vector<16xi32>
        %parallel_loop3A_504 = arith.constant 0 : i32
        %parallel_loop3A_505 = arith.constant 0 : i32
        %parallel_loop3A_506 = arith.constant 0 : i32
        %parallel_loop3A_507 = tpu.memref_slice %arg7[%parallel_loop3A_504, %parallel_loop3A_505, %parallel_loop3A_506] : memref<2x1280x16xf32, #tpu.memory_space<vmem>> -> memref<1x1280x16xf32, #tpu.memory_space<vmem>>
        %parallel_loop3A_508 = tpu.memref_squeeze %parallel_loop3A_507 : memref<1x1280x16xf32, #tpu.memory_space<vmem>> -> memref<1280x16xf32, #tpu.memory_space<vmem>>
        %parallel_loop3A_509 = tpu.vector_load_idx %parallel_loop3A_508[%parallel_loop3A_435, %parallel_loop3A_503] : memref<1280x16xf32, #tpu.memory_space<vmem>>[vector<16xi32>, vector<16xi32>], vector<16xf32>,
        %parallel_loop3A_510 = arith.subf %parallel_loop3A_501, %parallel_loop3A_509 : vector<16xf32>
        %parallel_loop3A_511 = arith.mulf %parallel_loop3A_510, %parallel_loop3A_510 : vector<16xf32>
        %parallel_loop3A_512 = arith.constant 0 : i32
        %parallel_loop3A_513 = arith.constant 0 : i32
        %parallel_loop3A_514 = arith.constant 4 : i32
        %parallel_loop3A_515 = arith.index_cast %parallel_loop3A_512 : i32 to index
        %parallel_loop3A_516 = arith.index_cast %parallel_loop3A_513 : i32 to index
        %parallel_loop3A_517 = arith.index_cast %parallel_loop3A_413 : i32 to index
        %parallel_loop3A_518 = arith.index_cast %parallel_loop3A_514 : i32 to index
        %parallel_loop3A_519 = arith.index_cast %parallel_loop3A_431 : i32 to index
        %parallel_loop3A_520 = tpu.vector_load %arg8[%parallel_loop3A_515, %parallel_loop3A_516, %parallel_loop3A_517, %parallel_loop3A_518, %parallel_loop3A_519] {strides = array<i32>} : memref<2x2x10x8x128xf32, #tpu.memory_space<vmem>>, vector<16xf32>,
        %parallel_loop3A_521 = arith.constant 4 : i32
        %parallel_loop3A_522 = vector.broadcast %parallel_loop3A_521 : i32 to vector<16xi32>
        %parallel_loop3A_523 = arith.constant 0 : i32
        %parallel_loop3A_524 = arith.constant 0 : i32
        %parallel_loop3A_525 = arith.constant 0 : i32
        %parallel_loop3A_526 = tpu.memref_slice %arg7[%parallel_loop3A_523, %parallel_loop3A_524, %parallel_loop3A_525] : memref<2x1280x16xf32, #tpu.memory_space<vmem>> -> memref<1x1280x16xf32, #tpu.memory_space<vmem>>
        %parallel_loop3A_527 = tpu.memref_squeeze %parallel_loop3A_526 : memref<1x1280x16xf32, #tpu.memory_space<vmem>> -> memref<1280x16xf32, #tpu.memory_space<vmem>>
        %parallel_loop3A_528 = tpu.vector_load_idx %parallel_loop3A_527[%parallel_loop3A_435, %parallel_loop3A_522] : memref<1280x16xf32, #tpu.memory_space<vmem>>[vector<16xi32>, vector<16xi32>], vector<16xf32>,
        %parallel_loop3A_529 = arith.subf %parallel_loop3A_520, %parallel_loop3A_528 : vector<16xf32>
        %parallel_loop3A_530 = arith.mulf %parallel_loop3A_529, %parallel_loop3A_529 : vector<16xf32>
        %parallel_loop3A_531 = arith.addf %parallel_loop3A_454, %parallel_loop3A_530 : vector<16xf32>
        %parallel_loop3A_532 = arith.constant 0 : i32
        %parallel_loop3A_533 = arith.constant 0 : i32
        %parallel_loop3A_534 = arith.constant 5 : i32
        %parallel_loop3A_535 = arith.index_cast %parallel_loop3A_532 : i32 to index
        %parallel_loop3A_536 = arith.index_cast %parallel_loop3A_533 : i32 to index
        %parallel_loop3A_537 = arith.index_cast %parallel_loop3A_413 : i32 to index
        %parallel_loop3A_538 = arith.index_cast %parallel_loop3A_534 : i32 to index
        %parallel_loop3A_539 = arith.index_cast %parallel_loop3A_431 : i32 to index
        %parallel_loop3A_540 = tpu.vector_load %arg8[%parallel_loop3A_535, %parallel_loop3A_536, %parallel_loop3A_537, %parallel_loop3A_538, %parallel_loop3A_539] {strides = array<i32>} : memref<2x2x10x8x128xf32, #tpu.memory_space<vmem>>, vector<16xf32>,
        %parallel_loop3A_541 = arith.constant 5 : i32
        %parallel_loop3A_542 = vector.broadcast %parallel_loop3A_541 : i32 to vector<16xi32>
        %parallel_loop3A_543 = arith.constant 0 : i32
        %parallel_loop3A_544 = arith.constant 0 : i32
        %parallel_loop3A_545 = arith.constant 0 : i32
        %parallel_loop3A_546 = tpu.memref_slice %arg7[%parallel_loop3A_543, %parallel_loop3A_544, %parallel_loop3A_545] : memref<2x1280x16xf32, #tpu.memory_space<vmem>> -> memref<1x1280x16xf32, #tpu.memory_space<vmem>>
        %parallel_loop3A_547 = tpu.memref_squeeze %parallel_loop3A_546 : memref<1x1280x16xf32, #tpu.memory_space<vmem>> -> memref<1280x16xf32, #tpu.memory_space<vmem>>
        %parallel_loop3A_548 = tpu.vector_load_idx %parallel_loop3A_547[%parallel_loop3A_435, %parallel_loop3A_542] : memref<1280x16xf32, #tpu.memory_space<vmem>>[vector<16xi32>, vector<16xi32>], vector<16xf32>,
        %parallel_loop3A_549 = arith.subf %parallel_loop3A_540, %parallel_loop3A_548 : vector<16xf32>
        %parallel_loop3A_550 = arith.mulf %parallel_loop3A_549, %parallel_loop3A_549 : vector<16xf32>
        %parallel_loop3A_551 = arith.addf %parallel_loop3A_473, %parallel_loop3A_550 : vector<16xf32>
        %parallel_loop3A_552 = arith.constant 0 : i32
        %parallel_loop3A_553 = arith.constant 0 : i32
        %parallel_loop3A_554 = arith.constant 6 : i32
        %parallel_loop3A_555 = arith.index_cast %parallel_loop3A_552 : i32 to index
        %parallel_loop3A_556 = arith.index_cast %parallel_loop3A_553 : i32 to index
        %parallel_loop3A_557 = arith.index_cast %parallel_loop3A_413 : i32 to index
        %parallel_loop3A_558 = arith.index_cast %parallel_loop3A_554 : i32 to index
        %parallel_loop3A_559 = arith.index_cast %parallel_loop3A_431 : i32 to index
        %parallel_loop3A_560 = tpu.vector_load %arg8[%parallel_loop3A_555, %parallel_loop3A_556, %parallel_loop3A_557, %parallel_loop3A_558, %parallel_loop3A_559] {strides = array<i32>} : memref<2x2x10x8x128xf32, #tpu.memory_space<vmem>>, vector<16xf32>,
        %parallel_loop3A_561 = arith.constant 6 : i32
        %parallel_loop3A_562 = vector.broadcast %parallel_loop3A_561 : i32 to vector<16xi32>
        %parallel_loop3A_563 = arith.constant 0 : i32
        %parallel_loop3A_564 = arith.constant 0 : i32
        %parallel_loop3A_565 = arith.constant 0 : i32
        %parallel_loop3A_566 = tpu.memref_slice %arg7[%parallel_loop3A_563, %parallel_loop3A_564, %parallel_loop3A_565] : memref<2x1280x16xf32, #tpu.memory_space<vmem>> -> memref<1x1280x16xf32, #tpu.memory_space<vmem>>
        %parallel_loop3A_567 = tpu.memref_squeeze %parallel_loop3A_566 : memref<1x1280x16xf32, #tpu.memory_space<vmem>> -> memref<1280x16xf32, #tpu.memory_space<vmem>>
        %parallel_loop3A_568 = tpu.vector_load_idx %parallel_loop3A_567[%parallel_loop3A_435, %parallel_loop3A_562] : memref<1280x16xf32, #tpu.memory_space<vmem>>[vector<16xi32>, vector<16xi32>], vector<16xf32>,
        %parallel_loop3A_569 = arith.subf %parallel_loop3A_560, %parallel_loop3A_568 : vector<16xf32>
        %parallel_loop3A_570 = arith.mulf %parallel_loop3A_569, %parallel_loop3A_569 : vector<16xf32>
        %parallel_loop3A_571 = arith.addf %parallel_loop3A_492, %parallel_loop3A_570 : vector<16xf32>
        %parallel_loop3A_572 = arith.constant 0 : i32
        %parallel_loop3A_573 = arith.constant 0 : i32
        %parallel_loop3A_574 = arith.constant 7 : i32
        %parallel_loop3A_575 = arith.index_cast %parallel_loop3A_572 : i32 to index
        %parallel_loop3A_576 = arith.index_cast %parallel_loop3A_573 : i32 to index
        %parallel_loop3A_577 = arith.index_cast %parallel_loop3A_413 : i32 to index
        %parallel_loop3A_578 = arith.index_cast %parallel_loop3A_574 : i32 to index
        %parallel_loop3A_579 = arith.index_cast %parallel_loop3A_431 : i32 to index
        %parallel_loop3A_580 = tpu.vector_load %arg8[%parallel_loop3A_575, %parallel_loop3A_576, %parallel_loop3A_577, %parallel_loop3A_578, %parallel_loop3A_579] {strides = array<i32>} : memref<2x2x10x8x128xf32, #tpu.memory_space<vmem>>, vector<16xf32>,
        %parallel_loop3A_581 = arith.constant 7 : i32
        %parallel_loop3A_582 = vector.broadcast %parallel_loop3A_581 : i32 to vector<16xi32>
        %parallel_loop3A_583 = arith.constant 0 : i32
        %parallel_loop3A_584 = arith.constant 0 : i32
        %parallel_loop3A_585 = arith.constant 0 : i32
        %parallel_loop3A_586 = tpu.memref_slice %arg7[%parallel_loop3A_583, %parallel_loop3A_584, %parallel_loop3A_585] : memref<2x1280x16xf32, #tpu.memory_space<vmem>> -> memref<1x1280x16xf32, #tpu.memory_space<vmem>>
        %parallel_loop3A_587 = tpu.memref_squeeze %parallel_loop3A_586 : memref<1x1280x16xf32, #tpu.memory_space<vmem>> -> memref<1280x16xf32, #tpu.memory_space<vmem>>
        %parallel_loop3A_588 = tpu.vector_load_idx %parallel_loop3A_587[%parallel_loop3A_435, %parallel_loop3A_582] : memref<1280x16xf32, #tpu.memory_space<vmem>>[vector<16xi32>, vector<16xi32>], vector<16xf32>,
        %parallel_loop3A_589 = arith.subf %parallel_loop3A_580, %parallel_loop3A_588 : vector<16xf32>
        %parallel_loop3A_590 = arith.mulf %parallel_loop3A_589, %parallel_loop3A_589 : vector<16xf32>
        %parallel_loop3A_591 = arith.addf %parallel_loop3A_511, %parallel_loop3A_590 : vector<16xf32>
        %parallel_loop3A_592 = arith.constant 0 : i32
        %parallel_loop3A_593 = arith.constant 1 : i32
        %parallel_loop3A_594 = arith.constant 0 : i32
        %parallel_loop3A_595 = arith.index_cast %parallel_loop3A_592 : i32 to index
        %parallel_loop3A_596 = arith.index_cast %parallel_loop3A_593 : i32 to index
        %parallel_loop3A_597 = arith.index_cast %parallel_loop3A_413 : i32 to index
        %parallel_loop3A_598 = arith.index_cast %parallel_loop3A_594 : i32 to index
        %parallel_loop3A_599 = arith.index_cast %parallel_loop3A_431 : i32 to index
        %parallel_loop3A_600 = tpu.vector_load %arg8[%parallel_loop3A_595, %parallel_loop3A_596, %parallel_loop3A_597, %parallel_loop3A_598, %parallel_loop3A_599] {strides = array<i32>} : memref<2x2x10x8x128xf32, #tpu.memory_space<vmem>>, vector<16xf32>,
        %parallel_loop3A_601 = arith.constant 8 : i32
        %parallel_loop3A_602 = vector.broadcast %parallel_loop3A_601 : i32 to vector<16xi32>
        %parallel_loop3A_603 = arith.constant 0 : i32
        %parallel_loop3A_604 = arith.constant 0 : i32
        %parallel_loop3A_605 = arith.constant 0 : i32
        %parallel_loop3A_606 = tpu.memref_slice %arg7[%parallel_loop3A_603, %parallel_loop3A_604, %parallel_loop3A_605] : memref<2x1280x16xf32, #tpu.memory_space<vmem>> -> memref<1x1280x16xf32, #tpu.memory_space<vmem>>
        %parallel_loop3A_607 = tpu.memref_squeeze %parallel_loop3A_606 : memref<1x1280x16xf32, #tpu.memory_space<vmem>> -> memref<1280x16xf32, #tpu.memory_space<vmem>>
        %parallel_loop3A_608 = tpu.vector_load_idx %parallel_loop3A_607[%parallel_loop3A_435, %parallel_loop3A_602] : memref<1280x16xf32, #tpu.memory_space<vmem>>[vector<16xi32>, vector<16xi32>], vector<16xf32>,
        %parallel_loop3A_609 = arith.subf %parallel_loop3A_600, %parallel_loop3A_608 : vector<16xf32>
        %parallel_loop3A_610 = arith.mulf %parallel_loop3A_609, %parallel_loop3A_609 : vector<16xf32>
        %parallel_loop3A_611 = arith.addf %parallel_loop3A_531, %parallel_loop3A_610 : vector<16xf32>
        %parallel_loop3A_612 = arith.constant 0 : i32
        %parallel_loop3A_613 = arith.constant 1 : i32
        %parallel_loop3A_614 = arith.constant 1 : i32
        %parallel_loop3A_615 = arith.index_cast %parallel_loop3A_612 : i32 to index
        %parallel_loop3A_616 = arith.index_cast %parallel_loop3A_613 : i32 to index
        %parallel_loop3A_617 = arith.index_cast %parallel_loop3A_413 : i32 to index
        %parallel_loop3A_618 = arith.index_cast %parallel_loop3A_614 : i32 to index
        %parallel_loop3A_619 = arith.index_cast %parallel_loop3A_431 : i32 to index
        %parallel_loop3A_620 = tpu.vector_load %arg8[%parallel_loop3A_615, %parallel_loop3A_616, %parallel_loop3A_617, %parallel_loop3A_618, %parallel_loop3A_619] {strides = array<i32>} : memref<2x2x10x8x128xf32, #tpu.memory_space<vmem>>, vector<16xf32>,
        %parallel_loop3A_621 = arith.constant 9 : i32
        %parallel_loop3A_622 = vector.broadcast %parallel_loop3A_621 : i32 to vector<16xi32>
        %parallel_loop3A_623 = arith.constant 0 : i32
        %parallel_loop3A_624 = arith.constant 0 : i32
        %parallel_loop3A_625 = arith.constant 0 : i32
        %parallel_loop3A_626 = tpu.memref_slice %arg7[%parallel_loop3A_623, %parallel_loop3A_624, %parallel_loop3A_625] : memref<2x1280x16xf32, #tpu.memory_space<vmem>> -> memref<1x1280x16xf32, #tpu.memory_space<vmem>>
        %parallel_loop3A_627 = tpu.memref_squeeze %parallel_loop3A_626 : memref<1x1280x16xf32, #tpu.memory_space<vmem>> -> memref<1280x16xf32, #tpu.memory_space<vmem>>
        %parallel_loop3A_628 = tpu.vector_load_idx %parallel_loop3A_627[%parallel_loop3A_435, %parallel_loop3A_622] : memref<1280x16xf32, #tpu.memory_space<vmem>>[vector<16xi32>, vector<16xi32>], vector<16xf32>,
        %parallel_loop3A_629 = arith.subf %parallel_loop3A_620, %parallel_loop3A_628 : vector<16xf32>
        %parallel_loop3A_630 = arith.mulf %parallel_loop3A_629, %parallel_loop3A_629 : vector<16xf32>
        %parallel_loop3A_631 = arith.addf %parallel_loop3A_551, %parallel_loop3A_630 : vector<16xf32>
        %parallel_loop3A_632 = arith.constant 0 : i32
        %parallel_loop3A_633 = arith.constant 1 : i32
        %parallel_loop3A_634 = arith.constant 2 : i32
        %parallel_loop3A_635 = arith.index_cast %parallel_loop3A_632 : i32 to index
        %parallel_loop3A_636 = arith.index_cast %parallel_loop3A_633 : i32 to index
        %parallel_loop3A_637 = arith.index_cast %parallel_loop3A_413 : i32 to index
        %parallel_loop3A_638 = arith.index_cast %parallel_loop3A_634 : i32 to index
        %parallel_loop3A_639 = arith.index_cast %parallel_loop3A_431 : i32 to index
        %parallel_loop3A_640 = tpu.vector_load %arg8[%parallel_loop3A_635, %parallel_loop3A_636, %parallel_loop3A_637, %parallel_loop3A_638, %parallel_loop3A_639] {strides = array<i32>} : memref<2x2x10x8x128xf32, #tpu.memory_space<vmem>>, vector<16xf32>,
        %parallel_loop3A_641 = arith.constant 10 : i32
        %parallel_loop3A_642 = vector.broadcast %parallel_loop3A_641 : i32 to vector<16xi32>
        %parallel_loop3A_643 = arith.constant 0 : i32
        %parallel_loop3A_644 = arith.constant 0 : i32
        %parallel_loop3A_645 = arith.constant 0 : i32
        %parallel_loop3A_646 = tpu.memref_slice %arg7[%parallel_loop3A_643, %parallel_loop3A_644, %parallel_loop3A_645] : memref<2x1280x16xf32, #tpu.memory_space<vmem>> -> memref<1x1280x16xf32, #tpu.memory_space<vmem>>
        %parallel_loop3A_647 = tpu.memref_squeeze %parallel_loop3A_646 : memref<1x1280x16xf32, #tpu.memory_space<vmem>> -> memref<1280x16xf32, #tpu.memory_space<vmem>>
        %parallel_loop3A_648 = tpu.vector_load_idx %parallel_loop3A_647[%parallel_loop3A_435, %parallel_loop3A_642] : memref<1280x16xf32, #tpu.memory_space<vmem>>[vector<16xi32>, vector<16xi32>], vector<16xf32>,
        %parallel_loop3A_649 = arith.subf %parallel_loop3A_640, %parallel_loop3A_648 : vector<16xf32>
        %parallel_loop3A_650 = arith.mulf %parallel_loop3A_649, %parallel_loop3A_649 : vector<16xf32>
        %parallel_loop3A_651 = arith.addf %parallel_loop3A_571, %parallel_loop3A_650 : vector<16xf32>
        %parallel_loop3A_652 = arith.constant 0 : i32
        %parallel_loop3A_653 = arith.constant 1 : i32
        %parallel_loop3A_654 = arith.constant 3 : i32
        %parallel_loop3A_655 = arith.index_cast %parallel_loop3A_652 : i32 to index
        %parallel_loop3A_656 = arith.index_cast %parallel_loop3A_653 : i32 to index
        %parallel_loop3A_657 = arith.index_cast %parallel_loop3A_413 : i32 to index
        %parallel_loop3A_658 = arith.index_cast %parallel_loop3A_654 : i32 to index
        %parallel_loop3A_659 = arith.index_cast %parallel_loop3A_431 : i32 to index
        %parallel_loop3A_660 = tpu.vector_load %arg8[%parallel_loop3A_655, %parallel_loop3A_656, %parallel_loop3A_657, %parallel_loop3A_658, %parallel_loop3A_659] {strides = array<i32>} : memref<2x2x10x8x128xf32, #tpu.memory_space<vmem>>, vector<16xf32>,
        %parallel_loop3A_661 = arith.constant 11 : i32
        %parallel_loop3A_662 = vector.broadcast %parallel_loop3A_661 : i32 to vector<16xi32>
        %parallel_loop3A_663 = arith.constant 0 : i32
        %parallel_loop3A_664 = arith.constant 0 : i32
        %parallel_loop3A_665 = arith.constant 0 : i32
        %parallel_loop3A_666 = tpu.memref_slice %arg7[%parallel_loop3A_663, %parallel_loop3A_664, %parallel_loop3A_665] : memref<2x1280x16xf32, #tpu.memory_space<vmem>> -> memref<1x1280x16xf32, #tpu.memory_space<vmem>>
        %parallel_loop3A_667 = tpu.memref_squeeze %parallel_loop3A_666 : memref<1x1280x16xf32, #tpu.memory_space<vmem>> -> memref<1280x16xf32, #tpu.memory_space<vmem>>
        %parallel_loop3A_668 = tpu.vector_load_idx %parallel_loop3A_667[%parallel_loop3A_435, %parallel_loop3A_662] : memref<1280x16xf32, #tpu.memory_space<vmem>>[vector<16xi32>, vector<16xi32>], vector<16xf32>,
        %parallel_loop3A_669 = arith.subf %parallel_loop3A_660, %parallel_loop3A_668 : vector<16xf32>
        %parallel_loop3A_670 = arith.mulf %parallel_loop3A_669, %parallel_loop3A_669 : vector<16xf32>
        %parallel_loop3A_671 = arith.addf %parallel_loop3A_591, %parallel_loop3A_670 : vector<16xf32>
        %parallel_loop3A_672 = arith.constant 0 : i32
        %parallel_loop3A_673 = arith.constant 1 : i32
        %parallel_loop3A_674 = arith.constant 4 : i32
        %parallel_loop3A_675 = arith.index_cast %parallel_loop3A_672 : i32 to index
        %parallel_loop3A_676 = arith.index_cast %parallel_loop3A_673 : i32 to index
        %parallel_loop3A_677 = arith.index_cast %parallel_loop3A_413 : i32 to index
        %parallel_loop3A_678 = arith.index_cast %parallel_loop3A_674 : i32 to index
        %parallel_loop3A_679 = arith.index_cast %parallel_loop3A_431 : i32 to index
        %parallel_loop3A_680 = tpu.vector_load %arg8[%parallel_loop3A_675, %parallel_loop3A_676, %parallel_loop3A_677, %parallel_loop3A_678, %parallel_loop3A_679] {strides = array<i32>} : memref<2x2x10x8x128xf32, #tpu.memory_space<vmem>>, vector<16xf32>,
        %parallel_loop3A_681 = arith.constant 12 : i32
        %parallel_loop3A_682 = vector.broadcast %parallel_loop3A_681 : i32 to vector<16xi32>
        %parallel_loop3A_683 = arith.constant 0 : i32
        %parallel_loop3A_684 = arith.constant 0 : i32
        %parallel_loop3A_685 = arith.constant 0 : i32
        %parallel_loop3A_686 = tpu.memref_slice %arg7[%parallel_loop3A_683, %parallel_loop3A_684, %parallel_loop3A_685] : memref<2x1280x16xf32, #tpu.memory_space<vmem>> -> memref<1x1280x16xf32, #tpu.memory_space<vmem>>
        %parallel_loop3A_687 = tpu.memref_squeeze %parallel_loop3A_686 : memref<1x1280x16xf32, #tpu.memory_space<vmem>> -> memref<1280x16xf32, #tpu.memory_space<vmem>>
        %parallel_loop3A_688 = tpu.vector_load_idx %parallel_loop3A_687[%parallel_loop3A_435, %parallel_loop3A_682] : memref<1280x16xf32, #tpu.memory_space<vmem>>[vector<16xi32>, vector<16xi32>], vector<16xf32>,
        %parallel_loop3A_689 = arith.subf %parallel_loop3A_680, %parallel_loop3A_688 : vector<16xf32>
        %parallel_loop3A_690 = arith.mulf %parallel_loop3A_689, %parallel_loop3A_689 : vector<16xf32>
        %parallel_loop3A_691 = arith.addf %parallel_loop3A_611, %parallel_loop3A_690 : vector<16xf32>
        %parallel_loop3A_692 = arith.constant 0 : i32
        %parallel_loop3A_693 = arith.constant 1 : i32
        %parallel_loop3A_694 = arith.constant 5 : i32
        %parallel_loop3A_695 = arith.index_cast %parallel_loop3A_692 : i32 to index
        %parallel_loop3A_696 = arith.index_cast %parallel_loop3A_693 : i32 to index
        %parallel_loop3A_697 = arith.index_cast %parallel_loop3A_413 : i32 to index
        %parallel_loop3A_698 = arith.index_cast %parallel_loop3A_694 : i32 to index
        %parallel_loop3A_699 = arith.index_cast %parallel_loop3A_431 : i32 to index
        %parallel_loop3A_700 = tpu.vector_load %arg8[%parallel_loop3A_695, %parallel_loop3A_696, %parallel_loop3A_697, %parallel_loop3A_698, %parallel_loop3A_699] {strides = array<i32>} : memref<2x2x10x8x128xf32, #tpu.memory_space<vmem>>, vector<16xf32>,
        %parallel_loop3A_701 = arith.constant 13 : i32
        %parallel_loop3A_702 = vector.broadcast %parallel_loop3A_701 : i32 to vector<16xi32>
        %parallel_loop3A_703 = arith.constant 0 : i32
        %parallel_loop3A_704 = arith.constant 0 : i32
        %parallel_loop3A_705 = arith.constant 0 : i32
        %parallel_loop3A_706 = tpu.memref_slice %arg7[%parallel_loop3A_703, %parallel_loop3A_704, %parallel_loop3A_705] : memref<2x1280x16xf32, #tpu.memory_space<vmem>> -> memref<1x1280x16xf32, #tpu.memory_space<vmem>>
        %parallel_loop3A_707 = tpu.memref_squeeze %parallel_loop3A_706 : memref<1x1280x16xf32, #tpu.memory_space<vmem>> -> memref<1280x16xf32, #tpu.memory_space<vmem>>
        %parallel_loop3A_708 = tpu.vector_load_idx %parallel_loop3A_707[%parallel_loop3A_435, %parallel_loop3A_702] : memref<1280x16xf32, #tpu.memory_space<vmem>>[vector<16xi32>, vector<16xi32>], vector<16xf32>,
        %parallel_loop3A_709 = arith.subf %parallel_loop3A_700, %parallel_loop3A_708 : vector<16xf32>
        %parallel_loop3A_710 = arith.mulf %parallel_loop3A_709, %parallel_loop3A_709 : vector<16xf32>
        %parallel_loop3A_711 = arith.addf %parallel_loop3A_631, %parallel_loop3A_710 : vector<16xf32>
        %parallel_loop3A_712 = arith.constant 0 : i32
        %parallel_loop3A_713 = arith.constant 1 : i32
        %parallel_loop3A_714 = arith.constant 6 : i32
        %parallel_loop3A_715 = arith.index_cast %parallel_loop3A_712 : i32 to index
        %parallel_loop3A_716 = arith.index_cast %parallel_loop3A_713 : i32 to index
        %parallel_loop3A_717 = arith.index_cast %parallel_loop3A_413 : i32 to index
        %parallel_loop3A_718 = arith.index_cast %parallel_loop3A_714 : i32 to index
        %parallel_loop3A_719 = arith.index_cast %parallel_loop3A_431 : i32 to index
        %parallel_loop3A_720 = tpu.vector_load %arg8[%parallel_loop3A_715, %parallel_loop3A_716, %parallel_loop3A_717, %parallel_loop3A_718, %parallel_loop3A_719] {strides = array<i32>} : memref<2x2x10x8x128xf32, #tpu.memory_space<vmem>>, vector<16xf32>,
        %parallel_loop3A_721 = arith.constant 14 : i32
        %parallel_loop3A_722 = vector.broadcast %parallel_loop3A_721 : i32 to vector<16xi32>
        %parallel_loop3A_723 = arith.constant 0 : i32
        %parallel_loop3A_724 = arith.constant 0 : i32
        %parallel_loop3A_725 = arith.constant 0 : i32
        %parallel_loop3A_726 = tpu.memref_slice %arg7[%parallel_loop3A_723, %parallel_loop3A_724, %parallel_loop3A_725] : memref<2x1280x16xf32, #tpu.memory_space<vmem>> -> memref<1x1280x16xf32, #tpu.memory_space<vmem>>
        %parallel_loop3A_727 = tpu.memref_squeeze %parallel_loop3A_726 : memref<1x1280x16xf32, #tpu.memory_space<vmem>> -> memref<1280x16xf32, #tpu.memory_space<vmem>>
        %parallel_loop3A_728 = tpu.vector_load_idx %parallel_loop3A_727[%parallel_loop3A_435, %parallel_loop3A_722] : memref<1280x16xf32, #tpu.memory_space<vmem>>[vector<16xi32>, vector<16xi32>], vector<16xf32>,
        %parallel_loop3A_729 = arith.subf %parallel_loop3A_720, %parallel_loop3A_728 : vector<16xf32>
        %parallel_loop3A_730 = arith.mulf %parallel_loop3A_729, %parallel_loop3A_729 : vector<16xf32>
        %parallel_loop3A_731 = arith.addf %parallel_loop3A_651, %parallel_loop3A_730 : vector<16xf32>
        %parallel_loop3A_732 = arith.constant 0 : i32
        %parallel_loop3A_733 = arith.constant 1 : i32
        %parallel_loop3A_734 = arith.constant 7 : i32
        %parallel_loop3A_735 = arith.index_cast %parallel_loop3A_732 : i32 to index
        %parallel_loop3A_736 = arith.index_cast %parallel_loop3A_733 : i32 to index
        %parallel_loop3A_737 = arith.index_cast %parallel_loop3A_413 : i32 to index
        %parallel_loop3A_738 = arith.index_cast %parallel_loop3A_734 : i32 to index
        %parallel_loop3A_739 = arith.index_cast %parallel_loop3A_431 : i32 to index
        %parallel_loop3A_740 = tpu.vector_load %arg8[%parallel_loop3A_735, %parallel_loop3A_736, %parallel_loop3A_737, %parallel_loop3A_738, %parallel_loop3A_739] {strides = array<i32>} : memref<2x2x10x8x128xf32, #tpu.memory_space<vmem>>, vector<16xf32>,
        %parallel_loop3A_741 = arith.constant 15 : i32
        %parallel_loop3A_742 = vector.broadcast %parallel_loop3A_741 : i32 to vector<16xi32>
        %parallel_loop3A_743 = arith.constant 0 : i32
        %parallel_loop3A_744 = arith.constant 0 : i32
        %parallel_loop3A_745 = arith.constant 0 : i32
        %parallel_loop3A_746 = tpu.memref_slice %arg7[%parallel_loop3A_743, %parallel_loop3A_744, %parallel_loop3A_745] : memref<2x1280x16xf32, #tpu.memory_space<vmem>> -> memref<1x1280x16xf32, #tpu.memory_space<vmem>>
        %parallel_loop3A_747 = tpu.memref_squeeze %parallel_loop3A_746 : memref<1x1280x16xf32, #tpu.memory_space<vmem>> -> memref<1280x16xf32, #tpu.memory_space<vmem>>
        %parallel_loop3A_748 = tpu.vector_load_idx %parallel_loop3A_747[%parallel_loop3A_435, %parallel_loop3A_742] : memref<1280x16xf32, #tpu.memory_space<vmem>>[vector<16xi32>, vector<16xi32>], vector<16xf32>,
        %parallel_loop3A_749 = arith.subf %parallel_loop3A_740, %parallel_loop3A_748 : vector<16xf32>
        %parallel_loop3A_750 = arith.mulf %parallel_loop3A_749, %parallel_loop3A_749 : vector<16xf32>
        %parallel_loop3A_751 = arith.addf %parallel_loop3A_671, %parallel_loop3A_750 : vector<16xf32>
        %parallel_loop3A_752 = arith.addf %parallel_loop3A_691, %parallel_loop3A_711 : vector<16xf32>
        %parallel_loop3A_753 = arith.addf %parallel_loop3A_731, %parallel_loop3A_751 : vector<16xf32>
        %parallel_loop3A_754 = arith.addf %parallel_loop3A_752, %parallel_loop3A_753 : vector<16xf32>
        %parallel_loop3A_755 = arith.constant -5.000000e-01 : f32
        %parallel_loop3A_756 = vector.broadcast %parallel_loop3A_755 : f32 to vector<16xf32>
        %parallel_loop3A_757 = arith.mulf %parallel_loop3A_756, %parallel_loop3A_754 : vector<16xf32>
        %parallel_loop3A_758 = arith.constant -14.7030163 : f32
        %parallel_loop3A_759 = vector.broadcast %parallel_loop3A_758 : f32 to vector<16xf32>
        %parallel_loop3A_760 = arith.addf %parallel_loop3A_757, %parallel_loop3A_759 : vector<16xf32>
        %parallel_loop3A_761 = arith.constant 16 : i32
        %parallel_loop3A_762 = arith.muli %parallel_loop3A_389, %parallel_loop3A_761 : i32
        %parallel_loop3A_763 = arith.constant 0 : i32
        %parallel_loop3A_764 = arith.index_cast %parallel_loop3A_763 : i32 to index
        %parallel_loop3A_765 = arith.index_cast %parallel_loop3A_762 : i32 to index
        %parallel_loop3A_766 = tpu.vector_load %arg9[%parallel_loop3A_764, %parallel_loop3A_765] {strides = array<i32>} : memref<2x1280xf32, #tpu.memory_space<vmem>>, vector<16xf32>,
        tpu.vector_store %arg9[%parallel_loop3A_764, %parallel_loop3A_765], %parallel_loop3A_760 {strides = array<i32>} : memref<2x1280xf32, #tpu.memory_space<vmem>>, vector<16xf32>,
      } {sc.loop_unroll_factor = 2 : i64, sc.parallel_access}
      %mul3A_302 = arith.constant 1280 : i32
      %mul3A_303 = arith.muli %add3A_246, %mul3A_302 : i32
      %add3A_304 = arith.addi %mul3A_2, %mul3A_303 : i32
      %dma_start3A_305 = arith.constant 0 : i32
      %dma_start3A_306 = arith.constant 0 : i32
      %dma_start3A_307 = tpu.memref_slice %arg9[%dma_start3A_305, %dma_start3A_306] : memref<2x1280xf32, #tpu.memory_space<vmem>> -> memref<1x1280xf32, #tpu.memory_space<vmem>>
      %dma_start3A_308 = tpu.memref_squeeze %dma_start3A_307 : memref<1x1280xf32, #tpu.memory_space<vmem>> -> memref<1280xf32, #tpu.memory_space<vmem>>
      %dma_start3A_309 = tpu.memref_slice %arg5[%add3A_304] : memref<3276800xf32, #tpu.memory_space<hbm>> -> memref<1280xf32, #tpu.memory_space<hbm>>
      %dma_start3A_310 = tpu.memref_slice %arg5[%add3A_304] : memref<3276800xf32, #tpu.memory_space<hbm>> -> memref<1280xf32, #tpu.memory_space<hbm>>
      %dma_start3A_311 = arith.constant 0 : i32
      %dma_start3A_312 = tpu.memref_slice %arg9[%dma_start3A_305, %dma_start3A_311] : memref<2x1280xf32, #tpu.memory_space<vmem>> -> memref<1x1280xf32, #tpu.memory_space<vmem>>
      %dma_start3A_313 = tpu.memref_squeeze %dma_start3A_312 : memref<1x1280xf32, #tpu.memory_space<vmem>> -> memref<1280xf32, #tpu.memory_space<vmem>>
      tpu.enqueue_dma source(%dma_start3A_313 : memref<1280xf32, #tpu.memory_space<vmem>>) target(%dma_start3A_310 : memref<1280xf32, #tpu.memory_space<hbm>>) target_semaphore(%arg13 : memref<!tpu.dma_semaphore, #tpu.memory_space<semaphore_mem>>)
      %add3A_314 = arith.constant 1 : i32
      %add3A_315 = arith.addi %add3A_244, %add3A_314 : i32
      %add3A_316 = arith.constant 1 : i32
      %add3A_317 = arith.addi %add3A_315, %add3A_316 : i32
      %lt3A_318 = arith.constant 80 : i32
      %lt3A_319 = arith.cmpi slt, %add3A_317, %lt3A_318 : i32
      %convert_element_type3A_320 = arith.extui %lt3A_319 : i1 to i32
      %cond3A_321 = arith.constant 0 : i32
      %cond3A_322 = arith.cmpi ne, %convert_element_type3A_320, %cond3A_321 : i32
      scf.if %cond3A_322 {
        %dma_wait3A_389 = arith.constant 0 : i32
        %dma_wait3A_390 = arith.constant 0 : i32
        %dma_wait3A_391 = tpu.memref_slice %arg6[%dma_wait3A_389, %dma_wait3A_390] : memref<2x1280xi32, #tpu.memory_space<vmem>> -> memref<1x1280xi32, #tpu.memory_space<vmem>>
        %dma_wait3A_392 = tpu.memref_squeeze %dma_wait3A_391 : memref<1x1280xi32, #tpu.memory_space<vmem>> -> memref<1280xi32, #tpu.memory_space<vmem>>
        %dma_wait3A_393 = arith.constant 0 : i32
        %dma_wait3A_394 = tpu.memref_slice %arg3[%dma_wait3A_393] : memref<3276800xi32, #tpu.memory_space<hbm>> -> memref<1280xi32, #tpu.memory_space<hbm>>
        %dma_wait3A_395 = arith.constant 0 : i32
        %dma_wait3A_396 = tpu.memref_slice %arg6[%dma_wait3A_389, %dma_wait3A_395] : memref<2x1280xi32, #tpu.memory_space<vmem>> -> memref<1x1280xi32, #tpu.memory_space<vmem>>
        %dma_wait3A_397 = tpu.memref_squeeze %dma_wait3A_396 : memref<1x1280xi32, #tpu.memory_space<vmem>> -> memref<1280xi32, #tpu.memory_space<vmem>>
        %dma_wait3A_398 = arith.constant 0 : i32
        %dma_wait3A_399 = tpu.memref_slice %arg3[%dma_wait3A_398] : memref<3276800xi32, #tpu.memory_space<hbm>> -> memref<1280xi32, #tpu.memory_space<hbm>>
        tpu.wait_dma2 semaphore(%arg12 : memref<!tpu.dma_semaphore, #tpu.memory_space<semaphore_mem>>) src(%dma_wait3A_399 : memref<1280xi32, #tpu.memory_space<hbm>>) dst(%dma_wait3A_397 : memref<1280xi32, #tpu.memory_space<vmem>>)
        %add3A_400 = arith.constant 1 : i32
        %add3A_401 = arith.addi %add3A_315, %add3A_400 : i32
        %mul3A_402 = arith.constant 1280 : i32
        %mul3A_403 = arith.muli %add3A_401, %mul3A_402 : i32
        %add3A_404 = arith.addi %mul3A_2, %mul3A_403 : i32
        %jit3A_405 = arith.constant 128 : i32
        %div3A_406 = arith.divsi %add3A_404, %jit3A_405 : i32
        %sign3A_407 = arith.constant 0 : i32
        %sign3A_408 = arith.cmpi sgt, %add3A_404, %sign3A_407 : i32
        %sign3A_409 = arith.extui %sign3A_408 : i1 to i32
        %sign3A_410 = arith.constant 0 : i32
        %sign3A_411 = arith.cmpi slt, %add3A_404, %sign3A_410 : i32
        %sign3A_412 = arith.extui %sign3A_411 : i1 to i32
        %sign3A_413 = arith.subi %sign3A_409, %sign3A_412 : i32
        %sign3A_414 = arith.constant 0 : i32
        %sign3A_415 = arith.cmpi sgt, %jit3A_405, %sign3A_414 : i32
        %sign3A_416 = arith.extui %sign3A_415 : i1 to i32
        %sign3A_417 = arith.constant 0 : i32
        %sign3A_418 = arith.cmpi slt, %jit3A_405, %sign3A_417 : i32
        %sign3A_419 = arith.extui %sign3A_418 : i1 to i32
        %sign3A_420 = arith.subi %sign3A_416, %sign3A_419 : i32
        %ne3A_421 = arith.cmpi ne, %sign3A_413, %sign3A_420 : i32
        %rem3A_422 = arith.remsi %add3A_404, %jit3A_405 : i32
        %ne3A_423 = arith.constant 0 : i32
        %ne3A_424 = arith.cmpi ne, %rem3A_422, %ne3A_423 : i32
        %and3A_425 = arith.andi %ne3A_421, %ne3A_424 : i1
        %sub3A_426 = arith.constant 1 : i32
        %sub3A_427 = arith.subi %div3A_406, %sub3A_426 : i32
        %select_n3A_428 = arith.select %and3A_425, %sub3A_427, %div3A_406 : i32
        %dma_start3A_429 = arith.constant 0 : i32
        %dma_start3A_430 = arith.constant 0 : i32
        %dma_start3A_431 = arith.constant 0 : i32
        %dma_start3A_432 = arith.constant 0 : i32
        %dma_start3A_433 = tpu.memref_slice %arg7[%dma_start3A_430, %dma_start3A_431, %dma_start3A_432] : memref<2x1280x16xf32, #tpu.memory_space<vmem>> -> memref<1x128x16xf32, #tpu.memory_space<vmem>>
        %dma_start3A_434 = tpu.memref_squeeze %dma_start3A_433 : memref<1x128x16xf32, #tpu.memory_space<vmem>> -> memref<128x16xf32, #tpu.memory_space<vmem>>
        %dma_start3A_435 = arith.constant 0 : i32
        %dma_start3A_436 = tpu.memref_slice %arg6[%dma_start3A_429, %dma_start3A_435] : memref<2x1280xi32, #tpu.memory_space<vmem>> -> memref<1x128xi32, #tpu.memory_space<vmem>>
        %dma_start3A_437 = tpu.memref_squeeze %dma_start3A_436 : memref<1x128xi32, #tpu.memory_space<vmem>> -> memref<128xi32, #tpu.memory_space<vmem>>
        %dma_start3A_438 = arith.constant 0 : i32
        %dma_start3A_439 = arith.constant 0 : i32
        %dma_start3A_440 = tpu.memref_slice %arg4[%dma_start3A_438, %dma_start3A_439] : memref<1000000x16xf32, #tpu.memory_space<hbm>> -> memref<1000000x16xf32, #tpu.memory_space<hbm>>
        tpu.enqueue_indirect_dma source(%dma_start3A_440 : memref<1000000x16xf32, #tpu.memory_space<hbm>>) target(%dma_start3A_434 : memref<128x16xf32, #tpu.memory_space<vmem>>) offsets(%dma_start3A_437 : memref<128xi32, #tpu.memory_space<vmem>>) semaphore(%arg10 : memref<!tpu.dma_semaphore, #tpu.memory_space<semaphore_mem>>)
        %dma_start3A_441 = arith.constant 0 : i32
        %dma_start3A_442 = arith.constant 0 : i32
        %dma_start3A_443 = arith.constant 128 : i32
        %dma_start3A_444 = arith.constant 0 : i32
        %dma_start3A_445 = tpu.memref_slice %arg7[%dma_start3A_442, %dma_start3A_443, %dma_start3A_444] : memref<2x1280x16xf32, #tpu.memory_space<vmem>> -> memref<1x128x16xf32, #tpu.memory_space<vmem>>
        %dma_start3A_446 = tpu.memref_squeeze %dma_start3A_445 : memref<1x128x16xf32, #tpu.memory_space<vmem>> -> memref<128x16xf32, #tpu.memory_space<vmem>>
        %dma_start3A_447 = arith.constant 128 : i32
        %dma_start3A_448 = tpu.memref_slice %arg6[%dma_start3A_441, %dma_start3A_447] : memref<2x1280xi32, #tpu.memory_space<vmem>> -> memref<1x128xi32, #tpu.memory_space<vmem>>
        %dma_start3A_449 = tpu.memref_squeeze %dma_start3A_448 : memref<1x128xi32, #tpu.memory_space<vmem>> -> memref<128xi32, #tpu.memory_space<vmem>>
        %dma_start3A_450 = arith.constant 0 : i32
        %dma_start3A_451 = arith.constant 0 : i32
        %dma_start3A_452 = tpu.memref_slice %arg4[%dma_start3A_450, %dma_start3A_451] : memref<1000000x16xf32, #tpu.memory_space<hbm>> -> memref<1000000x16xf32, #tpu.memory_space<hbm>>
        tpu.enqueue_indirect_dma source(%dma_start3A_452 : memref<1000000x16xf32, #tpu.memory_space<hbm>>) target(%dma_start3A_446 : memref<128x16xf32, #tpu.memory_space<vmem>>) offsets(%dma_start3A_449 : memref<128xi32, #tpu.memory_space<vmem>>) semaphore(%arg10 : memref<!tpu.dma_semaphore, #tpu.memory_space<semaphore_mem>>)
        %dma_start3A_453 = arith.constant 0 : i32
        %dma_start3A_454 = arith.constant 0 : i32
        %dma_start3A_455 = arith.constant 256 : i32
        %dma_start3A_456 = arith.constant 0 : i32
        %dma_start3A_457 = tpu.memref_slice %arg7[%dma_start3A_454, %dma_start3A_455, %dma_start3A_456] : memref<2x1280x16xf32, #tpu.memory_space<vmem>> -> memref<1x128x16xf32, #tpu.memory_space<vmem>>
        %dma_start3A_458 = tpu.memref_squeeze %dma_start3A_457 : memref<1x128x16xf32, #tpu.memory_space<vmem>> -> memref<128x16xf32, #tpu.memory_space<vmem>>
        %dma_start3A_459 = arith.constant 256 : i32
        %dma_start3A_460 = tpu.memref_slice %arg6[%dma_start3A_453, %dma_start3A_459] : memref<2x1280xi32, #tpu.memory_space<vmem>> -> memref<1x128xi32, #tpu.memory_space<vmem>>
        %dma_start3A_461 = tpu.memref_squeeze %dma_start3A_460 : memref<1x128xi32, #tpu.memory_space<vmem>> -> memref<128xi32, #tpu.memory_space<vmem>>
        %dma_start3A_462 = arith.constant 0 : i32
        %dma_start3A_463 = arith.constant 0 : i32
        %dma_start3A_464 = tpu.memref_slice %arg4[%dma_start3A_462, %dma_start3A_463] : memref<1000000x16xf32, #tpu.memory_space<hbm>> -> memref<1000000x16xf32, #tpu.memory_space<hbm>>
        tpu.enqueue_indirect_dma source(%dma_start3A_464 : memref<1000000x16xf32, #tpu.memory_space<hbm>>) target(%dma_start3A_458 : memref<128x16xf32, #tpu.memory_space<vmem>>) offsets(%dma_start3A_461 : memref<128xi32, #tpu.memory_space<vmem>>) semaphore(%arg10 : memref<!tpu.dma_semaphore, #tpu.memory_space<semaphore_mem>>)
        %dma_start3A_465 = arith.constant 0 : i32
        %dma_start3A_466 = arith.constant 0 : i32
        %dma_start3A_467 = arith.constant 384 : i32
        %dma_start3A_468 = arith.constant 0 : i32
        %dma_start3A_469 = tpu.memref_slice %arg7[%dma_start3A_466, %dma_start3A_467, %dma_start3A_468] : memref<2x1280x16xf32, #tpu.memory_space<vmem>> -> memref<1x128x16xf32, #tpu.memory_space<vmem>>
        %dma_start3A_470 = tpu.memref_squeeze %dma_start3A_469 : memref<1x128x16xf32, #tpu.memory_space<vmem>> -> memref<128x16xf32, #tpu.memory_space<vmem>>
        %dma_start3A_471 = arith.constant 384 : i32
        %dma_start3A_472 = tpu.memref_slice %arg6[%dma_start3A_465, %dma_start3A_471] : memref<2x1280xi32, #tpu.memory_space<vmem>> -> memref<1x128xi32, #tpu.memory_space<vmem>>
        %dma_start3A_473 = tpu.memref_squeeze %dma_start3A_472 : memref<1x128xi32, #tpu.memory_space<vmem>> -> memref<128xi32, #tpu.memory_space<vmem>>
        %dma_start3A_474 = arith.constant 0 : i32
        %dma_start3A_475 = arith.constant 0 : i32
        %dma_start3A_476 = tpu.memref_slice %arg4[%dma_start3A_474, %dma_start3A_475] : memref<1000000x16xf32, #tpu.memory_space<hbm>> -> memref<1000000x16xf32, #tpu.memory_space<hbm>>
        tpu.enqueue_indirect_dma source(%dma_start3A_476 : memref<1000000x16xf32, #tpu.memory_space<hbm>>) target(%dma_start3A_470 : memref<128x16xf32, #tpu.memory_space<vmem>>) offsets(%dma_start3A_473 : memref<128xi32, #tpu.memory_space<vmem>>) semaphore(%arg10 : memref<!tpu.dma_semaphore, #tpu.memory_space<semaphore_mem>>)
        %dma_start3A_477 = arith.constant 0 : i32
        %dma_start3A_478 = arith.constant 0 : i32
        %dma_start3A_479 = arith.constant 512 : i32
        %dma_start3A_480 = arith.constant 0 : i32
        %dma_start3A_481 = tpu.memref_slice %arg7[%dma_start3A_478, %dma_start3A_479, %dma_start3A_480] : memref<2x1280x16xf32, #tpu.memory_space<vmem>> -> memref<1x128x16xf32, #tpu.memory_space<vmem>>
        %dma_start3A_482 = tpu.memref_squeeze %dma_start3A_481 : memref<1x128x16xf32, #tpu.memory_space<vmem>> -> memref<128x16xf32, #tpu.memory_space<vmem>>
        %dma_start3A_483 = arith.constant 512 : i32
        %dma_start3A_484 = tpu.memref_slice %arg6[%dma_start3A_477, %dma_start3A_483] : memref<2x1280xi32, #tpu.memory_space<vmem>> -> memref<1x128xi32, #tpu.memory_space<vmem>>
        %dma_start3A_485 = tpu.memref_squeeze %dma_start3A_484 : memref<1x128xi32, #tpu.memory_space<vmem>> -> memref<128xi32, #tpu.memory_space<vmem>>
        %dma_start3A_486 = arith.constant 0 : i32
        %dma_start3A_487 = arith.constant 0 : i32
        %dma_start3A_488 = tpu.memref_slice %arg4[%dma_start3A_486, %dma_start3A_487] : memref<1000000x16xf32, #tpu.memory_space<hbm>> -> memref<1000000x16xf32, #tpu.memory_space<hbm>>
        tpu.enqueue_indirect_dma source(%dma_start3A_488 : memref<1000000x16xf32, #tpu.memory_space<hbm>>) target(%dma_start3A_482 : memref<128x16xf32, #tpu.memory_space<vmem>>) offsets(%dma_start3A_485 : memref<128xi32, #tpu.memory_space<vmem>>) semaphore(%arg10 : memref<!tpu.dma_semaphore, #tpu.memory_space<semaphore_mem>>)
        %dma_start3A_489 = arith.constant 0 : i32
        %dma_start3A_490 = arith.constant 0 : i32
        %dma_start3A_491 = arith.constant 640 : i32
        %dma_start3A_492 = arith.constant 0 : i32
        %dma_start3A_493 = tpu.memref_slice %arg7[%dma_start3A_490, %dma_start3A_491, %dma_start3A_492] : memref<2x1280x16xf32, #tpu.memory_space<vmem>> -> memref<1x128x16xf32, #tpu.memory_space<vmem>>
        %dma_start3A_494 = tpu.memref_squeeze %dma_start3A_493 : memref<1x128x16xf32, #tpu.memory_space<vmem>> -> memref<128x16xf32, #tpu.memory_space<vmem>>
        %dma_start3A_495 = arith.constant 640 : i32
        %dma_start3A_496 = tpu.memref_slice %arg6[%dma_start3A_489, %dma_start3A_495] : memref<2x1280xi32, #tpu.memory_space<vmem>> -> memref<1x128xi32, #tpu.memory_space<vmem>>
        %dma_start3A_497 = tpu.memref_squeeze %dma_start3A_496 : memref<1x128xi32, #tpu.memory_space<vmem>> -> memref<128xi32, #tpu.memory_space<vmem>>
        %dma_start3A_498 = arith.constant 0 : i32
        %dma_start3A_499 = arith.constant 0 : i32
        %dma_start3A_500 = tpu.memref_slice %arg4[%dma_start3A_498, %dma_start3A_499] : memref<1000000x16xf32, #tpu.memory_space<hbm>> -> memref<1000000x16xf32, #tpu.memory_space<hbm>>
        tpu.enqueue_indirect_dma source(%dma_start3A_500 : memref<1000000x16xf32, #tpu.memory_space<hbm>>) target(%dma_start3A_494 : memref<128x16xf32, #tpu.memory_space<vmem>>) offsets(%dma_start3A_497 : memref<128xi32, #tpu.memory_space<vmem>>) semaphore(%arg10 : memref<!tpu.dma_semaphore, #tpu.memory_space<semaphore_mem>>)
        %dma_start3A_501 = arith.constant 0 : i32
        %dma_start3A_502 = arith.constant 0 : i32
        %dma_start3A_503 = arith.constant 768 : i32
        %dma_start3A_504 = arith.constant 0 : i32
        %dma_start3A_505 = tpu.memref_slice %arg7[%dma_start3A_502, %dma_start3A_503, %dma_start3A_504] : memref<2x1280x16xf32, #tpu.memory_space<vmem>> -> memref<1x128x16xf32, #tpu.memory_space<vmem>>
        %dma_start3A_506 = tpu.memref_squeeze %dma_start3A_505 : memref<1x128x16xf32, #tpu.memory_space<vmem>> -> memref<128x16xf32, #tpu.memory_space<vmem>>
        %dma_start3A_507 = arith.constant 768 : i32
        %dma_start3A_508 = tpu.memref_slice %arg6[%dma_start3A_501, %dma_start3A_507] : memref<2x1280xi32, #tpu.memory_space<vmem>> -> memref<1x128xi32, #tpu.memory_space<vmem>>
        %dma_start3A_509 = tpu.memref_squeeze %dma_start3A_508 : memref<1x128xi32, #tpu.memory_space<vmem>> -> memref<128xi32, #tpu.memory_space<vmem>>
        %dma_start3A_510 = arith.constant 0 : i32
        %dma_start3A_511 = arith.constant 0 : i32
        %dma_start3A_512 = tpu.memref_slice %arg4[%dma_start3A_510, %dma_start3A_511] : memref<1000000x16xf32, #tpu.memory_space<hbm>> -> memref<1000000x16xf32, #tpu.memory_space<hbm>>
        tpu.enqueue_indirect_dma source(%dma_start3A_512 : memref<1000000x16xf32, #tpu.memory_space<hbm>>) target(%dma_start3A_506 : memref<128x16xf32, #tpu.memory_space<vmem>>) offsets(%dma_start3A_509 : memref<128xi32, #tpu.memory_space<vmem>>) semaphore(%arg10 : memref<!tpu.dma_semaphore, #tpu.memory_space<semaphore_mem>>)
        %dma_start3A_513 = arith.constant 0 : i32
        %dma_start3A_514 = arith.constant 0 : i32
        %dma_start3A_515 = arith.constant 896 : i32
        %dma_start3A_516 = arith.constant 0 : i32
        %dma_start3A_517 = tpu.memref_slice %arg7[%dma_start3A_514, %dma_start3A_515, %dma_start3A_516] : memref<2x1280x16xf32, #tpu.memory_space<vmem>> -> memref<1x128x16xf32, #tpu.memory_space<vmem>>
        %dma_start3A_518 = tpu.memref_squeeze %dma_start3A_517 : memref<1x128x16xf32, #tpu.memory_space<vmem>> -> memref<128x16xf32, #tpu.memory_space<vmem>>
        %dma_start3A_519 = arith.constant 896 : i32
        %dma_start3A_520 = tpu.memref_slice %arg6[%dma_start3A_513, %dma_start3A_519] : memref<2x1280xi32, #tpu.memory_space<vmem>> -> memref<1x128xi32, #tpu.memory_space<vmem>>
        %dma_start3A_521 = tpu.memref_squeeze %dma_start3A_520 : memref<1x128xi32, #tpu.memory_space<vmem>> -> memref<128xi32, #tpu.memory_space<vmem>>
        %dma_start3A_522 = arith.constant 0 : i32
        %dma_start3A_523 = arith.constant 0 : i32
        %dma_start3A_524 = tpu.memref_slice %arg4[%dma_start3A_522, %dma_start3A_523] : memref<1000000x16xf32, #tpu.memory_space<hbm>> -> memref<1000000x16xf32, #tpu.memory_space<hbm>>
        tpu.enqueue_indirect_dma source(%dma_start3A_524 : memref<1000000x16xf32, #tpu.memory_space<hbm>>) target(%dma_start3A_518 : memref<128x16xf32, #tpu.memory_space<vmem>>) offsets(%dma_start3A_521 : memref<128xi32, #tpu.memory_space<vmem>>) semaphore(%arg10 : memref<!tpu.dma_semaphore, #tpu.memory_space<semaphore_mem>>)
        %dma_start3A_525 = arith.constant 0 : i32
        %dma_start3A_526 = arith.constant 0 : i32
        %dma_start3A_527 = arith.constant 1024 : i32
        %dma_start3A_528 = arith.constant 0 : i32
        %dma_start3A_529 = tpu.memref_slice %arg7[%dma_start3A_526, %dma_start3A_527, %dma_start3A_528] : memref<2x1280x16xf32, #tpu.memory_space<vmem>> -> memref<1x128x16xf32, #tpu.memory_space<vmem>>
        %dma_start3A_530 = tpu.memref_squeeze %dma_start3A_529 : memref<1x128x16xf32, #tpu.memory_space<vmem>> -> memref<128x16xf32, #tpu.memory_space<vmem>>
        %dma_start3A_531 = arith.constant 1024 : i32
        %dma_start3A_532 = tpu.memref_slice %arg6[%dma_start3A_525, %dma_start3A_531] : memref<2x1280xi32, #tpu.memory_space<vmem>> -> memref<1x128xi32, #tpu.memory_space<vmem>>
        %dma_start3A_533 = tpu.memref_squeeze %dma_start3A_532 : memref<1x128xi32, #tpu.memory_space<vmem>> -> memref<128xi32, #tpu.memory_space<vmem>>
        %dma_start3A_534 = arith.constant 0 : i32
        %dma_start3A_535 = arith.constant 0 : i32
        %dma_start3A_536 = tpu.memref_slice %arg4[%dma_start3A_534, %dma_start3A_535] : memref<1000000x16xf32, #tpu.memory_space<hbm>> -> memref<1000000x16xf32, #tpu.memory_space<hbm>>
        tpu.enqueue_indirect_dma source(%dma_start3A_536 : memref<1000000x16xf32, #tpu.memory_space<hbm>>) target(%dma_start3A_530 : memref<128x16xf32, #tpu.memory_space<vmem>>) offsets(%dma_start3A_533 : memref<128xi32, #tpu.memory_space<vmem>>) semaphore(%arg10 : memref<!tpu.dma_semaphore, #tpu.memory_space<semaphore_mem>>)
        %dma_start3A_537 = arith.constant 0 : i32
        %dma_start3A_538 = arith.constant 0 : i32
        %dma_start3A_539 = arith.constant 1152 : i32
        %dma_start3A_540 = arith.constant 0 : i32
        %dma_start3A_541 = tpu.memref_slice %arg7[%dma_start3A_538, %dma_start3A_539, %dma_start3A_540] : memref<2x1280x16xf32, #tpu.memory_space<vmem>> -> memref<1x128x16xf32, #tpu.memory_space<vmem>>
        %dma_start3A_542 = tpu.memref_squeeze %dma_start3A_541 : memref<1x128x16xf32, #tpu.memory_space<vmem>> -> memref<128x16xf32, #tpu.memory_space<vmem>>
        %dma_start3A_543 = arith.constant 1152 : i32
        %dma_start3A_544 = tpu.memref_slice %arg6[%dma_start3A_537, %dma_start3A_543] : memref<2x1280xi32, #tpu.memory_space<vmem>> -> memref<1x128xi32, #tpu.memory_space<vmem>>
        %dma_start3A_545 = tpu.memref_squeeze %dma_start3A_544 : memref<1x128xi32, #tpu.memory_space<vmem>> -> memref<128xi32, #tpu.memory_space<vmem>>
        %dma_start3A_546 = arith.constant 0 : i32
        %dma_start3A_547 = arith.constant 0 : i32
        %dma_start3A_548 = tpu.memref_slice %arg4[%dma_start3A_546, %dma_start3A_547] : memref<1000000x16xf32, #tpu.memory_space<hbm>> -> memref<1000000x16xf32, #tpu.memory_space<hbm>>
        tpu.enqueue_indirect_dma source(%dma_start3A_548 : memref<1000000x16xf32, #tpu.memory_space<hbm>>) target(%dma_start3A_542 : memref<128x16xf32, #tpu.memory_space<vmem>>) offsets(%dma_start3A_545 : memref<128xi32, #tpu.memory_space<vmem>>) semaphore(%arg10 : memref<!tpu.dma_semaphore, #tpu.memory_space<semaphore_mem>>)
        %dma_start3A_549 = arith.constant 0 : i32
        %dma_start3A_550 = arith.constant 0 : i32
        %dma_start3A_551 = arith.constant 0 : i32
        %dma_start3A_552 = arith.constant 0 : i32
        %dma_start3A_553 = arith.constant 0 : i32
        %dma_start3A_554 = arith.constant 0 : i32
        %dma_start3A_555 = tpu.memref_slice %arg8[%dma_start3A_550, %dma_start3A_551, %dma_start3A_552, %dma_start3A_553, %dma_start3A_554] : memref<2x2x10x8x128xf32, #tpu.memory_space<vmem>> -> memref<1x1x10x8x128xf32, #tpu.memory_space<vmem>>
        %dma_start3A_556 = tpu.memref_squeeze %dma_start3A_555 : memref<1x1x10x8x128xf32, #tpu.memory_space<vmem>> -> memref<10x8x128xf32, #tpu.memory_space<vmem>>
        %dma_start3A_557 = arith.constant 0 : i32
        %dma_start3A_558 = arith.constant 0 : i32
        %dma_start3A_559 = tpu.memref_slice %arg2[%dma_start3A_549, %select_n3A_428, %dma_start3A_557, %dma_start3A_558] : memref<2x25600x8x128xf32, #tpu.memory_space<hbm>> -> memref<1x10x8x128xf32, #tpu.memory_space<hbm>>
        %dma_start3A_560 = tpu.memref_squeeze %dma_start3A_559 : memref<1x10x8x128xf32, #tpu.memory_space<hbm>> -> memref<10x8x128xf32, #tpu.memory_space<hbm>>
        %dma_start3A_561 = arith.constant 0 : i32
        %dma_start3A_562 = arith.constant 0 : i32
        %dma_start3A_563 = arith.constant 0 : i32
        %dma_start3A_564 = tpu.memref_slice %arg8[%dma_start3A_550, %dma_start3A_551, %dma_start3A_561, %dma_start3A_562, %dma_start3A_563] : memref<2x2x10x8x128xf32, #tpu.memory_space<vmem>> -> memref<1x1x10x8x128xf32, #tpu.memory_space<vmem>>
        %dma_start3A_565 = tpu.memref_squeeze %dma_start3A_564 : memref<1x1x10x8x128xf32, #tpu.memory_space<vmem>> -> memref<10x8x128xf32, #tpu.memory_space<vmem>>
        %dma_start3A_566 = arith.constant 0 : i32
        %dma_start3A_567 = arith.constant 0 : i32
        %dma_start3A_568 = tpu.memref_slice %arg2[%dma_start3A_549, %select_n3A_428, %dma_start3A_566, %dma_start3A_567] : memref<2x25600x8x128xf32, #tpu.memory_space<hbm>> -> memref<1x10x8x128xf32, #tpu.memory_space<hbm>>
        %dma_start3A_569 = tpu.memref_squeeze %dma_start3A_568 : memref<1x10x8x128xf32, #tpu.memory_space<hbm>> -> memref<10x8x128xf32, #tpu.memory_space<hbm>>
        tpu.enqueue_dma source(%dma_start3A_569 : memref<10x8x128xf32, #tpu.memory_space<hbm>>) target(%dma_start3A_565 : memref<10x8x128xf32, #tpu.memory_space<vmem>>) target_semaphore(%arg11 : memref<!tpu.dma_semaphore, #tpu.memory_space<semaphore_mem>>)
        %dma_start3A_570 = arith.constant 1 : i32
        %dma_start3A_571 = arith.constant 0 : i32
        %dma_start3A_572 = arith.constant 1 : i32
        %dma_start3A_573 = arith.constant 0 : i32
        %dma_start3A_574 = arith.constant 0 : i32
        %dma_start3A_575 = arith.constant 0 : i32
        %dma_start3A_576 = tpu.memref_slice %arg8[%dma_start3A_571, %dma_start3A_572, %dma_start3A_573, %dma_start3A_574, %dma_start3A_575] : memref<2x2x10x8x128xf32, #tpu.memory_space<vmem>> -> memref<1x1x10x8x128xf32, #tpu.memory_space<vmem>>
        %dma_start3A_577 = tpu.memref_squeeze %dma_start3A_576 : memref<1x1x10x8x128xf32, #tpu.memory_space<vmem>> -> memref<10x8x128xf32, #tpu.memory_space<vmem>>
        %dma_start3A_578 = arith.constant 0 : i32
        %dma_start3A_579 = arith.constant 0 : i32
        %dma_start3A_580 = tpu.memref_slice %arg2[%dma_start3A_570, %select_n3A_428, %dma_start3A_578, %dma_start3A_579] : memref<2x25600x8x128xf32, #tpu.memory_space<hbm>> -> memref<1x10x8x128xf32, #tpu.memory_space<hbm>>
        %dma_start3A_581 = tpu.memref_squeeze %dma_start3A_580 : memref<1x10x8x128xf32, #tpu.memory_space<hbm>> -> memref<10x8x128xf32, #tpu.memory_space<hbm>>
        %dma_start3A_582 = arith.constant 0 : i32
        %dma_start3A_583 = arith.constant 0 : i32
        %dma_start3A_584 = arith.constant 0 : i32
        %dma_start3A_585 = tpu.memref_slice %arg8[%dma_start3A_571, %dma_start3A_572, %dma_start3A_582, %dma_start3A_583, %dma_start3A_584] : memref<2x2x10x8x128xf32, #tpu.memory_space<vmem>> -> memref<1x1x10x8x128xf32, #tpu.memory_space<vmem>>
        %dma_start3A_586 = tpu.memref_squeeze %dma_start3A_585 : memref<1x1x10x8x128xf32, #tpu.memory_space<vmem>> -> memref<10x8x128xf32, #tpu.memory_space<vmem>>
        %dma_start3A_587 = arith.constant 0 : i32
        %dma_start3A_588 = arith.constant 0 : i32
        %dma_start3A_589 = tpu.memref_slice %arg2[%dma_start3A_570, %select_n3A_428, %dma_start3A_587, %dma_start3A_588] : memref<2x25600x8x128xf32, #tpu.memory_space<hbm>> -> memref<1x10x8x128xf32, #tpu.memory_space<hbm>>
        %dma_start3A_590 = tpu.memref_squeeze %dma_start3A_589 : memref<1x10x8x128xf32, #tpu.memory_space<hbm>> -> memref<10x8x128xf32, #tpu.memory_space<hbm>>
        tpu.enqueue_dma source(%dma_start3A_590 : memref<10x8x128xf32, #tpu.memory_space<hbm>>) target(%dma_start3A_586 : memref<10x8x128xf32, #tpu.memory_space<vmem>>) target_semaphore(%arg11 : memref<!tpu.dma_semaphore, #tpu.memory_space<semaphore_mem>>)
      } else {
      }
      %dma_wait3A_323 = arith.constant 1 : i32
      %dma_wait3A_324 = arith.constant 0 : i32
      %dma_wait3A_325 = arith.constant 0 : i32
      %dma_wait3A_326 = tpu.memref_slice %arg7[%dma_wait3A_323, %dma_wait3A_324, %dma_wait3A_325] : memref<2x1280x16xf32, #tpu.memory_space<vmem>> -> memref<1x1280x16xf32, #tpu.memory_space<vmem>>
      %dma_wait3A_327 = tpu.memref_squeeze %dma_wait3A_326 : memref<1x1280x16xf32, #tpu.memory_space<vmem>> -> memref<1280x16xf32, #tpu.memory_space<vmem>>
      %dma_wait3A_328 = arith.constant 0 : i32
      %dma_wait3A_329 = arith.constant 0 : i32
      %dma_wait3A_330 = tpu.memref_slice %arg4[%dma_wait3A_328, %dma_wait3A_329] : memref<1000000x16xf32, #tpu.memory_space<hbm>> -> memref<1280x16xf32, #tpu.memory_space<hbm>>
      %dma_wait3A_331 = arith.constant 0 : i32
      %dma_wait3A_332 = arith.constant 0 : i32
      %dma_wait3A_333 = tpu.memref_slice %arg7[%dma_wait3A_323, %dma_wait3A_331, %dma_wait3A_332] : memref<2x1280x16xf32, #tpu.memory_space<vmem>> -> memref<1x1280x16xf32, #tpu.memory_space<vmem>>
      %dma_wait3A_334 = tpu.memref_squeeze %dma_wait3A_333 : memref<1x1280x16xf32, #tpu.memory_space<vmem>> -> memref<1280x16xf32, #tpu.memory_space<vmem>>
      %dma_wait3A_335 = arith.constant 0 : i32
      %dma_wait3A_336 = arith.constant 0 : i32
      %dma_wait3A_337 = tpu.memref_slice %arg4[%dma_wait3A_335, %dma_wait3A_336] : memref<1000000x16xf32, #tpu.memory_space<hbm>> -> memref<1280x16xf32, #tpu.memory_space<hbm>>
      tpu.wait_dma2 semaphore(%arg10 : memref<!tpu.dma_semaphore, #tpu.memory_space<semaphore_mem>>) src(%dma_wait3A_337 : memref<1280x16xf32, #tpu.memory_space<hbm>>) dst(%dma_wait3A_334 : memref<1280x16xf32, #tpu.memory_space<vmem>>)
      %dma_wait3A_338 = arith.constant 1 : i32
      %dma_wait3A_339 = arith.constant 0 : i32
      %dma_wait3A_340 = arith.constant 0 : i32
      %dma_wait3A_341 = arith.constant 0 : i32
      %dma_wait3A_342 = arith.constant 0 : i32
      %dma_wait3A_343 = tpu.memref_slice %arg8[%dma_wait3A_338, %dma_wait3A_339, %dma_wait3A_340, %dma_wait3A_341, %dma_wait3A_342] : memref<2x2x10x8x128xf32, #tpu.memory_space<vmem>> -> memref<1x2x10x8x128xf32, #tpu.memory_space<vmem>>
      %dma_wait3A_344 = tpu.memref_squeeze %dma_wait3A_343 : memref<1x2x10x8x128xf32, #tpu.memory_space<vmem>> -> memref<2x10x8x128xf32, #tpu.memory_space<vmem>>
      %dma_wait3A_345 = arith.constant 0 : i32
      %dma_wait3A_346 = arith.constant 0 : i32
      %dma_wait3A_347 = arith.constant 0 : i32
      %dma_wait3A_348 = arith.constant 0 : i32
      %dma_wait3A_349 = tpu.memref_slice %arg2[%dma_wait3A_345, %dma_wait3A_346, %dma_wait3A_347, %dma_wait3A_348] : memref<2x25600x8x128xf32, #tpu.memory_space<hbm>> -> memref<2x10x8x128xf32, #tpu.memory_space<hbm>>
      %dma_wait3A_350 = arith.constant 0 : i32
      %dma_wait3A_351 = arith.constant 0 : i32
      %dma_wait3A_352 = arith.constant 0 : i32
      %dma_wait3A_353 = arith.constant 0 : i32
      %dma_wait3A_354 = tpu.memref_slice %arg8[%dma_wait3A_338, %dma_wait3A_350, %dma_wait3A_351, %dma_wait3A_352, %dma_wait3A_353] : memref<2x2x10x8x128xf32, #tpu.memory_space<vmem>> -> memref<1x2x10x8x128xf32, #tpu.memory_space<vmem>>
      %dma_wait3A_355 = tpu.memref_squeeze %dma_wait3A_354 : memref<1x2x10x8x128xf32, #tpu.memory_space<vmem>> -> memref<2x10x8x128xf32, #tpu.memory_space<vmem>>
      %dma_wait3A_356 = arith.constant 0 : i32
      %dma_wait3A_357 = arith.constant 0 : i32
      %dma_wait3A_358 = arith.constant 0 : i32
      %dma_wait3A_359 = arith.constant 0 : i32
      %dma_wait3A_360 = tpu.memref_slice %arg2[%dma_wait3A_356, %dma_wait3A_357, %dma_wait3A_358, %dma_wait3A_359] : memref<2x25600x8x128xf32, #tpu.memory_space<hbm>> -> memref<2x10x8x128xf32, #tpu.memory_space<hbm>>
      tpu.wait_dma2 semaphore(%arg11 : memref<!tpu.dma_semaphore, #tpu.memory_space<semaphore_mem>>) src(%dma_wait3A_360 : memref<2x10x8x128xf32, #tpu.memory_space<hbm>>) dst(%dma_wait3A_355 : memref<2x10x8x128xf32, #tpu.memory_space<vmem>>)
      %add3A_361 = arith.constant 2 : i32
      %add3A_362 = arith.addi %add3A_315, %add3A_361 : i32
      %lt3A_363 = arith.constant 80 : i32
      %lt3A_364 = arith.cmpi slt, %add3A_362, %lt3A_363 : i32
      %convert_element_type3A_365 = arith.extui %lt3A_364 : i1 to i32
      %cond3A_366 = arith.constant 0 : i32
      %cond3A_367 = arith.cmpi ne, %convert_element_type3A_365, %cond3A_366 : i32
      scf.if %cond3A_367 {
        %add3A_389 = arith.constant 2 : i32
        %add3A_390 = arith.addi %add3A_315, %add3A_389 : i32
        %mul3A_391 = arith.constant 1280 : i32
        %mul3A_392 = arith.muli %add3A_390, %mul3A_391 : i32
        %add3A_393 = arith.addi %mul3A_2, %mul3A_392 : i32
        %dma_start3A_394 = arith.constant 1 : i32
        %dma_start3A_395 = arith.constant 0 : i32
        %dma_start3A_396 = tpu.memref_slice %arg6[%dma_start3A_394, %dma_start3A_395] : memref<2x1280xi32, #tpu.memory_space<vmem>> -> memref<1x1280xi32, #tpu.memory_space<vmem>>
        %dma_start3A_397 = tpu.memref_squeeze %dma_start3A_396 : memref<1x1280xi32, #tpu.memory_space<vmem>> -> memref<1280xi32, #tpu.memory_space<vmem>>
        %dma_start3A_398 = tpu.memref_slice %arg3[%add3A_393] : memref<3276800xi32, #tpu.memory_space<hbm>> -> memref<1280xi32, #tpu.memory_space<hbm>>
        %dma_start3A_399 = arith.constant 0 : i32
        %dma_start3A_400 = tpu.memref_slice %arg6[%dma_start3A_394, %dma_start3A_399] : memref<2x1280xi32, #tpu.memory_space<vmem>> -> memref<1x1280xi32, #tpu.memory_space<vmem>>
        %dma_start3A_401 = tpu.memref_squeeze %dma_start3A_400 : memref<1x1280xi32, #tpu.memory_space<vmem>> -> memref<1280xi32, #tpu.memory_space<vmem>>
        %dma_start3A_402 = tpu.memref_slice %arg3[%add3A_393] : memref<3276800xi32, #tpu.memory_space<hbm>> -> memref<1280xi32, #tpu.memory_space<hbm>>
        tpu.enqueue_dma source(%dma_start3A_402 : memref<1280xi32, #tpu.memory_space<hbm>>) target(%dma_start3A_401 : memref<1280xi32, #tpu.memory_space<vmem>>) target_semaphore(%arg12 : memref<!tpu.dma_semaphore, #tpu.memory_space<semaphore_mem>>)
      } else {
      }
      %ge3A_368 = arith.constant 2 : i32
      %ge3A_369 = arith.cmpi sge, %add3A_315, %ge3A_368 : i32
      %convert_element_type3A_370 = arith.extui %ge3A_369 : i1 to i32
      %cond3A_371 = arith.constant 0 : i32
      %cond3A_372 = arith.cmpi ne, %convert_element_type3A_370, %cond3A_371 : i32
      scf.if %cond3A_372 {
        %dma_wait3A_389 = arith.constant 1 : i32
        %dma_wait3A_390 = arith.constant 0 : i32
        %dma_wait3A_391 = tpu.memref_slice %arg9[%dma_wait3A_389, %dma_wait3A_390] : memref<2x1280xf32, #tpu.memory_space<vmem>> -> memref<1x1280xf32, #tpu.memory_space<vmem>>
        %dma_wait3A_392 = tpu.memref_squeeze %dma_wait3A_391 : memref<1x1280xf32, #tpu.memory_space<vmem>> -> memref<1280xf32, #tpu.memory_space<vmem>>
        %dma_wait3A_393 = arith.constant 0 : i32
        %dma_wait3A_394 = tpu.memref_slice %arg5[%dma_wait3A_393] : memref<3276800xf32, #tpu.memory_space<hbm>> -> memref<1280xf32, #tpu.memory_space<hbm>>
        %dma_wait3A_395 = arith.constant 0 : i32
        %dma_wait3A_396 = tpu.memref_slice %arg5[%dma_wait3A_395] : memref<3276800xf32, #tpu.memory_space<hbm>> -> memref<1280xf32, #tpu.memory_space<hbm>>
        %dma_wait3A_397 = arith.constant 0 : i32
        %dma_wait3A_398 = tpu.memref_slice %arg9[%dma_wait3A_389, %dma_wait3A_397] : memref<2x1280xf32, #tpu.memory_space<vmem>> -> memref<1x1280xf32, #tpu.memory_space<vmem>>
        %dma_wait3A_399 = tpu.memref_squeeze %dma_wait3A_398 : memref<1x1280xf32, #tpu.memory_space<vmem>> -> memref<1280xf32, #tpu.memory_space<vmem>>
        tpu.wait_dma2 semaphore(%arg13 : memref<!tpu.dma_semaphore, #tpu.memory_space<semaphore_mem>>) src(%dma_wait3A_399 : memref<1280xf32, #tpu.memory_space<vmem>>) dst(%dma_wait3A_396 : memref<1280xf32, #tpu.memory_space<hbm>>)
      } else {
      }
      %iota3A_373 = tpu.iota {dimensions = array<i32: 0>} : vector<16xi32>
      %parallel_loop3A_374 = arith.constant 0 : i32
      %parallel_loop3A_375 = arith.constant 80 : i32
      %parallel_loop3A_376 = arith.constant 1 : i32
      scf.for %parallel_loop3A_389 = %parallel_loop3A_374 to %parallel_loop3A_375 step %parallel_loop3A_376  : i32 {
        %parallel_loop3A_390 = arith.constant 8 : i32
        %parallel_loop3A_391 = arith.divsi %parallel_loop3A_389, %parallel_loop3A_390 : i32
        %parallel_loop3A_392 = arith.constant 0 : i32
        %parallel_loop3A_393 = arith.cmpi sgt, %parallel_loop3A_389, %parallel_loop3A_392 : i32
        %parallel_loop3A_394 = arith.extui %parallel_loop3A_393 : i1 to i32
        %parallel_loop3A_395 = arith.constant 0 : i32
        %parallel_loop3A_396 = arith.cmpi slt, %parallel_loop3A_389, %parallel_loop3A_395 : i32
        %parallel_loop3A_397 = arith.extui %parallel_loop3A_396 : i1 to i32
        %parallel_loop3A_398 = arith.subi %parallel_loop3A_394, %parallel_loop3A_397 : i32
        %parallel_loop3A_399 = arith.constant 0 : i32
        %parallel_loop3A_400 = arith.cmpi sgt, %parallel_loop3A_390, %parallel_loop3A_399 : i32
        %parallel_loop3A_401 = arith.extui %parallel_loop3A_400 : i1 to i32
        %parallel_loop3A_402 = arith.constant 0 : i32
        %parallel_loop3A_403 = arith.cmpi slt, %parallel_loop3A_390, %parallel_loop3A_402 : i32
        %parallel_loop3A_404 = arith.extui %parallel_loop3A_403 : i1 to i32
        %parallel_loop3A_405 = arith.subi %parallel_loop3A_401, %parallel_loop3A_404 : i32
        %parallel_loop3A_406 = arith.cmpi ne, %parallel_loop3A_398, %parallel_loop3A_405 : i32
        %parallel_loop3A_407 = arith.remsi %parallel_loop3A_389, %parallel_loop3A_390 : i32
        %parallel_loop3A_408 = arith.constant 0 : i32
        %parallel_loop3A_409 = arith.cmpi ne, %parallel_loop3A_407, %parallel_loop3A_408 : i32
        %parallel_loop3A_410 = arith.andi %parallel_loop3A_406, %parallel_loop3A_409 : i1
        %parallel_loop3A_411 = arith.constant 1 : i32
        %parallel_loop3A_412 = arith.subi %parallel_loop3A_391, %parallel_loop3A_411 : i32
        %parallel_loop3A_413 = arith.select %parallel_loop3A_410, %parallel_loop3A_412, %parallel_loop3A_391 : i32
        %parallel_loop3A_414 = arith.constant 8 : i32
        %parallel_loop3A_415 = arith.constant 0 : i32
        %parallel_loop3A_416 = arith.cmpi eq, %parallel_loop3A_414, %parallel_loop3A_415 : i32
        %parallel_loop3A_417 = arith.constant 1 : i32
        %parallel_loop3A_418 = arith.select %parallel_loop3A_416, %parallel_loop3A_417, %parallel_loop3A_414 : i32
        %parallel_loop3A_419 = arith.remsi %parallel_loop3A_389, %parallel_loop3A_418 : i32
        %parallel_loop3A_420 = arith.constant 0 : i32
        %parallel_loop3A_421 = arith.cmpi ne, %parallel_loop3A_419, %parallel_loop3A_420 : i32
        %parallel_loop3A_422 = arith.constant 0 : i32
        %parallel_loop3A_423 = arith.cmpi slt, %parallel_loop3A_419, %parallel_loop3A_422 : i32
        %parallel_loop3A_424 = arith.constant 0 : i32
        %parallel_loop3A_425 = arith.cmpi slt, %parallel_loop3A_418, %parallel_loop3A_424 : i32
        %parallel_loop3A_426 = arith.xori %parallel_loop3A_423, %parallel_loop3A_425 : i1
        %parallel_loop3A_427 = arith.andi %parallel_loop3A_426, %parallel_loop3A_421 : i1
        %parallel_loop3A_428 = arith.addi %parallel_loop3A_419, %parallel_loop3A_418 : i32
        %parallel_loop3A_429 = arith.select %parallel_loop3A_427, %parallel_loop3A_428, %parallel_loop3A_419 : i32
        %parallel_loop3A_430 = arith.constant 16 : i32
        %parallel_loop3A_431 = arith.muli %parallel_loop3A_429, %parallel_loop3A_430 : i32
        %parallel_loop3A_432 = arith.constant 16 : i32
        %parallel_loop3A_433 = arith.muli %parallel_loop3A_389, %parallel_loop3A_432 : i32
        %parallel_loop3A_434 = vector.broadcast %parallel_loop3A_433 : i32 to vector<16xi32>
        %parallel_loop3A_435 = arith.addi %parallel_loop3A_434, %iota3A_373 : vector<16xi32>
        %parallel_loop3A_436 = arith.constant 1 : i32
        %parallel_loop3A_437 = arith.constant 0 : i32
        %parallel_loop3A_438 = arith.constant 0 : i32
        %parallel_loop3A_439 = arith.index_cast %parallel_loop3A_436 : i32 to index
        %parallel_loop3A_440 = arith.index_cast %parallel_loop3A_437 : i32 to index
        %parallel_loop3A_441 = arith.index_cast %parallel_loop3A_413 : i32 to index
        %parallel_loop3A_442 = arith.index_cast %parallel_loop3A_438 : i32 to index
        %parallel_loop3A_443 = arith.index_cast %parallel_loop3A_431 : i32 to index
        %parallel_loop3A_444 = tpu.vector_load %arg8[%parallel_loop3A_439, %parallel_loop3A_440, %parallel_loop3A_441, %parallel_loop3A_442, %parallel_loop3A_443] {strides = array<i32>} : memref<2x2x10x8x128xf32, #tpu.memory_space<vmem>>, vector<16xf32>,
        %parallel_loop3A_445 = arith.constant 0 : i32
        %parallel_loop3A_446 = vector.broadcast %parallel_loop3A_445 : i32 to vector<16xi32>
        %parallel_loop3A_447 = arith.constant 1 : i32
        %parallel_loop3A_448 = arith.constant 0 : i32
        %parallel_loop3A_449 = arith.constant 0 : i32
        %parallel_loop3A_450 = tpu.memref_slice %arg7[%parallel_loop3A_447, %parallel_loop3A_448, %parallel_loop3A_449] : memref<2x1280x16xf32, #tpu.memory_space<vmem>> -> memref<1x1280x16xf32, #tpu.memory_space<vmem>>
        %parallel_loop3A_451 = tpu.memref_squeeze %parallel_loop3A_450 : memref<1x1280x16xf32, #tpu.memory_space<vmem>> -> memref<1280x16xf32, #tpu.memory_space<vmem>>
        %parallel_loop3A_452 = tpu.vector_load_idx %parallel_loop3A_451[%parallel_loop3A_435, %parallel_loop3A_446] : memref<1280x16xf32, #tpu.memory_space<vmem>>[vector<16xi32>, vector<16xi32>], vector<16xf32>,
        %parallel_loop3A_453 = arith.subf %parallel_loop3A_444, %parallel_loop3A_452 : vector<16xf32>
        %parallel_loop3A_454 = arith.mulf %parallel_loop3A_453, %parallel_loop3A_453 : vector<16xf32>
        %parallel_loop3A_455 = arith.constant 1 : i32
        %parallel_loop3A_456 = arith.constant 0 : i32
        %parallel_loop3A_457 = arith.constant 1 : i32
        %parallel_loop3A_458 = arith.index_cast %parallel_loop3A_455 : i32 to index
        %parallel_loop3A_459 = arith.index_cast %parallel_loop3A_456 : i32 to index
        %parallel_loop3A_460 = arith.index_cast %parallel_loop3A_413 : i32 to index
        %parallel_loop3A_461 = arith.index_cast %parallel_loop3A_457 : i32 to index
        %parallel_loop3A_462 = arith.index_cast %parallel_loop3A_431 : i32 to index
        %parallel_loop3A_463 = tpu.vector_load %arg8[%parallel_loop3A_458, %parallel_loop3A_459, %parallel_loop3A_460, %parallel_loop3A_461, %parallel_loop3A_462] {strides = array<i32>} : memref<2x2x10x8x128xf32, #tpu.memory_space<vmem>>, vector<16xf32>,
        %parallel_loop3A_464 = arith.constant 1 : i32
        %parallel_loop3A_465 = vector.broadcast %parallel_loop3A_464 : i32 to vector<16xi32>
        %parallel_loop3A_466 = arith.constant 1 : i32
        %parallel_loop3A_467 = arith.constant 0 : i32
        %parallel_loop3A_468 = arith.constant 0 : i32
        %parallel_loop3A_469 = tpu.memref_slice %arg7[%parallel_loop3A_466, %parallel_loop3A_467, %parallel_loop3A_468] : memref<2x1280x16xf32, #tpu.memory_space<vmem>> -> memref<1x1280x16xf32, #tpu.memory_space<vmem>>
        %parallel_loop3A_470 = tpu.memref_squeeze %parallel_loop3A_469 : memref<1x1280x16xf32, #tpu.memory_space<vmem>> -> memref<1280x16xf32, #tpu.memory_space<vmem>>
        %parallel_loop3A_471 = tpu.vector_load_idx %parallel_loop3A_470[%parallel_loop3A_435, %parallel_loop3A_465] : memref<1280x16xf32, #tpu.memory_space<vmem>>[vector<16xi32>, vector<16xi32>], vector<16xf32>,
        %parallel_loop3A_472 = arith.subf %parallel_loop3A_463, %parallel_loop3A_471 : vector<16xf32>
        %parallel_loop3A_473 = arith.mulf %parallel_loop3A_472, %parallel_loop3A_472 : vector<16xf32>
        %parallel_loop3A_474 = arith.constant 1 : i32
        %parallel_loop3A_475 = arith.constant 0 : i32
        %parallel_loop3A_476 = arith.constant 2 : i32
        %parallel_loop3A_477 = arith.index_cast %parallel_loop3A_474 : i32 to index
        %parallel_loop3A_478 = arith.index_cast %parallel_loop3A_475 : i32 to index
        %parallel_loop3A_479 = arith.index_cast %parallel_loop3A_413 : i32 to index
        %parallel_loop3A_480 = arith.index_cast %parallel_loop3A_476 : i32 to index
        %parallel_loop3A_481 = arith.index_cast %parallel_loop3A_431 : i32 to index
        %parallel_loop3A_482 = tpu.vector_load %arg8[%parallel_loop3A_477, %parallel_loop3A_478, %parallel_loop3A_479, %parallel_loop3A_480, %parallel_loop3A_481] {strides = array<i32>} : memref<2x2x10x8x128xf32, #tpu.memory_space<vmem>>, vector<16xf32>,
        %parallel_loop3A_483 = arith.constant 2 : i32
        %parallel_loop3A_484 = vector.broadcast %parallel_loop3A_483 : i32 to vector<16xi32>
        %parallel_loop3A_485 = arith.constant 1 : i32
        %parallel_loop3A_486 = arith.constant 0 : i32
        %parallel_loop3A_487 = arith.constant 0 : i32
        %parallel_loop3A_488 = tpu.memref_slice %arg7[%parallel_loop3A_485, %parallel_loop3A_486, %parallel_loop3A_487] : memref<2x1280x16xf32, #tpu.memory_space<vmem>> -> memref<1x1280x16xf32, #tpu.memory_space<vmem>>
        %parallel_loop3A_489 = tpu.memref_squeeze %parallel_loop3A_488 : memref<1x1280x16xf32, #tpu.memory_space<vmem>> -> memref<1280x16xf32, #tpu.memory_space<vmem>>
        %parallel_loop3A_490 = tpu.vector_load_idx %parallel_loop3A_489[%parallel_loop3A_435, %parallel_loop3A_484] : memref<1280x16xf32, #tpu.memory_space<vmem>>[vector<16xi32>, vector<16xi32>], vector<16xf32>,
        %parallel_loop3A_491 = arith.subf %parallel_loop3A_482, %parallel_loop3A_490 : vector<16xf32>
        %parallel_loop3A_492 = arith.mulf %parallel_loop3A_491, %parallel_loop3A_491 : vector<16xf32>
        %parallel_loop3A_493 = arith.constant 1 : i32
        %parallel_loop3A_494 = arith.constant 0 : i32
        %parallel_loop3A_495 = arith.constant 3 : i32
        %parallel_loop3A_496 = arith.index_cast %parallel_loop3A_493 : i32 to index
        %parallel_loop3A_497 = arith.index_cast %parallel_loop3A_494 : i32 to index
        %parallel_loop3A_498 = arith.index_cast %parallel_loop3A_413 : i32 to index
        %parallel_loop3A_499 = arith.index_cast %parallel_loop3A_495 : i32 to index
        %parallel_loop3A_500 = arith.index_cast %parallel_loop3A_431 : i32 to index
        %parallel_loop3A_501 = tpu.vector_load %arg8[%parallel_loop3A_496, %parallel_loop3A_497, %parallel_loop3A_498, %parallel_loop3A_499, %parallel_loop3A_500] {strides = array<i32>} : memref<2x2x10x8x128xf32, #tpu.memory_space<vmem>>, vector<16xf32>,
        %parallel_loop3A_502 = arith.constant 3 : i32
        %parallel_loop3A_503 = vector.broadcast %parallel_loop3A_502 : i32 to vector<16xi32>
        %parallel_loop3A_504 = arith.constant 1 : i32
        %parallel_loop3A_505 = arith.constant 0 : i32
        %parallel_loop3A_506 = arith.constant 0 : i32
        %parallel_loop3A_507 = tpu.memref_slice %arg7[%parallel_loop3A_504, %parallel_loop3A_505, %parallel_loop3A_506] : memref<2x1280x16xf32, #tpu.memory_space<vmem>> -> memref<1x1280x16xf32, #tpu.memory_space<vmem>>
        %parallel_loop3A_508 = tpu.memref_squeeze %parallel_loop3A_507 : memref<1x1280x16xf32, #tpu.memory_space<vmem>> -> memref<1280x16xf32, #tpu.memory_space<vmem>>
        %parallel_loop3A_509 = tpu.vector_load_idx %parallel_loop3A_508[%parallel_loop3A_435, %parallel_loop3A_503] : memref<1280x16xf32, #tpu.memory_space<vmem>>[vector<16xi32>, vector<16xi32>], vector<16xf32>,
        %parallel_loop3A_510 = arith.subf %parallel_loop3A_501, %parallel_loop3A_509 : vector<16xf32>
        %parallel_loop3A_511 = arith.mulf %parallel_loop3A_510, %parallel_loop3A_510 : vector<16xf32>
        %parallel_loop3A_512 = arith.constant 1 : i32
        %parallel_loop3A_513 = arith.constant 0 : i32
        %parallel_loop3A_514 = arith.constant 4 : i32
        %parallel_loop3A_515 = arith.index_cast %parallel_loop3A_512 : i32 to index
        %parallel_loop3A_516 = arith.index_cast %parallel_loop3A_513 : i32 to index
        %parallel_loop3A_517 = arith.index_cast %parallel_loop3A_413 : i32 to index
        %parallel_loop3A_518 = arith.index_cast %parallel_loop3A_514 : i32 to index
        %parallel_loop3A_519 = arith.index_cast %parallel_loop3A_431 : i32 to index
        %parallel_loop3A_520 = tpu.vector_load %arg8[%parallel_loop3A_515, %parallel_loop3A_516, %parallel_loop3A_517, %parallel_loop3A_518, %parallel_loop3A_519] {strides = array<i32>} : memref<2x2x10x8x128xf32, #tpu.memory_space<vmem>>, vector<16xf32>,
        %parallel_loop3A_521 = arith.constant 4 : i32
        %parallel_loop3A_522 = vector.broadcast %parallel_loop3A_521 : i32 to vector<16xi32>
        %parallel_loop3A_523 = arith.constant 1 : i32
        %parallel_loop3A_524 = arith.constant 0 : i32
        %parallel_loop3A_525 = arith.constant 0 : i32
        %parallel_loop3A_526 = tpu.memref_slice %arg7[%parallel_loop3A_523, %parallel_loop3A_524, %parallel_loop3A_525] : memref<2x1280x16xf32, #tpu.memory_space<vmem>> -> memref<1x1280x16xf32, #tpu.memory_space<vmem>>
        %parallel_loop3A_527 = tpu.memref_squeeze %parallel_loop3A_526 : memref<1x1280x16xf32, #tpu.memory_space<vmem>> -> memref<1280x16xf32, #tpu.memory_space<vmem>>
        %parallel_loop3A_528 = tpu.vector_load_idx %parallel_loop3A_527[%parallel_loop3A_435, %parallel_loop3A_522] : memref<1280x16xf32, #tpu.memory_space<vmem>>[vector<16xi32>, vector<16xi32>], vector<16xf32>,
        %parallel_loop3A_529 = arith.subf %parallel_loop3A_520, %parallel_loop3A_528 : vector<16xf32>
        %parallel_loop3A_530 = arith.mulf %parallel_loop3A_529, %parallel_loop3A_529 : vector<16xf32>
        %parallel_loop3A_531 = arith.addf %parallel_loop3A_454, %parallel_loop3A_530 : vector<16xf32>
        %parallel_loop3A_532 = arith.constant 1 : i32
        %parallel_loop3A_533 = arith.constant 0 : i32
        %parallel_loop3A_534 = arith.constant 5 : i32
        %parallel_loop3A_535 = arith.index_cast %parallel_loop3A_532 : i32 to index
        %parallel_loop3A_536 = arith.index_cast %parallel_loop3A_533 : i32 to index
        %parallel_loop3A_537 = arith.index_cast %parallel_loop3A_413 : i32 to index
        %parallel_loop3A_538 = arith.index_cast %parallel_loop3A_534 : i32 to index
        %parallel_loop3A_539 = arith.index_cast %parallel_loop3A_431 : i32 to index
        %parallel_loop3A_540 = tpu.vector_load %arg8[%parallel_loop3A_535, %parallel_loop3A_536, %parallel_loop3A_537, %parallel_loop3A_538, %parallel_loop3A_539] {strides = array<i32>} : memref<2x2x10x8x128xf32, #tpu.memory_space<vmem>>, vector<16xf32>,
        %parallel_loop3A_541 = arith.constant 5 : i32
        %parallel_loop3A_542 = vector.broadcast %parallel_loop3A_541 : i32 to vector<16xi32>
        %parallel_loop3A_543 = arith.constant 1 : i32
        %parallel_loop3A_544 = arith.constant 0 : i32
        %parallel_loop3A_545 = arith.constant 0 : i32
        %parallel_loop3A_546 = tpu.memref_slice %arg7[%parallel_loop3A_543, %parallel_loop3A_544, %parallel_loop3A_545] : memref<2x1280x16xf32, #tpu.memory_space<vmem>> -> memref<1x1280x16xf32, #tpu.memory_space<vmem>>
        %parallel_loop3A_547 = tpu.memref_squeeze %parallel_loop3A_546 : memref<1x1280x16xf32, #tpu.memory_space<vmem>> -> memref<1280x16xf32, #tpu.memory_space<vmem>>
        %parallel_loop3A_548 = tpu.vector_load_idx %parallel_loop3A_547[%parallel_loop3A_435, %parallel_loop3A_542] : memref<1280x16xf32, #tpu.memory_space<vmem>>[vector<16xi32>, vector<16xi32>], vector<16xf32>,
        %parallel_loop3A_549 = arith.subf %parallel_loop3A_540, %parallel_loop3A_548 : vector<16xf32>
        %parallel_loop3A_550 = arith.mulf %parallel_loop3A_549, %parallel_loop3A_549 : vector<16xf32>
        %parallel_loop3A_551 = arith.addf %parallel_loop3A_473, %parallel_loop3A_550 : vector<16xf32>
        %parallel_loop3A_552 = arith.constant 1 : i32
        %parallel_loop3A_553 = arith.constant 0 : i32
        %parallel_loop3A_554 = arith.constant 6 : i32
        %parallel_loop3A_555 = arith.index_cast %parallel_loop3A_552 : i32 to index
        %parallel_loop3A_556 = arith.index_cast %parallel_loop3A_553 : i32 to index
        %parallel_loop3A_557 = arith.index_cast %parallel_loop3A_413 : i32 to index
        %parallel_loop3A_558 = arith.index_cast %parallel_loop3A_554 : i32 to index
        %parallel_loop3A_559 = arith.index_cast %parallel_loop3A_431 : i32 to index
        %parallel_loop3A_560 = tpu.vector_load %arg8[%parallel_loop3A_555, %parallel_loop3A_556, %parallel_loop3A_557, %parallel_loop3A_558, %parallel_loop3A_559] {strides = array<i32>} : memref<2x2x10x8x128xf32, #tpu.memory_space<vmem>>, vector<16xf32>,
        %parallel_loop3A_561 = arith.constant 6 : i32
        %parallel_loop3A_562 = vector.broadcast %parallel_loop3A_561 : i32 to vector<16xi32>
        %parallel_loop3A_563 = arith.constant 1 : i32
        %parallel_loop3A_564 = arith.constant 0 : i32
        %parallel_loop3A_565 = arith.constant 0 : i32
        %parallel_loop3A_566 = tpu.memref_slice %arg7[%parallel_loop3A_563, %parallel_loop3A_564, %parallel_loop3A_565] : memref<2x1280x16xf32, #tpu.memory_space<vmem>> -> memref<1x1280x16xf32, #tpu.memory_space<vmem>>
        %parallel_loop3A_567 = tpu.memref_squeeze %parallel_loop3A_566 : memref<1x1280x16xf32, #tpu.memory_space<vmem>> -> memref<1280x16xf32, #tpu.memory_space<vmem>>
        %parallel_loop3A_568 = tpu.vector_load_idx %parallel_loop3A_567[%parallel_loop3A_435, %parallel_loop3A_562] : memref<1280x16xf32, #tpu.memory_space<vmem>>[vector<16xi32>, vector<16xi32>], vector<16xf32>,
        %parallel_loop3A_569 = arith.subf %parallel_loop3A_560, %parallel_loop3A_568 : vector<16xf32>
        %parallel_loop3A_570 = arith.mulf %parallel_loop3A_569, %parallel_loop3A_569 : vector<16xf32>
        %parallel_loop3A_571 = arith.addf %parallel_loop3A_492, %parallel_loop3A_570 : vector<16xf32>
        %parallel_loop3A_572 = arith.constant 1 : i32
        %parallel_loop3A_573 = arith.constant 0 : i32
        %parallel_loop3A_574 = arith.constant 7 : i32
        %parallel_loop3A_575 = arith.index_cast %parallel_loop3A_572 : i32 to index
        %parallel_loop3A_576 = arith.index_cast %parallel_loop3A_573 : i32 to index
        %parallel_loop3A_577 = arith.index_cast %parallel_loop3A_413 : i32 to index
        %parallel_loop3A_578 = arith.index_cast %parallel_loop3A_574 : i32 to index
        %parallel_loop3A_579 = arith.index_cast %parallel_loop3A_431 : i32 to index
        %parallel_loop3A_580 = tpu.vector_load %arg8[%parallel_loop3A_575, %parallel_loop3A_576, %parallel_loop3A_577, %parallel_loop3A_578, %parallel_loop3A_579] {strides = array<i32>} : memref<2x2x10x8x128xf32, #tpu.memory_space<vmem>>, vector<16xf32>,
        %parallel_loop3A_581 = arith.constant 7 : i32
        %parallel_loop3A_582 = vector.broadcast %parallel_loop3A_581 : i32 to vector<16xi32>
        %parallel_loop3A_583 = arith.constant 1 : i32
        %parallel_loop3A_584 = arith.constant 0 : i32
        %parallel_loop3A_585 = arith.constant 0 : i32
        %parallel_loop3A_586 = tpu.memref_slice %arg7[%parallel_loop3A_583, %parallel_loop3A_584, %parallel_loop3A_585] : memref<2x1280x16xf32, #tpu.memory_space<vmem>> -> memref<1x1280x16xf32, #tpu.memory_space<vmem>>
        %parallel_loop3A_587 = tpu.memref_squeeze %parallel_loop3A_586 : memref<1x1280x16xf32, #tpu.memory_space<vmem>> -> memref<1280x16xf32, #tpu.memory_space<vmem>>
        %parallel_loop3A_588 = tpu.vector_load_idx %parallel_loop3A_587[%parallel_loop3A_435, %parallel_loop3A_582] : memref<1280x16xf32, #tpu.memory_space<vmem>>[vector<16xi32>, vector<16xi32>], vector<16xf32>,
        %parallel_loop3A_589 = arith.subf %parallel_loop3A_580, %parallel_loop3A_588 : vector<16xf32>
        %parallel_loop3A_590 = arith.mulf %parallel_loop3A_589, %parallel_loop3A_589 : vector<16xf32>
        %parallel_loop3A_591 = arith.addf %parallel_loop3A_511, %parallel_loop3A_590 : vector<16xf32>
        %parallel_loop3A_592 = arith.constant 1 : i32
        %parallel_loop3A_593 = arith.constant 1 : i32
        %parallel_loop3A_594 = arith.constant 0 : i32
        %parallel_loop3A_595 = arith.index_cast %parallel_loop3A_592 : i32 to index
        %parallel_loop3A_596 = arith.index_cast %parallel_loop3A_593 : i32 to index
        %parallel_loop3A_597 = arith.index_cast %parallel_loop3A_413 : i32 to index
        %parallel_loop3A_598 = arith.index_cast %parallel_loop3A_594 : i32 to index
        %parallel_loop3A_599 = arith.index_cast %parallel_loop3A_431 : i32 to index
        %parallel_loop3A_600 = tpu.vector_load %arg8[%parallel_loop3A_595, %parallel_loop3A_596, %parallel_loop3A_597, %parallel_loop3A_598, %parallel_loop3A_599] {strides = array<i32>} : memref<2x2x10x8x128xf32, #tpu.memory_space<vmem>>, vector<16xf32>,
        %parallel_loop3A_601 = arith.constant 8 : i32
        %parallel_loop3A_602 = vector.broadcast %parallel_loop3A_601 : i32 to vector<16xi32>
        %parallel_loop3A_603 = arith.constant 1 : i32
        %parallel_loop3A_604 = arith.constant 0 : i32
        %parallel_loop3A_605 = arith.constant 0 : i32
        %parallel_loop3A_606 = tpu.memref_slice %arg7[%parallel_loop3A_603, %parallel_loop3A_604, %parallel_loop3A_605] : memref<2x1280x16xf32, #tpu.memory_space<vmem>> -> memref<1x1280x16xf32, #tpu.memory_space<vmem>>
        %parallel_loop3A_607 = tpu.memref_squeeze %parallel_loop3A_606 : memref<1x1280x16xf32, #tpu.memory_space<vmem>> -> memref<1280x16xf32, #tpu.memory_space<vmem>>
        %parallel_loop3A_608 = tpu.vector_load_idx %parallel_loop3A_607[%parallel_loop3A_435, %parallel_loop3A_602] : memref<1280x16xf32, #tpu.memory_space<vmem>>[vector<16xi32>, vector<16xi32>], vector<16xf32>,
        %parallel_loop3A_609 = arith.subf %parallel_loop3A_600, %parallel_loop3A_608 : vector<16xf32>
        %parallel_loop3A_610 = arith.mulf %parallel_loop3A_609, %parallel_loop3A_609 : vector<16xf32>
        %parallel_loop3A_611 = arith.addf %parallel_loop3A_531, %parallel_loop3A_610 : vector<16xf32>
        %parallel_loop3A_612 = arith.constant 1 : i32
        %parallel_loop3A_613 = arith.constant 1 : i32
        %parallel_loop3A_614 = arith.constant 1 : i32
        %parallel_loop3A_615 = arith.index_cast %parallel_loop3A_612 : i32 to index
        %parallel_loop3A_616 = arith.index_cast %parallel_loop3A_613 : i32 to index
        %parallel_loop3A_617 = arith.index_cast %parallel_loop3A_413 : i32 to index
        %parallel_loop3A_618 = arith.index_cast %parallel_loop3A_614 : i32 to index
        %parallel_loop3A_619 = arith.index_cast %parallel_loop3A_431 : i32 to index
        %parallel_loop3A_620 = tpu.vector_load %arg8[%parallel_loop3A_615, %parallel_loop3A_616, %parallel_loop3A_617, %parallel_loop3A_618, %parallel_loop3A_619] {strides = array<i32>} : memref<2x2x10x8x128xf32, #tpu.memory_space<vmem>>, vector<16xf32>,
        %parallel_loop3A_621 = arith.constant 9 : i32
        %parallel_loop3A_622 = vector.broadcast %parallel_loop3A_621 : i32 to vector<16xi32>
        %parallel_loop3A_623 = arith.constant 1 : i32
        %parallel_loop3A_624 = arith.constant 0 : i32
        %parallel_loop3A_625 = arith.constant 0 : i32
        %parallel_loop3A_626 = tpu.memref_slice %arg7[%parallel_loop3A_623, %parallel_loop3A_624, %parallel_loop3A_625] : memref<2x1280x16xf32, #tpu.memory_space<vmem>> -> memref<1x1280x16xf32, #tpu.memory_space<vmem>>
        %parallel_loop3A_627 = tpu.memref_squeeze %parallel_loop3A_626 : memref<1x1280x16xf32, #tpu.memory_space<vmem>> -> memref<1280x16xf32, #tpu.memory_space<vmem>>
        %parallel_loop3A_628 = tpu.vector_load_idx %parallel_loop3A_627[%parallel_loop3A_435, %parallel_loop3A_622] : memref<1280x16xf32, #tpu.memory_space<vmem>>[vector<16xi32>, vector<16xi32>], vector<16xf32>,
        %parallel_loop3A_629 = arith.subf %parallel_loop3A_620, %parallel_loop3A_628 : vector<16xf32>
        %parallel_loop3A_630 = arith.mulf %parallel_loop3A_629, %parallel_loop3A_629 : vector<16xf32>
        %parallel_loop3A_631 = arith.addf %parallel_loop3A_551, %parallel_loop3A_630 : vector<16xf32>
        %parallel_loop3A_632 = arith.constant 1 : i32
        %parallel_loop3A_633 = arith.constant 1 : i32
        %parallel_loop3A_634 = arith.constant 2 : i32
        %parallel_loop3A_635 = arith.index_cast %parallel_loop3A_632 : i32 to index
        %parallel_loop3A_636 = arith.index_cast %parallel_loop3A_633 : i32 to index
        %parallel_loop3A_637 = arith.index_cast %parallel_loop3A_413 : i32 to index
        %parallel_loop3A_638 = arith.index_cast %parallel_loop3A_634 : i32 to index
        %parallel_loop3A_639 = arith.index_cast %parallel_loop3A_431 : i32 to index
        %parallel_loop3A_640 = tpu.vector_load %arg8[%parallel_loop3A_635, %parallel_loop3A_636, %parallel_loop3A_637, %parallel_loop3A_638, %parallel_loop3A_639] {strides = array<i32>} : memref<2x2x10x8x128xf32, #tpu.memory_space<vmem>>, vector<16xf32>,
        %parallel_loop3A_641 = arith.constant 10 : i32
        %parallel_loop3A_642 = vector.broadcast %parallel_loop3A_641 : i32 to vector<16xi32>
        %parallel_loop3A_643 = arith.constant 1 : i32
        %parallel_loop3A_644 = arith.constant 0 : i32
        %parallel_loop3A_645 = arith.constant 0 : i32
        %parallel_loop3A_646 = tpu.memref_slice %arg7[%parallel_loop3A_643, %parallel_loop3A_644, %parallel_loop3A_645] : memref<2x1280x16xf32, #tpu.memory_space<vmem>> -> memref<1x1280x16xf32, #tpu.memory_space<vmem>>
        %parallel_loop3A_647 = tpu.memref_squeeze %parallel_loop3A_646 : memref<1x1280x16xf32, #tpu.memory_space<vmem>> -> memref<1280x16xf32, #tpu.memory_space<vmem>>
        %parallel_loop3A_648 = tpu.vector_load_idx %parallel_loop3A_647[%parallel_loop3A_435, %parallel_loop3A_642] : memref<1280x16xf32, #tpu.memory_space<vmem>>[vector<16xi32>, vector<16xi32>], vector<16xf32>,
        %parallel_loop3A_649 = arith.subf %parallel_loop3A_640, %parallel_loop3A_648 : vector<16xf32>
        %parallel_loop3A_650 = arith.mulf %parallel_loop3A_649, %parallel_loop3A_649 : vector<16xf32>
        %parallel_loop3A_651 = arith.addf %parallel_loop3A_571, %parallel_loop3A_650 : vector<16xf32>
        %parallel_loop3A_652 = arith.constant 1 : i32
        %parallel_loop3A_653 = arith.constant 1 : i32
        %parallel_loop3A_654 = arith.constant 3 : i32
        %parallel_loop3A_655 = arith.index_cast %parallel_loop3A_652 : i32 to index
        %parallel_loop3A_656 = arith.index_cast %parallel_loop3A_653 : i32 to index
        %parallel_loop3A_657 = arith.index_cast %parallel_loop3A_413 : i32 to index
        %parallel_loop3A_658 = arith.index_cast %parallel_loop3A_654 : i32 to index
        %parallel_loop3A_659 = arith.index_cast %parallel_loop3A_431 : i32 to index
        %parallel_loop3A_660 = tpu.vector_load %arg8[%parallel_loop3A_655, %parallel_loop3A_656, %parallel_loop3A_657, %parallel_loop3A_658, %parallel_loop3A_659] {strides = array<i32>} : memref<2x2x10x8x128xf32, #tpu.memory_space<vmem>>, vector<16xf32>,
        %parallel_loop3A_661 = arith.constant 11 : i32
        %parallel_loop3A_662 = vector.broadcast %parallel_loop3A_661 : i32 to vector<16xi32>
        %parallel_loop3A_663 = arith.constant 1 : i32
        %parallel_loop3A_664 = arith.constant 0 : i32
        %parallel_loop3A_665 = arith.constant 0 : i32
        %parallel_loop3A_666 = tpu.memref_slice %arg7[%parallel_loop3A_663, %parallel_loop3A_664, %parallel_loop3A_665] : memref<2x1280x16xf32, #tpu.memory_space<vmem>> -> memref<1x1280x16xf32, #tpu.memory_space<vmem>>
        %parallel_loop3A_667 = tpu.memref_squeeze %parallel_loop3A_666 : memref<1x1280x16xf32, #tpu.memory_space<vmem>> -> memref<1280x16xf32, #tpu.memory_space<vmem>>
        %parallel_loop3A_668 = tpu.vector_load_idx %parallel_loop3A_667[%parallel_loop3A_435, %parallel_loop3A_662] : memref<1280x16xf32, #tpu.memory_space<vmem>>[vector<16xi32>, vector<16xi32>], vector<16xf32>,
        %parallel_loop3A_669 = arith.subf %parallel_loop3A_660, %parallel_loop3A_668 : vector<16xf32>
        %parallel_loop3A_670 = arith.mulf %parallel_loop3A_669, %parallel_loop3A_669 : vector<16xf32>
        %parallel_loop3A_671 = arith.addf %parallel_loop3A_591, %parallel_loop3A_670 : vector<16xf32>
        %parallel_loop3A_672 = arith.constant 1 : i32
        %parallel_loop3A_673 = arith.constant 1 : i32
        %parallel_loop3A_674 = arith.constant 4 : i32
        %parallel_loop3A_675 = arith.index_cast %parallel_loop3A_672 : i32 to index
        %parallel_loop3A_676 = arith.index_cast %parallel_loop3A_673 : i32 to index
        %parallel_loop3A_677 = arith.index_cast %parallel_loop3A_413 : i32 to index
        %parallel_loop3A_678 = arith.index_cast %parallel_loop3A_674 : i32 to index
        %parallel_loop3A_679 = arith.index_cast %parallel_loop3A_431 : i32 to index
        %parallel_loop3A_680 = tpu.vector_load %arg8[%parallel_loop3A_675, %parallel_loop3A_676, %parallel_loop3A_677, %parallel_loop3A_678, %parallel_loop3A_679] {strides = array<i32>} : memref<2x2x10x8x128xf32, #tpu.memory_space<vmem>>, vector<16xf32>,
        %parallel_loop3A_681 = arith.constant 12 : i32
        %parallel_loop3A_682 = vector.broadcast %parallel_loop3A_681 : i32 to vector<16xi32>
        %parallel_loop3A_683 = arith.constant 1 : i32
        %parallel_loop3A_684 = arith.constant 0 : i32
        %parallel_loop3A_685 = arith.constant 0 : i32
        %parallel_loop3A_686 = tpu.memref_slice %arg7[%parallel_loop3A_683, %parallel_loop3A_684, %parallel_loop3A_685] : memref<2x1280x16xf32, #tpu.memory_space<vmem>> -> memref<1x1280x16xf32, #tpu.memory_space<vmem>>
        %parallel_loop3A_687 = tpu.memref_squeeze %parallel_loop3A_686 : memref<1x1280x16xf32, #tpu.memory_space<vmem>> -> memref<1280x16xf32, #tpu.memory_space<vmem>>
        %parallel_loop3A_688 = tpu.vector_load_idx %parallel_loop3A_687[%parallel_loop3A_435, %parallel_loop3A_682] : memref<1280x16xf32, #tpu.memory_space<vmem>>[vector<16xi32>, vector<16xi32>], vector<16xf32>,
        %parallel_loop3A_689 = arith.subf %parallel_loop3A_680, %parallel_loop3A_688 : vector<16xf32>
        %parallel_loop3A_690 = arith.mulf %parallel_loop3A_689, %parallel_loop3A_689 : vector<16xf32>
        %parallel_loop3A_691 = arith.addf %parallel_loop3A_611, %parallel_loop3A_690 : vector<16xf32>
        %parallel_loop3A_692 = arith.constant 1 : i32
        %parallel_loop3A_693 = arith.constant 1 : i32
        %parallel_loop3A_694 = arith.constant 5 : i32
        %parallel_loop3A_695 = arith.index_cast %parallel_loop3A_692 : i32 to index
        %parallel_loop3A_696 = arith.index_cast %parallel_loop3A_693 : i32 to index
        %parallel_loop3A_697 = arith.index_cast %parallel_loop3A_413 : i32 to index
        %parallel_loop3A_698 = arith.index_cast %parallel_loop3A_694 : i32 to index
        %parallel_loop3A_699 = arith.index_cast %parallel_loop3A_431 : i32 to index
        %parallel_loop3A_700 = tpu.vector_load %arg8[%parallel_loop3A_695, %parallel_loop3A_696, %parallel_loop3A_697, %parallel_loop3A_698, %parallel_loop3A_699] {strides = array<i32>} : memref<2x2x10x8x128xf32, #tpu.memory_space<vmem>>, vector<16xf32>,
        %parallel_loop3A_701 = arith.constant 13 : i32
        %parallel_loop3A_702 = vector.broadcast %parallel_loop3A_701 : i32 to vector<16xi32>
        %parallel_loop3A_703 = arith.constant 1 : i32
        %parallel_loop3A_704 = arith.constant 0 : i32
        %parallel_loop3A_705 = arith.constant 0 : i32
        %parallel_loop3A_706 = tpu.memref_slice %arg7[%parallel_loop3A_703, %parallel_loop3A_704, %parallel_loop3A_705] : memref<2x1280x16xf32, #tpu.memory_space<vmem>> -> memref<1x1280x16xf32, #tpu.memory_space<vmem>>
        %parallel_loop3A_707 = tpu.memref_squeeze %parallel_loop3A_706 : memref<1x1280x16xf32, #tpu.memory_space<vmem>> -> memref<1280x16xf32, #tpu.memory_space<vmem>>
        %parallel_loop3A_708 = tpu.vector_load_idx %parallel_loop3A_707[%parallel_loop3A_435, %parallel_loop3A_702] : memref<1280x16xf32, #tpu.memory_space<vmem>>[vector<16xi32>, vector<16xi32>], vector<16xf32>,
        %parallel_loop3A_709 = arith.subf %parallel_loop3A_700, %parallel_loop3A_708 : vector<16xf32>
        %parallel_loop3A_710 = arith.mulf %parallel_loop3A_709, %parallel_loop3A_709 : vector<16xf32>
        %parallel_loop3A_711 = arith.addf %parallel_loop3A_631, %parallel_loop3A_710 : vector<16xf32>
        %parallel_loop3A_712 = arith.constant 1 : i32
        %parallel_loop3A_713 = arith.constant 1 : i32
        %parallel_loop3A_714 = arith.constant 6 : i32
        %parallel_loop3A_715 = arith.index_cast %parallel_loop3A_712 : i32 to index
        %parallel_loop3A_716 = arith.index_cast %parallel_loop3A_713 : i32 to index
        %parallel_loop3A_717 = arith.index_cast %parallel_loop3A_413 : i32 to index
        %parallel_loop3A_718 = arith.index_cast %parallel_loop3A_714 : i32 to index
        %parallel_loop3A_719 = arith.index_cast %parallel_loop3A_431 : i32 to index
        %parallel_loop3A_720 = tpu.vector_load %arg8[%parallel_loop3A_715, %parallel_loop3A_716, %parallel_loop3A_717, %parallel_loop3A_718, %parallel_loop3A_719] {strides = array<i32>} : memref<2x2x10x8x128xf32, #tpu.memory_space<vmem>>, vector<16xf32>,
        %parallel_loop3A_721 = arith.constant 14 : i32
        %parallel_loop3A_722 = vector.broadcast %parallel_loop3A_721 : i32 to vector<16xi32>
        %parallel_loop3A_723 = arith.constant 1 : i32
        %parallel_loop3A_724 = arith.constant 0 : i32
        %parallel_loop3A_725 = arith.constant 0 : i32
        %parallel_loop3A_726 = tpu.memref_slice %arg7[%parallel_loop3A_723, %parallel_loop3A_724, %parallel_loop3A_725] : memref<2x1280x16xf32, #tpu.memory_space<vmem>> -> memref<1x1280x16xf32, #tpu.memory_space<vmem>>
        %parallel_loop3A_727 = tpu.memref_squeeze %parallel_loop3A_726 : memref<1x1280x16xf32, #tpu.memory_space<vmem>> -> memref<1280x16xf32, #tpu.memory_space<vmem>>
        %parallel_loop3A_728 = tpu.vector_load_idx %parallel_loop3A_727[%parallel_loop3A_435, %parallel_loop3A_722] : memref<1280x16xf32, #tpu.memory_space<vmem>>[vector<16xi32>, vector<16xi32>], vector<16xf32>,
        %parallel_loop3A_729 = arith.subf %parallel_loop3A_720, %parallel_loop3A_728 : vector<16xf32>
        %parallel_loop3A_730 = arith.mulf %parallel_loop3A_729, %parallel_loop3A_729 : vector<16xf32>
        %parallel_loop3A_731 = arith.addf %parallel_loop3A_651, %parallel_loop3A_730 : vector<16xf32>
        %parallel_loop3A_732 = arith.constant 1 : i32
        %parallel_loop3A_733 = arith.constant 1 : i32
        %parallel_loop3A_734 = arith.constant 7 : i32
        %parallel_loop3A_735 = arith.index_cast %parallel_loop3A_732 : i32 to index
        %parallel_loop3A_736 = arith.index_cast %parallel_loop3A_733 : i32 to index
        %parallel_loop3A_737 = arith.index_cast %parallel_loop3A_413 : i32 to index
        %parallel_loop3A_738 = arith.index_cast %parallel_loop3A_734 : i32 to index
        %parallel_loop3A_739 = arith.index_cast %parallel_loop3A_431 : i32 to index
        %parallel_loop3A_740 = tpu.vector_load %arg8[%parallel_loop3A_735, %parallel_loop3A_736, %parallel_loop3A_737, %parallel_loop3A_738, %parallel_loop3A_739] {strides = array<i32>} : memref<2x2x10x8x128xf32, #tpu.memory_space<vmem>>, vector<16xf32>,
        %parallel_loop3A_741 = arith.constant 15 : i32
        %parallel_loop3A_742 = vector.broadcast %parallel_loop3A_741 : i32 to vector<16xi32>
        %parallel_loop3A_743 = arith.constant 1 : i32
        %parallel_loop3A_744 = arith.constant 0 : i32
        %parallel_loop3A_745 = arith.constant 0 : i32
        %parallel_loop3A_746 = tpu.memref_slice %arg7[%parallel_loop3A_743, %parallel_loop3A_744, %parallel_loop3A_745] : memref<2x1280x16xf32, #tpu.memory_space<vmem>> -> memref<1x1280x16xf32, #tpu.memory_space<vmem>>
        %parallel_loop3A_747 = tpu.memref_squeeze %parallel_loop3A_746 : memref<1x1280x16xf32, #tpu.memory_space<vmem>> -> memref<1280x16xf32, #tpu.memory_space<vmem>>
        %parallel_loop3A_748 = tpu.vector_load_idx %parallel_loop3A_747[%parallel_loop3A_435, %parallel_loop3A_742] : memref<1280x16xf32, #tpu.memory_space<vmem>>[vector<16xi32>, vector<16xi32>], vector<16xf32>,
        %parallel_loop3A_749 = arith.subf %parallel_loop3A_740, %parallel_loop3A_748 : vector<16xf32>
        %parallel_loop3A_750 = arith.mulf %parallel_loop3A_749, %parallel_loop3A_749 : vector<16xf32>
        %parallel_loop3A_751 = arith.addf %parallel_loop3A_671, %parallel_loop3A_750 : vector<16xf32>
        %parallel_loop3A_752 = arith.addf %parallel_loop3A_691, %parallel_loop3A_711 : vector<16xf32>
        %parallel_loop3A_753 = arith.addf %parallel_loop3A_731, %parallel_loop3A_751 : vector<16xf32>
        %parallel_loop3A_754 = arith.addf %parallel_loop3A_752, %parallel_loop3A_753 : vector<16xf32>
        %parallel_loop3A_755 = arith.constant -5.000000e-01 : f32
        %parallel_loop3A_756 = vector.broadcast %parallel_loop3A_755 : f32 to vector<16xf32>
        %parallel_loop3A_757 = arith.mulf %parallel_loop3A_756, %parallel_loop3A_754 : vector<16xf32>
        %parallel_loop3A_758 = arith.constant -14.7030163 : f32
        %parallel_loop3A_759 = vector.broadcast %parallel_loop3A_758 : f32 to vector<16xf32>
        %parallel_loop3A_760 = arith.addf %parallel_loop3A_757, %parallel_loop3A_759 : vector<16xf32>
        %parallel_loop3A_761 = arith.constant 16 : i32
        %parallel_loop3A_762 = arith.muli %parallel_loop3A_389, %parallel_loop3A_761 : i32
        %parallel_loop3A_763 = arith.constant 1 : i32
        %parallel_loop3A_764 = arith.index_cast %parallel_loop3A_763 : i32 to index
        %parallel_loop3A_765 = arith.index_cast %parallel_loop3A_762 : i32 to index
        %parallel_loop3A_766 = tpu.vector_load %arg9[%parallel_loop3A_764, %parallel_loop3A_765] {strides = array<i32>} : memref<2x1280xf32, #tpu.memory_space<vmem>>, vector<16xf32>,
        tpu.vector_store %arg9[%parallel_loop3A_764, %parallel_loop3A_765], %parallel_loop3A_760 {strides = array<i32>} : memref<2x1280xf32, #tpu.memory_space<vmem>>, vector<16xf32>,
      } {sc.loop_unroll_factor = 2 : i64, sc.parallel_access}
      %mul3A_377 = arith.constant 1280 : i32
      %mul3A_378 = arith.muli %add3A_315, %mul3A_377 : i32
      %add3A_379 = arith.addi %mul3A_2, %mul3A_378 : i32
      %dma_start3A_380 = arith.constant 1 : i32
      %dma_start3A_381 = arith.constant 0 : i32
      %dma_start3A_382 = tpu.memref_slice %arg9[%dma_start3A_380, %dma_start3A_381] : memref<2x1280xf32, #tpu.memory_space<vmem>> -> memref<1x1280xf32, #tpu.memory_space<vmem>>
      %dma_start3A_383 = tpu.memref_squeeze %dma_start3A_382 : memref<1x1280xf32, #tpu.memory_space<vmem>> -> memref<1280xf32, #tpu.memory_space<vmem>>
      %dma_start3A_384 = tpu.memref_slice %arg5[%add3A_379] : memref<3276800xf32, #tpu.memory_space<hbm>> -> memref<1280xf32, #tpu.memory_space<hbm>>
      %dma_start3A_385 = tpu.memref_slice %arg5[%add3A_379] : memref<3276800xf32, #tpu.memory_space<hbm>> -> memref<1280xf32, #tpu.memory_space<hbm>>
      %dma_start3A_386 = arith.constant 0 : i32
      %dma_start3A_387 = tpu.memref_slice %arg9[%dma_start3A_380, %dma_start3A_386] : memref<2x1280xf32, #tpu.memory_space<vmem>> -> memref<1x1280xf32, #tpu.memory_space<vmem>>
      %dma_start3A_388 = tpu.memref_squeeze %dma_start3A_387 : memref<1x1280xf32, #tpu.memory_space<vmem>> -> memref<1280xf32, #tpu.memory_space<vmem>>
      tpu.enqueue_dma source(%dma_start3A_388 : memref<1280xf32, #tpu.memory_space<vmem>>) target(%dma_start3A_385 : memref<1280xf32, #tpu.memory_space<hbm>>) target_semaphore(%arg13 : memref<!tpu.dma_semaphore, #tpu.memory_space<semaphore_mem>>)
    }
    %scan3A_217 = arith.constant 40 : i32
    %dma_wait3A_218 = arith.constant 0 : i32
    %dma_wait3A_219 = arith.constant 0 : i32
    %dma_wait3A_220 = tpu.memref_slice %arg9[%dma_wait3A_218, %dma_wait3A_219] : memref<2x1280xf32, #tpu.memory_space<vmem>> -> memref<1x1280xf32, #tpu.memory_space<vmem>>
    %dma_wait3A_221 = tpu.memref_squeeze %dma_wait3A_220 : memref<1x1280xf32, #tpu.memory_space<vmem>> -> memref<1280xf32, #tpu.memory_space<vmem>>
    %dma_wait3A_222 = arith.constant 0 : i32
    %dma_wait3A_223 = tpu.memref_slice %arg5[%dma_wait3A_222] : memref<3276800xf32, #tpu.memory_space<hbm>> -> memref<1280xf32, #tpu.memory_space<hbm>>
    %dma_wait3A_224 = arith.constant 0 : i32
    %dma_wait3A_225 = tpu.memref_slice %arg5[%dma_wait3A_224] : memref<3276800xf32, #tpu.memory_space<hbm>> -> memref<1280xf32, #tpu.memory_space<hbm>>
    %dma_wait3A_226 = arith.constant 0 : i32
    %dma_wait3A_227 = tpu.memref_slice %arg9[%dma_wait3A_218, %dma_wait3A_226] : memref<2x1280xf32, #tpu.memory_space<vmem>> -> memref<1x1280xf32, #tpu.memory_space<vmem>>
    %dma_wait3A_228 = tpu.memref_squeeze %dma_wait3A_227 : memref<1x1280xf32, #tpu.memory_space<vmem>> -> memref<1280xf32, #tpu.memory_space<vmem>>
    tpu.wait_dma2 semaphore(%arg13 : memref<!tpu.dma_semaphore, #tpu.memory_space<semaphore_mem>>) src(%dma_wait3A_228 : memref<1280xf32, #tpu.memory_space<vmem>>) dst(%dma_wait3A_225 : memref<1280xf32, #tpu.memory_space<hbm>>)
    %dma_wait3A_229 = arith.constant 1 : i32
    %dma_wait3A_230 = arith.constant 0 : i32
    %dma_wait3A_231 = tpu.memref_slice %arg9[%dma_wait3A_229, %dma_wait3A_230] : memref<2x1280xf32, #tpu.memory_space<vmem>> -> memref<1x1280xf32, #tpu.memory_space<vmem>>
    %dma_wait3A_232 = tpu.memref_squeeze %dma_wait3A_231 : memref<1x1280xf32, #tpu.memory_space<vmem>> -> memref<1280xf32, #tpu.memory_space<vmem>>
    %dma_wait3A_233 = arith.constant 0 : i32
    %dma_wait3A_234 = tpu.memref_slice %arg5[%dma_wait3A_233] : memref<3276800xf32, #tpu.memory_space<hbm>> -> memref<1280xf32, #tpu.memory_space<hbm>>
    %dma_wait3A_235 = arith.constant 0 : i32
    %dma_wait3A_236 = tpu.memref_slice %arg5[%dma_wait3A_235] : memref<3276800xf32, #tpu.memory_space<hbm>> -> memref<1280xf32, #tpu.memory_space<hbm>>
    %dma_wait3A_237 = arith.constant 0 : i32
    %dma_wait3A_238 = tpu.memref_slice %arg9[%dma_wait3A_229, %dma_wait3A_237] : memref<2x1280xf32, #tpu.memory_space<vmem>> -> memref<1x1280xf32, #tpu.memory_space<vmem>>
    %dma_wait3A_239 = tpu.memref_squeeze %dma_wait3A_238 : memref<1x1280xf32, #tpu.memory_space<vmem>> -> memref<1280xf32, #tpu.memory_space<vmem>>
    tpu.wait_dma2 semaphore(%arg13 : memref<!tpu.dma_semaphore, #tpu.memory_space<semaphore_mem>>) src(%dma_wait3A_239 : memref<1280xf32, #tpu.memory_space<vmem>>) dst(%dma_wait3A_236 : memref<1280xf32, #tpu.memory_space<hbm>>)
    return
  }
}

</mosaic_0001>

<sc_bundles>
// kernel: _log_prob_sc.3.cloned.1.call-start
scs
__scs_entry_jumppad:
0x0: {  	(pc) =	sbr.rel $0x88, $3  }
0x1: {  	(tag) =	ssettag $0x0;
	lr =	simm.s32 $0x1  }
0x2: {  	[smem:$0x3F9E] =	sst lr;
	_ =	strace $0xD0000000  }
0x3: {  	_ = 	snop  }
0x4: {  	_ = 	snop  }
0x5: {  	_ = 	snop  }
0x6: {  	_ = 	snop  }
0x7: {  	_ = 	snop  }
__scs_overlays_trampoline_lowered:
0x8: {  	[smem:$0x3FAD] =	sst s0  }
0x9: {  	[smem:$0x3FAE] =	sst s1  }
0xa: {  	[smem:$0x3FAF] =	sst s2  }
0xb: {  	[smem:$0x3FB0] =	sst s3  }
0xc: {  	[smem:$0x3FB1] =	sst s4  }
0xd: {  	[smem:$0x3FB2] =	sst s5  }
0xe: {  	[smem:$0x3FB3] =	sst s6  }
0xf: {  	[smem:$0x3FB4] =	sst s7  }
0x10: {  	[smem:$0x3FB5] =	sst s8  }
0x11: {  	[smem:$0x3FB6] =	sst s9;
	s0 =	simm.s32 @!p0 $0x0  }
0x12: {  	s1 =	sld [smem:$0x3F9C];
	s0 =	simm.s32 @p0 $0x1  }
0x13: {  	[smem:$0x3FB7] =	sst s0;
	s0 =	simm.s32 @!p1 $0x0  }
0x14: {  	s2 =	sld [smem:$0x3F9B];
	s0 =	simm.s32 @p1 $0x1  }
0x15: {  	[smem:$0x3FB8] =	sst s0;
	s0 =	simm.s32 @!p2 $0x0  }
0x16: {  	s3 =	sld [smem:$0x3FDB];
	s0 =	simm.s32 @p2 $0x1  }
0x17: {  	s4 =	simm.s32 $0x1BF5;
	[smem:$0x3FBA] =	sst s0  }
0x18: {  	s0 =	sld [smem:$0x3F9D];
	_ =	swait.ge [sflag:s4], $0x0  }
0x19: {  	s7 =	sld [smem:$0x3F9E]  }
0x1a: {  	s8 =	sadd.s32 $0xFFFFE003, lr  }
0x1b: {  	s9 =	sadd.s32 $0xFFFFFEF7, lr;
	s5 =	simm.s32 $0xFFFFFFFF;
	p2 =	slt.u32 s8, $0xFFFFF086  }
0x1c: {  	p1 =	slt.u32 s9, $0xF7A;
	s5 =	simm.s32 @!p2 $0x0  }
0x1d: {  	s5 =	simm.s32 @p1 $0x1;
	p0 =	seq.s32 s7, s2  }
0x1e: {  	s7 =	smul.u32 @!p0 $0xF7A, s2;
	p2 =	seq.s32 @!p0 s5, $0x0  }
0x1f: {  	s9 =	smul.u32 $0xF7A, s1;
	s8 =	simm.s32 @!p0 $0x1BF5;
	p2 =	por !p2, p0  }
0x20: {  	[sflag:s8] =	ssyncset.s32 @!p0 $0xFFFFF086;
	s6 =	sadd.s32 @!p0 s3, s7;
	s7 =	simm.s32 @!p0 $0x108  }
0x21: {  	s3 =	sadd.s32 s3, s9;
	s6 =	sadd.s32 @!p0 $0x88, s6;
	s7 =	simm.s32 @p2 $0x1082  }
0x22: {  	[simem:s7], [sflag:s8] =	dma.local @!p0 [hbm:s6], $0xF7A  }
0x23: {  	s9 =	sor.u32 $0xD0000000, s2;
	s6 =	simm.s32 $0x108;
	_ =	swait.ge @!p0 [sflag:s8], $0x0  }
0x24: {  	s3 =	sadd.s32 $0x88, s3;
	s6 =	simm.s32 @!p1 $0x1082;
	[sflag:s4] =	ssyncset.s32 $0xFFFFF086  }
0x25: {  	[simem:s6], [sflag:s4] =	dma.local [hbm:s3], $0xF7A  }
0x26: {  	[smem:$0x3F9E] =	sst s1;
	(tag) =	ssettag s2;
	_ =	strace s9  }
0x27: {  	s1 =	sld [smem:$0x3FAE]  }
0x28: {  	s2 =	sld [smem:$0x3FAF]  }
0x29: {  	s4 =	sld [smem:$0x3FB1]  }
0x2a: {  	p0 =	seq.s32 s5, $0x0;
	s5 =	sld [smem:$0x3FB2]  }
0x2b: {  	s6 =	sld [smem:$0x3FB3]  }
0x2c: {  	s7 =	sld [smem:$0x3FB4]  }
0x2d: {  	s3 =	simm.s32 $0x108;
	s8 =	sld [smem:$0x3FB5]  }
0x2e: {  	s3 =	simm.s32 @!p0 $0x1082;
	s9 =	sld [smem:$0x3FB6]  }
0x2f: {  	lr =	sadd.s32 s0, s3;
	s0 =	sld [smem:$0x3FAD]  }
0x30: {  	s3 =	sld [smem:$0x3FB0]  }
0x31: {  	[smem:$0x3FB9] =	sst s10  }
0x32: {  	s10 =	sld [smem:$0x3FB7];
	_ =	sdelay $0x3  }
0x33: {  	p0 =	seq.s32 s10, $0x1;
	s10 =	sld [smem:$0x3FB9];
	_ =	sdelay $0x3  }
0x34: {  	[smem:$0x3FB9] =	sst s10  }
0x35: {  	s10 =	sld [smem:$0x3FB8];
	_ =	sdelay $0x3  }
0x36: {  	p1 =	seq.s32 s10, $0x1;
	s10 =	sld [smem:$0x3FB9];
	_ =	sdelay $0x3  }
0x37: {  	[smem:$0x3FB9] =	sst s10  }
0x38: {  	s10 =	sld [smem:$0x3FBA]  }
0x39: {  	_ = 	snop;
	(pc) =	sbr.ind lr, $3  }
0x3a: {  	_ = 	snop  }
0x3b: {  	_ = 	snop  }
0x3c: {  	p2 =	seq.s32 s10, $0x1;
	s10 =	sld [smem:$0x3FB9]  }
0x3d: {  	_ =	shalt  }
0x3e: {  	_ =	shalt  }
0x3f: {  	_ =	shalt  }
0x40: {  	_ =	shalt  }
0x41: {  	_ =	shalt  }
0x42: {  	_ =	shalt  }
0x43: {  	_ =	shalt  }
0x44: {  	_ =	shalt  }
0x45: {  	_ =	shalt  }
0x46: {  	_ =	shalt  }
0x47: {  	_ =	shalt  }
0x48: {  	_ =	shalt  }
0x49: {  	_ =	shalt  }
0x4a: {  	_ =	shalt  }
0x4b: {  	_ =	shalt  }
0x4c: {  	_ =	shalt  }
0x4d: {  	_ =	shalt  }
0x4e: {  	_ =	shalt  }
0x4f: {  	_ =	shalt  }
0x50: {  	_ =	shalt  }
0x51: {  	_ =	shalt  }
0x52: {  	_ =	shalt  }
0x53: {  	_ =	shalt  }
0x54: {  	_ =	shalt  }
0x55: {  	_ =	shalt  }
0x56: {  	_ =	shalt  }
0x57: {  	_ =	shalt  }
0x58: {  	_ =	shalt  }
0x59: {  	_ =	shalt  }
0x5a: {  	_ =	shalt  }
0x5b: {  	_ =	shalt  }
0x5c: {  	_ =	shalt  }
0x5d: {  	_ =	shalt  }
0x5e: {  	_ =	shalt  }
0x5f: {  	_ =	shalt  }
0x60: {  	_ =	shalt  }
0x61: {  	_ =	shalt  }
0x62: {  	_ =	shalt  }
0x63: {  	_ =	shalt  }
0x64: {  	_ =	shalt  }
0x65: {  	_ =	shalt  }
0x66: {  	_ =	shalt  }
0x67: {  	_ =	shalt  }
0x68: {  	_ =	shalt  }
0x69: {  	_ =	shalt  }
0x6a: {  	_ =	shalt  }
0x6b: {  	_ =	shalt  }
0x6c: {  	_ =	shalt  }
0x6d: {  	_ =	shalt  }
0x6e: {  	_ =	shalt  }
0x6f: {  	_ =	shalt  }
0x70: {  	_ =	shalt  }
0x71: {  	_ =	shalt  }
0x72: {  	_ =	shalt  }
0x73: {  	_ =	shalt  }
0x74: {  	_ =	shalt  }
0x75: {  	_ =	shalt  }
0x76: {  	_ =	shalt  }
0x77: {  	_ =	shalt  }
0x78: {  	_ =	shalt  }
0x79: {  	_ =	shalt  }
0x7a: {  	_ =	shalt  }
0x7b: {  	_ =	shalt  }
0x7c: {  	_ =	shalt  }
0x7d: {  	_ =	shalt  }
0x7e: {  	_ =	shalt  }
0x7f: {  	_ =	shalt  }
0x80: {  	_ =	shalt  }
0x81: {  	_ =	shalt  }
0x82: {  	_ =	shalt  }
0x83: {  	_ =	shalt  }
0x84: {  	_ =	shalt  }
0x85: {  	_ =	shalt  }
0x86: {  	_ =	shalt  }
0x87: {  	_ =	shalt  }
.Lfunc_end0:
.L_simem_size_0:
called_computation_lowered:
.L_overlay_start_0:
0x88: {  	s2 =	sld [smem:$0x3FD9]  }
0x89: {  	s3 =	sld [smem:$0x3FFE];
	_ =	sdelay $0x1  }
0x8a: {  	s1 =	srdreg.scid  }
0x8b: {  	s0 =	sand.u32 $0x1, s1  }
0x8c: {  	s17 =	sshll.u32 s0, $0xA;
	s2 =	sadd.s32 s3, s2  }
0x8d: {  	s2 =	sadd.s32 s2, s17  }
0x8e: {  	[smem:$0x3FC5] =	sst s2  }
0x8f: {  	_ = 	snop  }
0x90: {  	s2 =	sld [smem:$0x3FC9]  }
0x91: {  	s18 =	sld [smem:$0x3FC8]  }
0x92: {  	s4 =	sld [smem:$0x3FD0];
	(tm) =	ssettm $0x1  }
0x93: {  	s5 =	sld [smem:$0x3FFB];
	_ =	sdelay $0x3  }
0x94: {  	_ =	strace s5  }
0x95: {  	s5 =	sld [smem:$0x3FFC];
	_ =	sdelay $0x3  }
0x96: {  	_ =	strace s5  }
0x97: {  	s5 =	sld [smem:$0x3FFD];
	_ =	sdelay $0x3  }
0x98: {  	_ =	strace s5  }
0x99: {  	_ =	strace $0x8FFFFFFF  }
0x9a: {  	s19 =	sld [smem:$0x3FDB];
	_ =	sdelay $0x1  }
0x9b: {  	s6 =	simm.s32 $_scs_section_size  }
0x9c: {  	s7 =	simm.s32 $_size__tile_overlayer_lowered;
	s8 =	simm.s32 $_tile_overlayer_lowered  }
0x9d: {  	s22 =	simm.s32 $0x1BFF;
	s21 =	sshll.u32 s8, $0x1;
	s5 =	sadd.s32 s6, s19  }
0x9e: {  	s9 =	simm.s32 $0x0;
	s20 =	sshll.u32 s7, $0x1;
	s7 =	sadd.s32 s21, s5  }
0x9f: {  	[timem:s9], [sflag:s22] =	dma.local [hbm:s7], s20  }
0xa0: {  	_ =	swait.ge [sflag:s22], s20  }
0xa1: {  	s6 =	ssub.s32 $0x0, s20;
	[sflag:s22] =	ssyncset.done $0x0  }
0xa2: {  	[sflag:s22] =	ssyncadd.s32 s6;
	_ =	sdelay $0x1  }
0xa3: {  	s23 =	simm.s32 $0x1B8B  }
0xa4: {  	_ =	swait.ge [sflag:s23], $0x1  }
0xa5: {  	[sflag:s23] =	ssyncset.done $0x0  }
0xa6: {  	s25 =	simm.s32 $0x1B8E;
	s24 =	sld [smem:$0x3FFE];
	[sflag:s23] =	ssyncadd.s32 $0xFFFFFFFF  }
0xa7: {  	s26 =	simm.s32 $execute0_lowered;
	[smem:$0x3FD2] =	sst s25  }
0xa8: {  	s7 =	sshll.u32 s26, $0x1;
	_ =	strace $0x80000046;
	[dreg:$0x1] =	wrdreg $0xFFFFFFFF  }
0xa9: {  	s28 =	simm.s32 $_size_execute0_lowered;
	s5 =	sadd.s32 s5, s7;
	[dreg:$0x0] =	wrdreg $0x0  }
0xaa: {  	s7 =	sshll.u32 s28, $0x1;
	[dreg:$0x2] =	wrdreg s5  }
0xab: {  	[dreg:$0x3] =	wrdreg s7  }
0xac: {  	[dreg:$0x4] =	wrdreg $0xC0  }
0xad: {  	_ =	task [dreg:s9], $0x5FFFF  }
0xae: {  	[dreg:$0x1] =	wrdreg $0xFFFFFFFF  }
0xaf: {  	[dreg:$0x0] =	wrdreg $0x60  }
0xb0: {  	[dreg:$0x2] =	wrdreg s2  }
0xb1: {  	[dreg:$0x3] =	wrdreg s18  }
0xb2: {  	[dreg:$0x4] =	wrdreg s24  }
0xb3: {  	[dreg:$0x5] =	wrdreg s4  }
0xb4: {  	[dreg:$0x6] =	wrdreg $0x9  }
0xb5: {  	_ =	task.clear_ibuf [dreg:s9], $0x7FFFF;
	_ =	strace $0x90000046  }
0xb6: {  	s29 =	simm.s32 $0x9;
	_ =	strace $0x80000048  }
0xb7: {  	_ =	swait.ge [sflag:s29], $0x1  }
0xb8: {  	[sflag:s29] =	ssyncadd.s32 $0xFFFFFFFF  }
0xb9: {  	_ =	strace $0x90000048  }
0xba: {  	_ =	sfence  }
0xbb: {  	s30 =	sld [smem:$0x0];
	_ =	sdelay $0x2  }
0xbc: {  	s31 =	sshll.u32 s1, $0xD;
	s1 =	sshrl.u32 s1, $0x2  }
0xbd: {  	s3 =	sand.u32 $0x4000, s31;
	s1 =	sadd.s32 s1, s30  }
0xbe: {  	s0 =	sor.u32 s3, s0;
	s1 =	sshll.u32 s1, $0x11  }
0xbf: {  	s0 =	sor.u32 s1, s0  }
0xc0: {  	s0 =	sadd.s32 $0x8F2B, s0  }
0xc1: {  	[sflag:s0] =	ssyncadd.remote.s32 $0x1  }
0xc2: {  	_ =	sfence.sel $0xFFFF  }
0xc3: {  	[dreg:$0x0] =	wrdreg $0xFFFFFFFF;
	(pc) =	sbr.abs _section_cstart, $3  }
0xc4: {  	[dreg:$0x1] =	wrdreg $0xFFFFFFFF  }
0xc5: {  	_ =	task.clear_ibuf [dreg:s9], $0x2FFFF;
	_ =	strace $0x9FFFFFFF  }
0xc6: {  	(tm) =	ssettm $0x7FFFFFFF  }
0xc7: {  	_ =	shalt  }
tec
execute0_lowered:
.L_overlay_start_1:
0x0: {  	(tag) =	ssettag $0x1  }
0x1: {  	s4 =	rddreg [dreg:$0x0]  }
0x2: {  	s5 =	rddreg [dreg:$0x1]  }
0x3: {  	s0 =	srdreg.scid;
	s1 =	rddreg [dreg:$0x2]  }
0x4: {  	s2 =	stileid.u32;
	s24 =	rddreg [dreg:$0x3]  }
0x5: {  	s28 =	simm.s32 $0x0;
	s0 =	sand.u32 $0x1, s0;
	s2 =	sshll.u32 s2, $0x1  }
0x6: {  	[smem:$0x7FF] =	sst s28;
	s2 =	sor.u32 s0, s2  }
0x7: {  	s7 =	sadd.s32 $0xF42800, s1;
	s31 =	sadd.s32 $0x320000, s4;
	s6 =	smul.u32 $0x19000, s2  }
0x8: {  	_ =	strace $0x80000047;
	s0 =	ssub.s32 $0x2, s0;
	[dreg:$0xd] =	wrdreg s31  }
0x9: {  	s2 =	smul.u32 $0xC8000, s2;
	s3 =	sshrl.u32 s0, $0x1;
	s29 =	sor.u32 $0x500, s6  }
0xa: {  	s0 =	ssub.s32 s0, s3;
	s30 =	sor.u32 $0xF00, s6;
	[dreg:$0xa] =	wrdreg s29  }
0xb: {  	s25 =	sshrl.u32 s6, $0x3;
	s0 =	smax.u32 s0, $0x1;
	[dreg:$0xb] =	wrdreg s30  }
0xc: {  	s2 =	sshrl.u32 s2, $0x3;
	s1 =	sadd.s32 s5, s25;
	[dreg:$0xc] =	wrdreg s0  }
0xd: {  	s2 =	sadd.s32 s4, s2;
	[dreg:$0x6] =	wrdreg s1  }
0xe: {  	s18 =	simm.s32 $0x80;
	s5 =	smov.u32 s6;
	[dreg:$0x7] =	wrdreg s2  }
0xf: {  	s19 =	simm.s32 $0xA00;
	s1 =	sadd.s32 $0xA0, s1;
	[dreg:$0x5] =	wrdreg s5  }
0x10: {  	s21 =	simm.s32 $0x5A00;
	v0 =	vlaneseq.u32;
	s26 =	sadd.s32 $0x320000, s2;
	[dreg:$0x8] =	wrdreg s1  }
0x11: {  	v0 =	vmul.u32 $0x10, v0;
	s25 =	simm.s32 $0x2;
	s2 =	simm.s32 $0x0;
	[dreg:$0x9] =	wrdreg s26  }
.LBB2_1:
0x12: {  	[dreg:$0xe] =	wrdreg s2  }
0x13: {  	s0 =	rddreg [dreg:$0x6]  }
0x14: {  	[tilespmem:s28], [sflag:$0x3] =	stream.linear.gather [hbm4b:s0+s28], $0x500, $0x38;
	[tilespmem:$0x15400] =	vst v63  }
0x15: {  	s29 =	rddreg [dreg:$0x8];
	s1 =	simm.s32 $0x500;
	s31 =	simm.s32 $0x3  }
0x16: {  	[tilespmem:s1], [sflag:$0x3] =	stream.linear.gather [hbm4b:s29+s28], $0x500, $0x38;
	[tilespmem:$0x15400] =	vst v63  }
0x17: {  	_ =	swait.ge [sflag:s31], $0x500  }
0x18: {  	[sflag:s31] =	ssyncset.done $0x0  }
0x19: {  	[sflag:s31] =	ssyncadd.s32 $0xFFFFFB00  }
0x1a: {  	[tilespmem:s19], [sflag:$0x1] =	stream.indirect.gather [hbm4b:s7+s18], $0x10, s28, s18, $0xb8;
	[tilespmem:$0x15400] =	vst v63  }
0x1b: {  	s1 =	simm.s32 $0x1200  }
0x1c: {  	[tilespmem:s1], [sflag:$0x1] =	stream.indirect.gather [hbm4b:s7+s18], $0x10, s18, s18, $0xb8;
	[tilespmem:$0x15400] =	vst v63  }
0x1d: {  	s2 =	simm.s32 $0x100;
	s3 =	simm.s32 $0x1A00  }
0x1e: {  	[tilespmem:s3], [sflag:$0x1] =	stream.indirect.gather [hbm4b:s7+s18], $0x10, s2, s18, $0xb8;
	[tilespmem:$0x15400] =	vst v63  }
0x1f: {  	s4 =	simm.s32 $0x180;
	s6 =	simm.s32 $0x2200  }
0x20: {  	[tilespmem:s6], [sflag:$0x1] =	stream.indirect.gather [hbm4b:s7+s18], $0x10, s4, s18, $0xb8;
	[tilespmem:$0x15400] =	vst v63  }
0x21: {  	s8 =	simm.s32 $0x200;
	s9 =	simm.s32 $0x2A00  }
0x22: {  	[tilespmem:s9], [sflag:$0x1] =	stream.indirect.gather [hbm4b:s7+s18], $0x10, s8, s18, $0xb8;
	[tilespmem:$0x15400] =	vst v63  }
0x23: {  	s10 =	simm.s32 $0x280;
	s11 =	simm.s32 $0x3200  }
0x24: {  	[tilespmem:s11], [sflag:$0x1] =	stream.indirect.gather [hbm4b:s7+s18], $0x10, s10, s18, $0xb8;
	[tilespmem:$0x15400] =	vst v63  }
0x25: {  	s12 =	simm.s32 $0x300;
	s13 =	simm.s32 $0x3A00  }
0x26: {  	[tilespmem:s13], [sflag:$0x1] =	stream.indirect.gather [hbm4b:s7+s18], $0x10, s12, s18, $0xb8;
	[tilespmem:$0x15400] =	vst v63  }
0x27: {  	s14 =	simm.s32 $0x380;
	s15 =	simm.s32 $0x4200  }
0x28: {  	[tilespmem:s15], [sflag:$0x1] =	stream.indirect.gather [hbm4b:s7+s18], $0x10, s14, s18, $0xb8;
	[tilespmem:$0x15400] =	vst v63  }
0x29: {  	s16 =	simm.s32 $0x400;
	s17 =	simm.s32 $0x4A00  }
0x2a: {  	[tilespmem:s17], [sflag:$0x1] =	stream.indirect.gather [hbm4b:s7+s18], $0x10, s16, s18, $0xb8;
	[tilespmem:$0x15400] =	vst v63  }
0x2b: {  	s20 =	simm.s32 $0x480;
	s22 =	simm.s32 $0x5200  }
0x2c: {  	[tilespmem:s22], [sflag:$0x1] =	stream.indirect.gather [hbm4b:s7+s18], $0x10, s20, s18, $0xb8;
	[tilespmem:$0x15400] =	vst v63  }
0x2d: {  	s26 =	simm.s32 $0xAA00;
	s23 =	rddreg [dreg:$0x7]  }
0x2e: {  	[tilespmem:s26], [sflag:$0x2] =	stream.linear.gather [hbm4b:s23+s28], $0x2800, $0x38;
	[tilespmem:$0x15400] =	vst v63  }
0x2f: {  	s30 =	simm.s32 $0x0;
	s29 =	rddreg [dreg:$0x9];
	s31 =	simm.s32 $0xD200  }
0x30: {  	[tilespmem:s31], [sflag:$0x2] =	stream.linear.gather [hbm4b:s29+s28], $0x2800, $0x38;
	[tilespmem:$0x15400] =	vst v63  }
.LBB2_2:
0x31: {  	s0 =	simm.s32 $0x3  }
0x32: {  	_ =	swait.ge [sflag:s0], $0x500  }
0x33: {  	[sflag:s0] =	ssyncset.done $0x0  }
0x34: {  	s22 =	simm.s32 $0x500;
	[sflag:s0] =	ssyncadd.s32 $0xFFFFFB00  }
0x35: {  	[tilespmem:s21], [sflag:$0x1] =	stream.indirect.gather [hbm4b:s7+s18], $0x10, s22, s18, $0xb8;
	[tilespmem:$0x15400] =	vst v63  }
0x36: {  	s23 =	simm.s32 $0x580;
	s1 =	simm.s32 $0x6200  }
0x37: {  	[tilespmem:s1], [sflag:$0x1] =	stream.indirect.gather [hbm4b:s7+s18], $0x10, s23, s18, $0xb8;
	[tilespmem:$0x15400] =	vst v63  }
0x38: {  	s26 =	simm.s32 $0x600;
	s29 =	simm.s32 $0x6A00  }
0x39: {  	[tilespmem:s29], [sflag:$0x1] =	stream.indirect.gather [hbm4b:s7+s18], $0x10, s26, s18, $0xb8;
	[tilespmem:$0x15400] =	vst v63  }
0x3a: {  	s2 =	simm.s32 $0x7200;
	s1 =	simm.s32 $0x680  }
0x3b: {  	[tilespmem:s2], [sflag:$0x1] =	stream.indirect.gather [hbm4b:s7+s18], $0x10, s1, s18, $0xb8;
	[tilespmem:$0x15400] =	vst v63  }
0x3c: {  	s3 =	simm.s32 $0x700;
	s4 =	simm.s32 $0x7A00  }
0x3d: {  	[tilespmem:s4], [sflag:$0x1] =	stream.indirect.gather [hbm4b:s7+s18], $0x10, s3, s18, $0xb8;
	[tilespmem:$0x15400] =	vst v63  }
0x3e: {  	s6 =	simm.s32 $0x780;
	s8 =	simm.s32 $0x8200  }
0x3f: {  	[tilespmem:s8], [sflag:$0x1] =	stream.indirect.gather [hbm4b:s7+s18], $0x10, s6, s18, $0xb8;
	[tilespmem:$0x15400] =	vst v63  }
0x40: {  	s9 =	simm.s32 $0x800;
	s10 =	simm.s32 $0x8A00;
	s11 =	simm.s32 $0x880  }
0x41: {  	[tilespmem:s10], [sflag:$0x1] =	stream.indirect.gather [hbm4b:s7+s18], $0x10, s9, s18, $0xb8;
	[tilespmem:$0x15400] =	vst v63  }
0x42: {  	s12 =	simm.s32 $0x9200;
	s13 =	simm.s32 $0x900;
	s14 =	simm.s32 $0x9A00  }
0x43: {  	[tilespmem:s12], [sflag:$0x1] =	stream.indirect.gather [hbm4b:s7+s18], $0x10, s11, s18, $0xb8;
	[tilespmem:$0x15400] =	vst v63  }
0x44: {  	s16 =	simm.s32 $0x980;
	s15 =	rddreg [dreg:$0xa];
	s3 =	smul.u32 $0xA00, s30  }
0x45: {  	[tilespmem:s14], [sflag:$0x1] =	stream.indirect.gather [hbm4b:s7+s18], $0x10, s13, s18, $0xb8;
	[tilespmem:$0x15400] =	vst v63  }
0x46: {  	s17 =	simm.s32 $0xA200;
	s20 =	rddreg [dreg:$0x0];
	s31 =	sadd.s32 s3, s15  }
0x47: {  	[tilespmem:s17], [sflag:$0x1] =	stream.indirect.gather [hbm4b:s7+s18], $0x10, s16, s18, $0xb8;
	[tilespmem:$0x15400] =	vst v63  }
0x48: {  	s22 =	simm.s32 $0xFA00;
	s26 =	rddreg [dreg:$0xd];
	s0 =	sadd.s32 s20, s31  }
0x49: {  	[tilespmem:s22], [sflag:$0x2] =	stream.linear.gather [hbm4b:s0+s28], $0x2800, $0x38;
	[tilespmem:$0x15400] =	vst v63  }
0x4a: {  	s29 =	simm.s32 $0x1;
	s2 =	simm.s32 $0x12200;
	s1 =	sadd.s32 s26, s31  }
0x4b: {  	[tilespmem:s2], [sflag:$0x2] =	stream.linear.gather [hbm4b:s1+s28], $0x2800, $0x38;
	[tilespmem:$0x15400] =	vst v63  }
0x4c: {  	_ =	swait.ge [sflag:s29], $0x5000  }
0x4d: {  	p1 =	seq.s32 s30, $0x27;
	s23 =	sshll.u32 s30, $0x1;
	[sflag:s29] =	ssyncset.done $0x0  }
0x4e: {  	p0 =	seq.s32 @!p1 s30, $0x0;
	s0 =	sadd.s32 $0x2, s23;
	[sflag:s29] =	ssyncadd.s32 $0xFFFFB000  }
0x4f: {  	p0 =	por p1, !p0;
	s1 =	smul.u32 @!p1 $0x500, s0;
	_ =	swait.ge [sflag:s25], $0x5000  }
.Ltmp0:
0x50: {  	[sflag:s25] =	ssyncset.done $0x0;
	(pc) =	sbr.rel @!p0 .LBB2_3-.Ltmp0, $4  }
0x51: {  	s1 =	sadd.s32 @!p1 s5, s1;
	[sflag:s25] =	ssyncadd.s32 $0xFFFFB000  }
0x52: {  	s1 =	sshrl.u32 @!p1 s1, $0x3;
	s2 =	rddreg [dreg:$0x1]  }
0x53: {  	s1 =	sadd.s32 @!p1 s2, s1;
	s2 =	simm.s32 @!p1 $0x0  }
0x54: {  	[tilespmem:s2], [sflag:$0x3] =	stream.linear.gather @!p1 [hbm4b:s1+s2], $0x500, $0x38;
	[tilespmem:$0x15400] =	vst v63  }
.Ltmp1:
0x55: {  	(pc) =	sbr.rel .LBB2_5-.Ltmp1, $4  }
0x56: {  	s1 =	simm.s32 $0x4  }
0x57: {  	_ =	swait.ge [sflag:s1], $0x500  }
0x58: {  	[sflag:s1] =	ssyncset.done $0x0  }
0x59: {  	p0 =	por $0x0, $0x0;
	[sflag:s1] =	ssyncadd.s32 $0xFFFFFB00  }
.LBB2_3:
0x5a: {  	p0 =	por @!p1 $0x1, $0x1  }
.LBB2_5:
0x5b: {  	s1 =	simm.s32 $0x0  }
0x5c: {  	s14 =	simm.s32 $0x0;
	s6 =	sand.u32 $0x3C00, s1  }
0x5d: {  	s12 =	sand.u32 $0x60, s14;
	s9 =	sadd.s32 $0xD400, s6  }
0x5e: {  	s8 =	sadd.s32 $0xD480, s6;
	s20 =	sor.u32 s12, s9  }
0x5f: {  	s11 =	sadd.s32 $0xD500, s6;
	s22 =	sor.u32 s12, s8;
	v1 =	vld [tilespmem:s20+$0x0]  }
0x60: {  	s13 =	sadd.s32 $0xD580, s6;
	s23 =	sor.u32 s12, s11;
	v2 =	vld [tilespmem:s22+$0x0]  }
0x61: {  	s4 =	sadd.s32 $0xD200, s6;
	s26 =	sor.u32 s12, s13;
	v3 =	vld [tilespmem:s23+$0x0]  }
0x62: {  	s2 =	sadd.s32 $0xD280, s6;
	s10 =	sor.u32 s12, s4;
	v4 =	vld [tilespmem:s26+$0x0]  }
0x63: {  	s17 =	sadd.s32 $0xAA00, s6;
	s15 =	sor.u32 s12, s2;
	v5 =	vld [tilespmem:s10+$0x0]  }
0x64: {  	s16 =	sor.u32 s12, s17;
	v6 =	vld [tilespmem:s15+$0x0]  }
0x65: {  	v8 =	vld [tilespmem:s16+$0x0]  }
0x66: {  	v10 =	vld [tilespmem:s16+$0x80]  }
0x67: {  	v11 =	vld [tilespmem:s16+$0x100]  }
0x68: {  	v12 =	vld [tilespmem:s16+$0x180]  }
0x69: {  	v13 =	vld [tilespmem:s16+$0x200]  }
0x6a: {  	v9 =	vmov s14;
	v15 =	vld [tilespmem:s16+$0x280]  }
0x6b: {  	s29 =	sadd.s32 $0xD300, s6;
	v9 =	vshll.u32 v9, $0x4;
	v17 =	vld [tilespmem:s16+$0x300];
	s22 =	simm.s32 $0x10  }
0x6c: {  	v9 =	vor.u32 v0, v9;
	s20 =	sor.u32 s12, s29;
	v19 =	vld [tilespmem:s16+$0x380];
	s23 =	sand.u32 $0x70, s22  }
0x6d: {  	v14 =	vor.u32 $0xC, v9;
	v7 =	vld [tilespmem:s20+$0x0];
	s10 =	sor.u32 s23, s17  }
0x6e: {  	v16 =	vor.u32 $0xD, v9;
	v57 =	vld [tilespmem:s10+$0x80]  }
0x6f: {  	v18 =	vor.u32 $0xE, v9;
	v58 =	vld [tilespmem:s10+$0x200]  }
0x70: {  	v20 =	vor.u32 $0xF, v9;
	v60 =	vld [tilespmem:s10+$0x380]  }
0x71: {  	v22 =	vor.u32 $0x8, v9;
	v21 =	vld.idx.msk [tilespmem:v9+s19+$0x0], $0xffff  }
0x72: {  	v23 =	vor.u32 $0x9, v9;
	v14 =	vld.idx.msk [tilespmem:v14+s19+$0x0], $0xffff  }
0x73: {  	v24 =	vor.u32 $0x1, v9;
	v16 =	vld.idx.msk [tilespmem:v16+s19+$0x0], $0xffff  }
0x74: {  	v25 =	vor.u32 $0x2, v9;
	v18 =	vld.idx.msk [tilespmem:v18+s19+$0x0], $0xffff  }
0x75: {  	v26 =	vor.u32 $0x3, v9;
	v20 =	vld.idx.msk [tilespmem:v20+s19+$0x0], $0xffff  }
0x76: {  	v27 =	vor.u32 $0x4, v9;
	v22 =	vld.idx.msk [tilespmem:v22+s19+$0x0], $0xffff  }
0x77: {  	v28 =	vor.u32 $0x5, v9;
	v23 =	vld.idx.msk [tilespmem:v23+s19+$0x0], $0xffff  }
0x78: {  	v29 =	vor.u32 $0x6, v9;
	v24 =	vld.idx.msk [tilespmem:v24+s19+$0x0], $0xffff  }
0x79: {  	v30 =	vor.u32 $0x7, v9;
	v31 =	vmov s22;
	v25 =	vld.idx.msk [tilespmem:v25+s19+$0x0], $0xffff  }
0x7a: {  	v32 =	vor.u32 $0xA, v9;
	v31 =	vshll.u32 v31, $0x4;
	v26 =	vld.idx.msk [tilespmem:v26+s19+$0x0], $0xffff  }
0x7b: {  	v31 =	vor.u32 v0, v31;
	v27 =	vld.idx.msk [tilespmem:v27+s19+$0x0], $0xffff  }
0x7c: {  	v9 =	vor.u32 $0xB, v9;
	v33 =	vor.u32 $0x1, v31;
	v28 =	vld.idx.msk [tilespmem:v28+s19+$0x0], $0xffff  }
0x7d: {  	v34 =	vor.u32 $0x2, v31;
	v35 =	vor.u32 $0x3, v31;
	v36 =	vor.u32 $0x4, v31;
	v29 =	vld.idx.msk [tilespmem:v29+s19+$0x0], $0xffff  }
0x7e: {  	v37 =	vor.u32 $0x5, v31;
	v30 =	vld.idx.msk [tilespmem:v30+s19+$0x0], $0xffff;
	v8 =	vsub.f32 v8, v21;
	v1 =	vsub.f32 v1, v14  }
0x7f: {  	v52 =	vor.u32 $0x6, v31;
	v32 =	vld.idx.msk [tilespmem:v32+s19+$0x0], $0xffff;
	v2 =	vsub.f32 v2, v16;
	v3 =	vsub.f32 v3, v18  }
0x80: {  	v56 =	vld.idx.msk [tilespmem:v31+s19+$0x0], $0xffff;
	v21 =	vor.u32 $0x8, v31;
	v5 =	vsub.f32 v5, v22;
	v4 =	vsub.f32 v4, v20  }
0x81: {  	v9 =	vld.idx.msk [tilespmem:v9+s19+$0x0], $0xffff;
	v18 =	vor.u32 $0x7, v31;
	v10 =	vsub.f32 v10, v24;
	v6 =	vsub.f32 v6, v23  }
0x82: {  	s6 =	sadd.s32 $0xD380, s6;
	v53 =	vld.idx.msk [tilespmem:v35+s19+$0x0], $0xffff;
	v23 =	vor.u32 $0x9, v31;
	v11 =	vsub.f32 v11, v25;
	v12 =	vsub.f32 v12, v26  }
0x83: {  	s12 =	sor.u32 s12, s6;
	v54 =	vld.idx.msk [tilespmem:v36+s19+$0x0], $0xffff;
	v13 =	vsub.f32 v13, v27;
	v8 =	vmul.f32 v8, v8;
	v1 =	vmul.f32 v1, v1  }
0x84: {  	v16 =	vld [tilespmem:s12+$0x0];
	v15 =	vsub.f32 v15, v28;
	v5 =	vmul.f32 v5, v5;
	v2 =	vmul.f32 v2, v2  }
0x85: {  	v55 =	vld.idx.msk [tilespmem:v37+s19+$0x0], $0xffff;
	v17 =	vsub.f32 v17, v29;
	v10 =	vmul.f32 v10, v10;
	v6 =	vmul.f32 v6, v6  }
0x86: {  	v20 =	vld.idx.msk [tilespmem:v33+s19+$0x0], $0xffff;
	v19 =	vsub.f32 v19, v30;
	v11 =	vmul.f32 v11, v11;
	v13 =	vmul.f32 v13, v13  }
0x87: {  	v22 =	vld.idx.msk [tilespmem:v34+s19+$0x0], $0xffff;
	v7 =	vsub.f32 v7, v32;
	v12 =	vmul.f32 v12, v12;
	v15 =	vmul.f32 v15, v15  }
0x88: {  	v14 =	vld.idx.msk [tilespmem:v52+s19+$0x0], $0xffff;
	v17 =	vmul.f32 v17, v17;
	v19 =	vmul.f32 v19, v19;
	v8 =	vadd.f32 v13, v8  }
0x89: {  	v7 =	vmul.f32 v7, v7;
	v10 =	vadd.f32 v15, v10;
	v15 =	vld [tilespmem:s10+$0x100];
	v9 =	vsub.f32 v16, v9  }
0x8a: {  	v3 =	vmul.f32 v3, v3;
	v11 =	vadd.f32 v17, v11;
	v12 =	vadd.f32 v19, v12;
	v18 =	vld.idx.msk [tilespmem:v18+s19+$0x0], $0xffff  }
0x8b: {  	v16 =	vld [tilespmem:s10+$0x0];
	v13 =	vsub.f32 v57, v20;
	v6 =	vadd.f32 v6, v10;
	v9 =	vmul.f32 v9, v9  }
0x8c: {  	s2 =	sor.u32 s23, s2;
	v4 =	vmul.f32 v4, v4;
	v61 =	vld.idx.msk [tilespmem:v23+s19+$0x0], $0xffff;
	v5 =	vadd.f32 v5, v8;
	v7 =	vadd.f32 v7, v11  }
0x8d: {  	v20 =	vld [tilespmem:s2+$0x0];
	v2 =	vadd.f32 v2, v6;
	v6 =	vor.u32 $0xB, v31;
	v9 =	vadd.f32 v9, v12  }
0x8e: {  	v8 =	vld [tilespmem:s10+$0x180];
	v1 =	vadd.f32 v1, v5  }
0x8f: {  	v59 =	vor.u32 $0xA, v31;
	v5 =	vld [tilespmem:s10+$0x280];
	v3 =	vadd.f32 v3, v7;
	v4 =	vadd.f32 v4, v9  }
0x90: {  	v10 =	vsub.f32 v58, v54;
	v7 =	vld [tilespmem:s10+$0x300];
	v1 =	vadd.f32 v2, v1  }
0x91: {  	v16 =	vsub.f32 v16, v56;
	v2 =	vadd.f32 v4, v3;
	v3 =	vld.idx.msk [tilespmem:v21+s19+$0x0], $0xffff  }
0x92: {  	s4 =	sor.u32 s23, s4;
	v17 =	vor.u32 $0xD, v31;
	v13 =	vmul.f32 v13, v13;
	v10 =	vmul.f32 v10, v10;
	v23 =	vld.idx.msk [tilespmem:v6+s19+$0x0], $0xffff  }
0x93: {  	v15 =	vsub.f32 v15, v22;
	v4 =	vor.u32 $0xC, v31;
	v6 =	vmul.f32 v16, v16;
	v16 =	vld [tilespmem:s4+$0x0]  }
0x94: {  	s1 =	sor.u32 s23, s29;
	v11 =	vld.idx.msk [tilespmem:v59+s19+$0x0], $0xffff;
	v63 =	vsub.f32 v20, v61;
	v8 =	vsub.f32 v8, v53;
	v21 =	vor.u32 $0xF, v31  }
0x95: {  	s26 =	sor.u32 s23, s6;
	v22 =	vld [tilespmem:s1+$0x0];
	v9 =	vsub.f32 v60, v18;
	v1 =	vadd.f32 v2, v1;
	v2 =	vor.u32 $0xE, v31  }
0x96: {  	v62 =	vld [tilespmem:s26+$0x0];
	v15 =	vmul.f32 v15, v15;
	v5 =	vsub.f32 v5, v55;
	v8 =	vmul.f32 v8, v8  }
0x97: {  	v19 =	vld.idx.msk [tilespmem:v17+s19+$0x0], $0xffff;
	v7 =	vsub.f32 v7, v14;
	v9 =	vmul.f32 v9, v9;
	v1 =	vmul.f32 $5.000000000e-01, v1  }
0x98: {  	v5 =	vmul.f32 v5, v5;
	v6 =	vadd.f32 v10, v6;
	v18 =	vld.idx.msk [tilespmem:v4+s19+$0x0], $0xffff;
	v3 =	vsub.f32 v16, v3  }
0x99: {  	s29 =	sor.u32 s23, s9;
	s14 =	sor.u32 s23, s8;
	v17 =	vadd.f32 v9, v8;
	v4 =	vmul.f32 v7, v7;
	v21 =	vld.idx.msk [tilespmem:v21+s19+$0x0], $0xffff;
	v1 =	vsub.f32 $-1.470301630e+01, v1  }
0x9a: {  	s20 =	sor.u32 s23, s11;
	s13 =	sor.u32 s23, s13;
	s10 =	simm.s32 $0x14A10;
	v7 =	vadd.f32 v5, v13;
	v20 =	vld.idx.msk [tilespmem:v2+s19+$0x0], $0xffff;
	v2 =	vmul.f32 v3, v3;
	v3 =	vsub.f32 v22, v11  }
0x9b: {  	s8 =	simm.s32 $0x0;
	s9 =	simm.s32 $0x30;
	s11 =	simm.s32 $0x100;
	v5 =	vadd.f32 v4, v15;
	v4 =	vmul.f32 v63, v63;
	v22 =	vld [tilespmem:s29+$0x0];
	[tilespmem:s10+$0xFFFFFFF0] =	vst v1;
	v1 =	vsub.f32 v62, v23  }
.LBB2_6:
0x9c: {  	s6 =	sadd.s32 $0xFFFFFFF0, s9;
	s16 =	sand.u32 $0x3C00, s11;
	v8 =	vmov s9;
	s2 =	sand.u32 $0x70, s9;
	v23 =	vadd.f32 v2, v6;
	v2 =	vmul.f32 v3, v3;
	v24 =	vld [tilespmem:s14+$0x0]  }
0x9d: {  	s4 =	sand.u32 $0x60, s6;
	s1 =	sadd.s32 $0xD400, s16;
	v3 =	vshll.u32 v8, $0x4;
	v25 =	vadd.f32 v4, v7;
	v26 =	vmul.f32 v1, v1;
	v27 =	vld [tilespmem:s20+$0x0]  }
0x9e: {  	s14 =	sadd.s32 $0xD480, s16;
	s12 =	sor.u32 s4, s1;
	v9 =	vor.u32 v0, v3;
	s22 =	sor.u32 s2, s1;
	v28 =	vadd.f32 v2, v5;
	v29 =	vld [tilespmem:s13+$0x0]  }
0x9f: {  	s1 =	sor.u32 s4, s14;
	s14 =	sor.u32 s2, s14;
	v30 =	vld [tilespmem:s12+$0x0];
	s12 =	sadd.s32 $0xD500, s16;
	v16 =	vor.u32 $0x1, v9;
	v15 =	vor.u32 $0x2, v9;
	v13 =	vor.u32 $0x3, v9  }
0xa0: {  	s13 =	sadd.s32 $0xD580, s16;
	v14 =	vor.u32 $0x4, v9;
	v12 =	vor.u32 $0x5, v9;
	v10 =	vor.u32 $0x6, v9;
	v31 =	vld [tilespmem:s1+$0x0];
	s1 =	sor.u32 s4, s12;
	s20 =	sor.u32 s2, s12  }
0xa1: {  	v11 =	vor.u32 $0x7, v9;
	v8 =	vor.u32 $0x8, v9;
	v6 =	vor.u32 $0x9, v9;
	s12 =	sadd.s32 $0xD200, s16;
	v32 =	vld [tilespmem:s1+$0x0];
	s1 =	sor.u32 s4, s13;
	s13 =	sor.u32 s2, s13  }
0xa2: {  	s17 =	sadd.s32 $0xD280, s16;
	v7 =	vor.u32 $0xA, v9;
	v5 =	vor.u32 $0xB, v9;
	v2 =	vor.u32 $0xC, v9;
	s15 =	sor.u32 s4, s12;
	s23 =	sor.u32 s2, s12;
	v33 =	vld [tilespmem:s1+$0x0]  }
0xa3: {  	s26 =	sor.u32 s2, s17;
	v4 =	vor.u32 $0xD, v9;
	v3 =	vor.u32 $0xE, v9;
	v1 =	vor.u32 $0xF, v9;
	s12 =	sadd.s32 $0xD300, s16;
	s1 =	sor.u32 s4, s17;
	v34 =	vld [tilespmem:s15+$0x0]  }
0xa4: {  	v18 =	vsub.f32 v22, v18;
	v19 =	vsub.f32 v24, v19;
	s29 =	sor.u32 s2, s12;
	s15 =	sadd.s32 $0xAA00, s16;
	v35 =	vld [tilespmem:s1+$0x0];
	s1 =	sor.u32 s4, s12  }
0xa5: {  	v20 =	vsub.f32 v27, v20;
	v21 =	vsub.f32 v29, v21;
	s12 =	sor.u32 s4, s15;
	v22 =	vld [tilespmem:s1+$0x0];
	s1 =	sor.u32 s2, s15  }
0xa6: {  	v17 =	vadd.f32 v26, v17;
	v18 =	vmul.f32 v18, v18;
	v19 =	vmul.f32 v19, v19;
	v24 =	vld [tilespmem:s12+$0x0]  }
0xa7: {  	v26 =	vmov s6;
	v20 =	vmul.f32 v20, v20;
	v21 =	vmul.f32 v21, v21;
	v27 =	vld [tilespmem:s12+$0x80]  }
0xa8: {  	v26 =	vshll.u32 v26, $0x4;
	v18 =	vadd.f32 v18, v23;
	v19 =	vadd.f32 v19, v25;
	v29 =	vld [tilespmem:s12+$0x100]  }
0xa9: {  	v23 =	vor.u32 v0, v26;
	v20 =	vadd.f32 v20, v28;
	v17 =	vadd.f32 v21, v17;
	v25 =	vld [tilespmem:s12+$0x180]  }
0xaa: {  	v26 =	vor.u32 $0xC, v23;
	v18 =	vadd.f32 v19, v18;
	v21 =	vld [tilespmem:s12+$0x200]  }
0xab: {  	v28 =	vor.u32 $0xD, v23;
	v17 =	vadd.f32 v17, v20;
	v19 =	vld [tilespmem:s12+$0x280]  }
0xac: {  	v36 =	vor.u32 $0xE, v23;
	v20 =	vld [tilespmem:s12+$0x300]  }
0xad: {  	v38 =	vor.u32 $0xF, v23;
	v17 =	vadd.f32 v17, v18;
	v37 =	vld [tilespmem:s12+$0x380]  }
0xae: {  	v39 =	vor.u32 $0x8, v23;
	v18 =	vld.idx.msk [tilespmem:v23+s19+$0x0], $0xffff  }
0xaf: {  	v40 =	vor.u32 $0x9, v23;
	v17 =	vmul.f32 $5.000000000e-01, v17;
	v26 =	vld.idx.msk [tilespmem:v26+s19+$0x0], $0xffff  }
0xb0: {  	v41 =	vor.u32 $0x1, v23;
	v28 =	vld.idx.msk [tilespmem:v28+s19+$0x0], $0xffff  }
0xb1: {  	v42 =	vor.u32 $0x2, v23;
	v17 =	vsub.f32 $-1.470301630e+01, v17;
	v36 =	vld.idx.msk [tilespmem:v36+s19+$0x0], $0xffff  }
0xb2: {  	s8 =	sadd.s32 $0x2, s8;
	v43 =	vor.u32 $0x3, v23;
	v38 =	vld.idx.msk [tilespmem:v38+s19+$0x0], $0xffff  }
0xb3: {  	p2 =	slt.u32 s8, $0x4E;
	v44 =	vor.u32 $0x4, v23;
	v39 =	vld.idx.msk [tilespmem:v39+s19+$0x0], $0xffff;
	[tilespmem:s10+$0x0] =	vst v17  }
0xb4: {  	v17 =	vor.u32 $0x5, v23;
	v40 =	vld.idx.msk [tilespmem:v40+s19+$0x0], $0xffff  }
0xb5: {  	v45 =	vor.u32 $0x6, v23;
	v41 =	vld.idx.msk [tilespmem:v41+s19+$0x0], $0xffff  }
0xb6: {  	v46 =	vor.u32 $0x7, v23;
	v42 =	vld.idx.msk [tilespmem:v42+s19+$0x0], $0xffff  }
0xb7: {  	v47 =	vor.u32 $0xA, v23;
	v43 =	vld.idx.msk [tilespmem:v43+s19+$0x0], $0xffff  }
0xb8: {  	v23 =	vor.u32 $0xB, v23;
	v44 =	vld.idx.msk [tilespmem:v44+s19+$0x0], $0xffff  }
0xb9: {  	v18 =	vsub.f32 v24, v18;
	v24 =	vsub.f32 v30, v26;
	v17 =	vld.idx.msk [tilespmem:v17+s19+$0x0], $0xffff  }
0xba: {  	v28 =	vsub.f32 v31, v28;
	v30 =	vsub.f32 v32, v36;
	v26 =	vld.idx.msk [tilespmem:v45+s19+$0x0], $0xffff  }
0xbb: {  	v33 =	vsub.f32 v33, v38;
	v32 =	vsub.f32 v34, v39;
	v31 =	vld.idx.msk [tilespmem:v46+s19+$0x0], $0xffff  }
0xbc: {  	s6 =	sadd.s32 $0xD380, s16;
	v34 =	vsub.f32 v35, v40;
	v27 =	vsub.f32 v27, v41;
	v35 =	vld.idx.msk [tilespmem:v47+s19+$0x0], $0xffff  }
0xbd: {  	s4 =	sor.u32 s4, s6;
	s2 =	sor.u32 s2, s6;
	v29 =	vsub.f32 v29, v42;
	v25 =	vsub.f32 v25, v43;
	v23 =	vld.idx.msk [tilespmem:v23+s19+$0x0], $0xffff  }
0xbe: {  	v18 =	vmul.f32 v18, v18;
	v24 =	vmul.f32 v24, v24;
	v21 =	vsub.f32 v21, v44;
	v36 =	vld [tilespmem:s4+$0x0]  }
0xbf: {  	v28 =	vmul.f32 v28, v28;
	v17 =	vsub.f32 v19, v17;
	v19 =	vmul.f32 v32, v32;
	v16 =	vld.idx.msk [tilespmem:v16+s19+$0x0], $0xffff  }
0xc0: {  	v27 =	vmul.f32 v27, v27;
	v20 =	vsub.f32 v20, v26;
	v26 =	vmul.f32 v34, v34;
	v15 =	vld.idx.msk [tilespmem:v15+s19+$0x0], $0xffff  }
0xc1: {  	v29 =	vmul.f32 v29, v29;
	v25 =	vmul.f32 v25, v25;
	v31 =	vsub.f32 v37, v31;
	v13 =	vld.idx.msk [tilespmem:v13+s19+$0x0], $0xffff  }
0xc2: {  	v21 =	vmul.f32 v21, v21;
	v17 =	vmul.f32 v17, v17;
	v22 =	vsub.f32 v22, v35;
	v14 =	vld.idx.msk [tilespmem:v14+s19+$0x0], $0xffff  }
0xc3: {  	v20 =	vmul.f32 v20, v20;
	v31 =	vmul.f32 v31, v31;
	v23 =	vsub.f32 v36, v23;
	v12 =	vld.idx.msk [tilespmem:v12+s19+$0x0], $0xffff  }
0xc4: {  	v18 =	vadd.f32 v21, v18;
	v17 =	vadd.f32 v17, v27;
	v21 =	vmul.f32 v22, v22;
	v10 =	vld.idx.msk [tilespmem:v10+s19+$0x0], $0xffff  }
0xc5: {  	v20 =	vadd.f32 v20, v29;
	v22 =	vadd.f32 v31, v25;
	v23 =	vmul.f32 v23, v23;
	v11 =	vld.idx.msk [tilespmem:v11+s19+$0x0], $0xffff  }
0xc6: {  	v18 =	vadd.f32 v19, v18;
	v19 =	vmul.f32 v30, v30;
	v17 =	vadd.f32 v26, v17;
	v9 =	vld.idx.msk [tilespmem:v9+s19+$0x0], $0xffff  }
0xc7: {  	v20 =	vadd.f32 v21, v20;
	v21 =	vadd.f32 v23, v22;
	v22 =	vmul.f32 v33, v33;
	v23 =	vld [tilespmem:s1+$0x0]  }
0xc8: {  	v18 =	vadd.f32 v24, v18;
	v17 =	vadd.f32 v28, v17;
	v24 =	vld [tilespmem:s1+$0x80]  }
0xc9: {  	v19 =	vadd.f32 v19, v20;
	v20 =	vadd.f32 v22, v21;
	v21 =	vld [tilespmem:s1+$0x100]  }
0xca: {  	v22 =	vld [tilespmem:s1+$0x180]  }
0xcb: {  	v17 =	vadd.f32 v17, v18;
	v18 =	vadd.f32 v20, v19;
	v19 =	vld [tilespmem:s1+$0x200]  }
0xcc: {  	v9 =	vsub.f32 v23, v9;
	v20 =	vld [tilespmem:s1+$0x280]  }
0xcd: {  	v17 =	vadd.f32 v18, v17;
	v16 =	vsub.f32 v24, v16;
	v18 =	vld [tilespmem:s1+$0x300]  }
0xce: {  	v9 =	vmul.f32 v9, v9;
	v15 =	vsub.f32 v21, v15;
	v21 =	vld [tilespmem:s1+$0x380]  }
0xcf: {  	v17 =	vmul.f32 $5.000000000e-01, v17;
	v16 =	vmul.f32 v16, v16;
	v13 =	vsub.f32 v22, v13;
	v8 =	vld.idx.msk [tilespmem:v8+s19+$0x0], $0xffff  }
0xd0: {  	v15 =	vmul.f32 v15, v15;
	v14 =	vsub.f32 v19, v14;
	v22 =	vld.idx.msk [tilespmem:v6+s19+$0x0], $0xffff  }
0xd1: {  	v6 =	vsub.f32 $-1.470301630e+01, v17;
	v13 =	vmul.f32 v13, v13;
	v12 =	vsub.f32 v20, v12;
	v23 =	vld.idx.msk [tilespmem:v7+s19+$0x0], $0xffff  }
0xd2: {  	s10 =	sadd.s32 $0x20, s10;
	v7 =	vmul.f32 v14, v14;
	v10 =	vsub.f32 v18, v10;
	v14 =	vld.idx.msk [tilespmem:v5+s19+$0x0], $0xffff  }
0xd3: {  	[tilespmem:s10+$0xFFFFFFF0] =	vst v6;
	v5 =	vmul.f32 v12, v12;
	v11 =	vsub.f32 v21, v11;
	v12 =	vld [tilespmem:s23+$0x0]  }
0xd4: {  	v6 =	vadd.f32 v7, v9;
	v9 =	vmul.f32 v10, v10;
	v10 =	vld [tilespmem:s26+$0x0]  }
0xd5: {  	v7 =	vadd.f32 v5, v16;
	v11 =	vmul.f32 v11, v11;
	v16 =	vld [tilespmem:s29+$0x0]  }
0xd6: {  	v5 =	vadd.f32 v9, v15;
	v9 =	vld [tilespmem:s2+$0x0]  }
.Ltmp2:
0xd7: {  	v17 =	vadd.f32 v11, v13;
	v18 =	vld.idx.msk [tilespmem:v2+s19+$0x0], $0xffff;
	(pc) =	sbr.rel @p2 .LBB2_6-.Ltmp2, $4  }
0xd8: {  	v2 =	vsub.f32 v12, v8;
	v19 =	vld.idx.msk [tilespmem:v4+s19+$0x0], $0xffff  }
0xd9: {  	v4 =	vsub.f32 v10, v22;
	v20 =	vld.idx.msk [tilespmem:v3+s19+$0x0], $0xffff  }
0xda: {  	v2 =	vmul.f32 v2, v2;
	v3 =	vsub.f32 v16, v23;
	v21 =	vld.idx.msk [tilespmem:v1+s19+$0x0], $0xffff  }
0xdb: {  	s9 =	sadd.s32 $0x20, s9;
	s11 =	sadd.s32 $0x100, s11;
	v4 =	vmul.f32 v4, v4;
	v1 =	vsub.f32 v9, v14;
	v22 =	vld [tilespmem:s22+$0x0]  }
0xdc: {  	v8 =	vld [tilespmem:s14+$0x0]  }
0xdd: {  	v9 =	vld [tilespmem:s20+$0x0]  }
0xde: {  	v10 =	vld [tilespmem:s13+$0x0];
	_ =	sdelay $0x2  }
0xdf: {  	v2 =	vadd.f32 v2, v6;
	v4 =	vadd.f32 v4, v7  }
0xe0: {  	v3 =	vmul.f32 v3, v3;
	v56 =	vsub.f32 v22, v18;
	v57 =	vsub.f32 v8, v19  }
0xe1: {  	v1 =	vmul.f32 v1, v1;
	v58 =	vsub.f32 v9, v20;
	v59 =	vsub.f32 v10, v21  }
0xe2: {  	v3 =	vadd.f32 v3, v5;
	v60 =	vmul.f32 v56, v56;
	v61 =	vmul.f32 v57, v57  }
0xe3: {  	v1 =	vadd.f32 v1, v17;
	v62 =	vmul.f32 v58, v58;
	v63 =	vmul.f32 v59, v59  }
0xe4: {  	v2 =	vadd.f32 v60, v2;
	v4 =	vadd.f32 v61, v4  }
0xe5: {  	v3 =	vadd.f32 v62, v3;
	v1 =	vadd.f32 v63, v1;
	_ =	sdelay $0x1  }
0xe6: {  	v2 =	vadd.f32 v4, v2;
	v1 =	vadd.f32 v1, v3;
	_ =	sdelay $0x1  }
0xe7: {  	v1 =	vadd.f32 v1, v2;
	_ =	sdelay $0x1  }
0xe8: {  	v1 =	vmul.f32 $5.000000000e-01, v1  }
.Ltmp3:
0xe9: {  	_ = 	snop;
	(pc) =	sbr.rel @!p1 .LBB2_8-.Ltmp3, $4  }
0xea: {  	s1 =	sadd.s32 s5, s3;
	v1 =	vsub.f32 $-1.470301630e+01, v1  }
0xeb: {  	s1 =	sshrl.u32 s1, $0x3  }
0xec: {  	s2 =	simm.s32 $0x14A00;
	s1 =	sadd.s32 s24, s1;
	[tilespmem:s10+$0x0] =	vst v1  }
0xed: {  	[hbm4b:s1+s28] =	stream.linear.scatter [tilespmem:s2], [sflag:$0x4], $0x500, $0x38;
	[tilespmem:$0x15400] =	vst v63  }
0xee: {  	s0 =	simm.s32 $0x1  }
0xef: {  	_ =	swait.ge [sflag:s0], $0x5000  }
.Ltmp4:
0xf0: {  	[sflag:s0] =	ssyncset.done $0x0;
	(pc) =	sbr.rel .LBB2_10-.Ltmp4, $4  }
0xf1: {  	[sflag:s0] =	ssyncadd.s32 $0xFFFFB000  }
0xf2: {  	_ =	swait.ge [sflag:s25], $0x5000  }
0xf3: {  	[sflag:s25] =	ssyncset.done $0x0  }
0xf4: {  	[sflag:s25] =	ssyncadd.s32 $0xFFFFB000  }
.LBB2_8:
0xf5: {  	s1 =	simm.s32 $0x3  }
0xf6: {  	_ =	swait.ge [sflag:s1], $0x500  }
0xf7: {  	[sflag:s1] =	ssyncset.done $0x0  }
0xf8: {  	[sflag:s1] =	ssyncadd.s32 $0xFFFFFB00  }
0xf9: {  	[tilespmem:s19], [sflag:$0x1] =	stream.indirect.gather [hbm4b:s7+s18], $0x10, s28, s18, $0xb8;
	[tilespmem:$0x15400] =	vst v63  }
0xfa: {  	s20 =	simm.s32 $0x1200  }
0xfb: {  	[tilespmem:s20], [sflag:$0x1] =	stream.indirect.gather [hbm4b:s7+s18], $0x10, s18, s18, $0xb8;
	[tilespmem:$0x15400] =	vst v63  }
0xfc: {  	s22 =	simm.s32 $0x100;
	s2 =	simm.s32 $0x1A00  }
0xfd: {  	[tilespmem:s2], [sflag:$0x1] =	stream.indirect.gather [hbm4b:s7+s18], $0x10, s22, s18, $0xb8;
	[tilespmem:$0x15400] =	vst v63  }
0xfe: {  	s23 =	simm.s32 $0x180;
	s24 =	simm.s32 $0x2200  }
0xff: {  	[tilespmem:s24], [sflag:$0x1] =	stream.indirect.gather [hbm4b:s7+s18], $0x10, s23, s18, $0xb8;
	[tilespmem:$0x15400] =	vst v63  }
0x100: {  	s26 =	simm.s32 $0x200;
	s29 =	simm.s32 $0x2A00  }
0x101: {  	[tilespmem:s29], [sflag:$0x1] =	stream.indirect.gather [hbm4b:s7+s18], $0x10, s26, s18, $0xb8;
	[tilespmem:$0x15400] =	vst v63  }
0x102: {  	s4 =	simm.s32 $0x280;
	s6 =	simm.s32 $0x3200  }
0x103: {  	[tilespmem:s6], [sflag:$0x1] =	stream.indirect.gather [hbm4b:s7+s18], $0x10, s4, s18, $0xb8;
	[tilespmem:$0x15400] =	vst v63  }
0x104: {  	s8 =	simm.s32 $0x300;
	s9 =	simm.s32 $0x3A00  }
0x105: {  	[tilespmem:s9], [sflag:$0x1] =	stream.indirect.gather [hbm4b:s7+s18], $0x10, s8, s18, $0xb8;
	[tilespmem:$0x15400] =	vst v63  }
0x106: {  	s10 =	simm.s32 $0x380;
	s11 =	simm.s32 $0x4200;
	s0 =	smul.u32 $0x500, s0  }
0x107: {  	[tilespmem:s11], [sflag:$0x1] =	stream.indirect.gather [hbm4b:s7+s18], $0x10, s10, s18, $0xb8;
	[tilespmem:$0x15400] =	vst v63  }
0x108: {  	s12 =	simm.s32 $0x400;
	s13 =	simm.s32 $0x4A00;
	s14 =	simm.s32 $0x480  }
0x109: {  	[tilespmem:s13], [sflag:$0x1] =	stream.indirect.gather [hbm4b:s7+s18], $0x10, s12, s18, $0xb8;
	[tilespmem:$0x15400] =	vst v63  }
0x10a: {  	s15 =	simm.s32 $0x5200;
	s0 =	sadd.s32 s5, s0;
	s16 =	rddreg [dreg:$0x0]  }
0x10b: {  	[tilespmem:s15], [sflag:$0x1] =	stream.indirect.gather [hbm4b:s7+s18], $0x10, s14, s18, $0xb8;
	[tilespmem:$0x15400] =	vst v63  }
0x10c: {  	s17 =	simm.s32 $0xAA00;
	s1 =	sadd.s32 s16, s0;
	s20 =	rddreg [dreg:$0xd]  }
0x10d: {  	[tilespmem:s17], [sflag:$0x2] =	stream.linear.gather [hbm4b:s1+s28], $0x2800, $0x38;
	[tilespmem:$0x15400] =	vst v63  }
0x10e: {  	s0 =	sadd.s32 s20, s0;
	s22 =	simm.s32 $0xD200;
	s23 =	simm.s32 $0x1  }
0x10f: {  	[tilespmem:s22], [sflag:$0x2] =	stream.linear.gather [hbm4b:s0+s28], $0x2800, $0x38;
	[tilespmem:$0x15400] =	vst v63  }
0x110: {  	_ =	swait.ge [sflag:s23], $0x5000  }
0x111: {  	[sflag:s23] =	ssyncset.done $0x0  }
0x112: {  	[sflag:s23] =	ssyncadd.s32 $0xFFFFB000  }
0x113: {  	_ =	swait.ge [sflag:s25], $0x5000  }
.Ltmp5:
0x114: {  	s24 =	rddreg [dreg:$0xb];
	[sflag:s25] =	ssyncset.done $0x0;
	(pc) =	sbr.rel @p0 .LBB2_11-.Ltmp5, $4  }
0x115: {  	s0 =	sadd.s32 s3, s24;
	[sflag:s25] =	ssyncadd.s32 $0xFFFFB000  }
0x116: {  	s0 =	sshrl.u32 s0, $0x3;
	s26 =	rddreg [dreg:$0x1]  }
0x117: {  	s29 =	simm.s32 $0x500;
	s0 =	sadd.s32 s26, s0  }
0x118: {  	[tilespmem:s29], [sflag:$0x3] =	stream.linear.gather [hbm4b:s0+s28], $0x500, $0x38;
	[tilespmem:$0x15400] =	vst v63  }
.LBB2_10:
0x119: {  	s0 =	simm.s32 $0x4  }
0x11a: {  	_ =	swait.ge [sflag:s0], $0x500  }
0x11b: {  	[sflag:s0] =	ssyncset.done $0x0  }
0x11c: {  	[sflag:s0] =	ssyncadd.s32 $0xFFFFFB00  }
.LBB2_11:
0x11d: {  	s0 =	simm.s32 $0x0  }
0x11e: {  	s4 =	simm.s32 $0x0;
	s17 =	sand.u32 $0x3C00, s0  }
0x11f: {  	s20 =	sand.u32 $0x60, s4;
	s8 =	sadd.s32 $0x12400, s17  }
0x120: {  	s3 =	sadd.s32 $0x12480, s17;
	s14 =	sor.u32 s20, s8  }
0x121: {  	s9 =	sadd.s32 $0x12500, s17;
	s15 =	sor.u32 s20, s3;
	v1 =	vld [tilespmem:s14+$0x0]  }
0x122: {  	s10 =	sadd.s32 $0x12580, s17;
	s16 =	sor.u32 s20, s9;
	v2 =	vld [tilespmem:s15+$0x0]  }
0x123: {  	s2 =	sadd.s32 $0x12200, s17;
	s22 =	sor.u32 s20, s10;
	v3 =	vld [tilespmem:s16+$0x0]  }
0x124: {  	s1 =	sadd.s32 $0x12280, s17;
	s6 =	sor.u32 s20, s2;
	v4 =	vld [tilespmem:s22+$0x0]  }
0x125: {  	s0 =	sadd.s32 $0x12300, s17;
	s23 =	sor.u32 s20, s1;
	v5 =	vld [tilespmem:s6+$0x0]  }
0x126: {  	s13 =	sadd.s32 $0xFB80, s17;
	s24 =	sor.u32 s20, s0;
	v6 =	vld [tilespmem:s23+$0x0]  }
0x127: {  	s12 =	sadd.s32 $0xFC00, s17;
	s29 =	sor.u32 s20, s13;
	v7 =	vld [tilespmem:s24+$0x0]  }
0x128: {  	s5 =	sor.u32 s20, s12;
	s16 =	sadd.s32 $0xFA00, s17;
	v12 =	vld [tilespmem:s29+$0x0]  }
0x129: {  	v9 =	vmov s4;
	s15 =	sadd.s32 $0xFA80, s17;
	v13 =	vld [tilespmem:s5+$0x0];
	s11 =	sor.u32 s20, s16  }
0x12a: {  	v9 =	vshll.u32 v9, $0x4;
	s14 =	sadd.s32 $0xFB00, s17;
	s26 =	sor.u32 s20, s15;
	v8 =	vld [tilespmem:s11+$0x0]  }
0x12b: {  	v9 =	vor.u32 v0, v9;
	s29 =	sadd.s32 $0xFD00, s17;
	s28 =	sor.u32 s20, s14;
	v10 =	vld [tilespmem:s26+$0x0]  }
0x12c: {  	s5 =	sadd.s32 $0xFD80, s17;
	s22 =	sor.u32 s20, s29;
	v11 =	vld [tilespmem:s28+$0x0]  }
0x12d: {  	s6 =	sadd.s32 $0xFC80, s17;
	s23 =	sor.u32 s20, s5;
	v17 =	vld [tilespmem:s22+$0x0]  }
0x12e: {  	s24 =	simm.s32 $0x10;
	s28 =	sor.u32 s20, s6;
	v19 =	vld [tilespmem:s23+$0x0]  }
0x12f: {  	s26 =	sand.u32 $0x70, s24;
	v15 =	vld [tilespmem:s28+$0x0]  }
0x130: {  	v14 =	vor.u32 $0xC, v9;
	s15 =	sor.u32 s26, s15;
	v21 =	vld.idx.msk [tilespmem:v9+s21+$0x0], $0xffff  }
0x131: {  	v16 =	vor.u32 $0xD, v9;
	s14 =	sor.u32 s26, s14;
	v56 =	vld [tilespmem:s15+$0x0]  }
0x132: {  	v18 =	vor.u32 $0xE, v9;
	s12 =	sor.u32 s26, s12;
	v57 =	vld [tilespmem:s14+$0x0]  }
0x133: {  	v20 =	vor.u32 $0xF, v9;
	s4 =	sor.u32 s26, s5;
	v58 =	vld [tilespmem:s12+$0x0]  }
0x134: {  	v22 =	vor.u32 $0x8, v9;
	v60 =	vld [tilespmem:s4+$0x0]  }
0x135: {  	v23 =	vor.u32 $0x9, v9;
	v14 =	vld.idx.msk [tilespmem:v14+s21+$0x0], $0xffff  }
0x136: {  	v24 =	vor.u32 $0x1, v9;
	v16 =	vld.idx.msk [tilespmem:v16+s21+$0x0], $0xffff  }
0x137: {  	v25 =	vor.u32 $0x2, v9;
	v18 =	vld.idx.msk [tilespmem:v18+s21+$0x0], $0xffff  }
0x138: {  	v26 =	vor.u32 $0x3, v9;
	v20 =	vld.idx.msk [tilespmem:v20+s21+$0x0], $0xffff  }
0x139: {  	v27 =	vor.u32 $0x4, v9;
	v22 =	vld.idx.msk [tilespmem:v22+s21+$0x0], $0xffff  }
0x13a: {  	v28 =	vor.u32 $0x5, v9;
	v23 =	vld.idx.msk [tilespmem:v23+s21+$0x0], $0xffff  }
0x13b: {  	v29 =	vor.u32 $0x6, v9;
	v31 =	vmov s24;
	v24 =	vld.idx.msk [tilespmem:v24+s21+$0x0], $0xffff  }
0x13c: {  	v30 =	vor.u32 $0x7, v9;
	v31 =	vshll.u32 v31, $0x4;
	v25 =	vld.idx.msk [tilespmem:v25+s21+$0x0], $0xffff  }
0x13d: {  	v32 =	vor.u32 $0xA, v9;
	v31 =	vor.u32 v0, v31;
	v26 =	vld.idx.msk [tilespmem:v26+s21+$0x0], $0xffff  }
0x13e: {  	v9 =	vor.u32 $0xB, v9;
	v33 =	vor.u32 $0x1, v31;
	v27 =	vld.idx.msk [tilespmem:v27+s21+$0x0], $0xffff  }
0x13f: {  	v34 =	vor.u32 $0x2, v31;
	v35 =	vor.u32 $0x3, v31;
	v36 =	vor.u32 $0x4, v31;
	v28 =	vld.idx.msk [tilespmem:v28+s21+$0x0], $0xffff  }
0x140: {  	v37 =	vor.u32 $0x5, v31;
	v29 =	vld.idx.msk [tilespmem:v29+s21+$0x0], $0xffff;
	v8 =	vsub.f32 v8, v21;
	v1 =	vsub.f32 v1, v14  }
0x141: {  	v55 =	vor.u32 $0x6, v31;
	v30 =	vld.idx.msk [tilespmem:v30+s21+$0x0], $0xffff;
	v2 =	vsub.f32 v2, v16;
	v3 =	vsub.f32 v3, v18  }
0x142: {  	s17 =	sadd.s32 $0x12380, s17;
	v32 =	vld.idx.msk [tilespmem:v32+s21+$0x0], $0xffff;
	v21 =	vor.u32 $0x8, v31;
	v5 =	vsub.f32 v5, v22;
	v4 =	vsub.f32 v4, v20  }
0x143: {  	s20 =	sor.u32 s20, s17;
	v9 =	vld.idx.msk [tilespmem:v9+s21+$0x0], $0xffff;
	v18 =	vor.u32 $0x7, v31;
	v10 =	vsub.f32 v10, v24;
	v6 =	vsub.f32 v6, v23  }
0x144: {  	v16 =	vld [tilespmem:s20+$0x0];
	v23 =	vor.u32 $0x9, v31;
	v11 =	vsub.f32 v11, v25;
	v12 =	vsub.f32 v12, v26  }
0x145: {  	v20 =	vld.idx.msk [tilespmem:v33+s21+$0x0], $0xffff;
	v13 =	vsub.f32 v13, v27;
	v8 =	vmul.f32 v8, v8;
	v1 =	vmul.f32 v1, v1  }
0x146: {  	v22 =	vld.idx.msk [tilespmem:v34+s21+$0x0], $0xffff;
	v15 =	vsub.f32 v15, v28;
	v5 =	vmul.f32 v5, v5;
	v2 =	vmul.f32 v2, v2  }
0x147: {  	v24 =	vld.idx.msk [tilespmem:v35+s21+$0x0], $0xffff;
	v17 =	vsub.f32 v17, v29;
	v10 =	vmul.f32 v10, v10;
	v6 =	vmul.f32 v6, v6  }
0x148: {  	v25 =	vld.idx.msk [tilespmem:v36+s21+$0x0], $0xffff;
	v19 =	vsub.f32 v19, v30;
	v11 =	vmul.f32 v11, v11;
	v13 =	vmul.f32 v13, v13  }
0x149: {  	v26 =	vld.idx.msk [tilespmem:v37+s21+$0x0], $0xffff;
	v7 =	vsub.f32 v7, v32;
	v12 =	vmul.f32 v12, v12;
	v15 =	vmul.f32 v15, v15  }
0x14a: {  	v14 =	vld.idx.msk [tilespmem:v55+s21+$0x0], $0xffff;
	v17 =	vmul.f32 v17, v17;
	v19 =	vmul.f32 v19, v19;
	v8 =	vadd.f32 v13, v8  }
0x14b: {  	v27 =	vld.idx.msk [tilespmem:v31+s21+$0x0], $0xffff;
	v7 =	vmul.f32 v7, v7;
	v10 =	vadd.f32 v15, v10;
	v9 =	vsub.f32 v16, v9  }
0x14c: {  	s16 =	sor.u32 s26, s16;
	v3 =	vmul.f32 v3, v3;
	v11 =	vadd.f32 v17, v11;
	v12 =	vadd.f32 v19, v12;
	v18 =	vld.idx.msk [tilespmem:v18+s21+$0x0], $0xffff  }
0x14d: {  	v16 =	vld [tilespmem:s16+$0x0];
	v15 =	vsub.f32 v57, v22;
	v6 =	vadd.f32 v6, v10;
	v9 =	vmul.f32 v9, v9  }
0x14e: {  	s1 =	sor.u32 s26, s1;
	v4 =	vmul.f32 v4, v4;
	v61 =	vld.idx.msk [tilespmem:v23+s21+$0x0], $0xffff;
	v5 =	vadd.f32 v5, v8;
	v7 =	vadd.f32 v7, v11  }
0x14f: {  	s13 =	sor.u32 s26, s13;
	v22 =	vld [tilespmem:s1+$0x0];
	v2 =	vadd.f32 v2, v6;
	v6 =	vor.u32 $0xB, v31;
	v9 =	vadd.f32 v9, v12  }
0x150: {  	s11 =	sor.u32 s26, s6;
	v8 =	vld [tilespmem:s13+$0x0];
	v1 =	vadd.f32 v1, v5  }
0x151: {  	s6 =	sor.u32 s26, s29;
	v59 =	vor.u32 $0xA, v31;
	v5 =	vld [tilespmem:s11+$0x0];
	v3 =	vadd.f32 v3, v7;
	v4 =	vadd.f32 v4, v9  }
0x152: {  	v13 =	vsub.f32 v56, v20;
	v7 =	vld [tilespmem:s6+$0x0];
	v1 =	vadd.f32 v2, v1  }
0x153: {  	v16 =	vsub.f32 v16, v27;
	v2 =	vadd.f32 v4, v3;
	v3 =	vld.idx.msk [tilespmem:v21+s21+$0x0], $0xffff  }
0x154: {  	s2 =	sor.u32 s26, s2;
	v17 =	vor.u32 $0xD, v31;
	v10 =	vsub.f32 v58, v25;
	v13 =	vmul.f32 v13, v13;
	v20 =	vld.idx.msk [tilespmem:v6+s21+$0x0], $0xffff  }
0x155: {  	v15 =	vmul.f32 v15, v15;
	v4 =	vor.u32 $0xC, v31;
	v6 =	vmul.f32 v16, v16;
	v16 =	vld [tilespmem:s2+$0x0]  }
0x156: {  	s0 =	sor.u32 s26, s0;
	v11 =	vld.idx.msk [tilespmem:v59+s21+$0x0], $0xffff;
	v8 =	vsub.f32 v8, v24;
	v9 =	vsub.f32 v60, v18;
	v21 =	vor.u32 $0xF, v31  }
0x157: {  	s28 =	sor.u32 s26, s17;
	v5 =	vsub.f32 v5, v26;
	v26 =	vld [tilespmem:s0+$0x0];
	v1 =	vadd.f32 v2, v1;
	v2 =	vor.u32 $0xE, v31  }
0x158: {  	v62 =	vld [tilespmem:s28+$0x0];
	v10 =	vmul.f32 v10, v10;
	v63 =	vsub.f32 v22, v61;
	v8 =	vmul.f32 v8, v8  }
0x159: {  	v23 =	vld.idx.msk [tilespmem:v17+s21+$0x0], $0xffff;
	v7 =	vsub.f32 v7, v14;
	v9 =	vmul.f32 v9, v9;
	v1 =	vmul.f32 $5.000000000e-01, v1  }
0x15a: {  	v5 =	vmul.f32 v5, v5;
	v6 =	vadd.f32 v10, v6;
	v19 =	vld.idx.msk [tilespmem:v4+s21+$0x0], $0xffff;
	v3 =	vsub.f32 v16, v3  }
0x15b: {  	s29 =	sor.u32 s26, s8;
	s8 =	sor.u32 s26, s9;
	v22 =	vadd.f32 v9, v8;
	v4 =	vmul.f32 v7, v7;
	v25 =	vld.idx.msk [tilespmem:v21+s21+$0x0], $0xffff;
	v1 =	vsub.f32 $-1.470301630e+01, v1  }
0x15c: {  	s9 =	sor.u32 s26, s10;
	s10 =	simm.s32 $0x30;
	s0 =	simm.s32 $0x14F10;
	v7 =	vadd.f32 v5, v13;
	v24 =	vld.idx.msk [tilespmem:v2+s21+$0x0], $0xffff;
	v2 =	vmul.f32 v3, v3;
	v3 =	vsub.f32 v26, v11  }
0x15d: {  	s14 =	sor.u32 s26, s3;
	s3 =	simm.s32 $0x0;
	s11 =	simm.s32 $0x100;
	v5 =	vadd.f32 v4, v15;
	v4 =	vmul.f32 v63, v63;
	v26 =	vld [tilespmem:s29+$0x0];
	[tilespmem:s0+$0xFFFFFFF0] =	vst v1;
	v1 =	vsub.f32 v62, v20  }
.LBB2_12:
0x15e: {  	s4 =	sadd.s32 $0xFFFFFFF0, s10;
	s29 =	sand.u32 $0x3C00, s11;
	v8 =	vmov s10;
	s26 =	sand.u32 $0x70, s10;
	v27 =	vadd.f32 v2, v6;
	v2 =	vmul.f32 v3, v3;
	v28 =	vld [tilespmem:s14+$0x0]  }
0x15f: {  	s1 =	sand.u32 $0x60, s4;
	s2 =	sadd.s32 $0x12400, s29;
	v3 =	vshll.u32 v8, $0x4;
	v29 =	vadd.f32 v4, v7;
	v30 =	vmul.f32 v1, v1;
	v31 =	vld [tilespmem:s8+$0x0]  }
0x160: {  	s8 =	sadd.s32 $0x12480, s29;
	s6 =	sor.u32 s1, s2;
	v9 =	vor.u32 v0, v3;
	s20 =	sor.u32 s26, s2;
	v32 =	vadd.f32 v2, v5;
	v33 =	vld [tilespmem:s9+$0x0]  }
0x161: {  	s2 =	sor.u32 s1, s8;
	s14 =	sor.u32 s26, s8;
	v17 =	vld [tilespmem:s6+$0x0];
	s6 =	sadd.s32 $0x12500, s29;
	v16 =	vor.u32 $0x1, v9;
	v15 =	vor.u32 $0x2, v9;
	v13 =	vor.u32 $0x3, v9  }
0x162: {  	s9 =	sadd.s32 $0x12580, s29;
	v14 =	vor.u32 $0x4, v9;
	v12 =	vor.u32 $0x5, v9;
	v10 =	vor.u32 $0x6, v9;
	v18 =	vld [tilespmem:s2+$0x0];
	s2 =	sor.u32 s1, s6;
	s8 =	sor.u32 s26, s6  }
0x163: {  	v11 =	vor.u32 $0x7, v9;
	v8 =	vor.u32 $0x8, v9;
	v6 =	vor.u32 $0x9, v9;
	s6 =	sadd.s32 $0x12200, s29;
	v20 =	vld [tilespmem:s2+$0x0];
	s2 =	sor.u32 s1, s9;
	s9 =	sor.u32 s26, s9  }
0x164: {  	s15 =	sadd.s32 $0x12280, s29;
	v7 =	vor.u32 $0xA, v9;
	v5 =	vor.u32 $0xB, v9;
	v2 =	vor.u32 $0xC, v9;
	s12 =	sor.u32 s1, s6;
	s13 =	sor.u32 s26, s6;
	v21 =	vld [tilespmem:s2+$0x0]  }
0x165: {  	s22 =	sor.u32 s26, s15;
	v4 =	vor.u32 $0xD, v9;
	v3 =	vor.u32 $0xE, v9;
	v1 =	vor.u32 $0xF, v9;
	s6 =	sadd.s32 $0x12300, s29;
	s2 =	sor.u32 s1, s15;
	v34 =	vld [tilespmem:s12+$0x0]  }
0x166: {  	v26 =	vsub.f32 v26, v19;
	v23 =	vsub.f32 v28, v23;
	s23 =	sor.u32 s26, s6;
	s12 =	sadd.s32 $0xFA00, s29;
	v35 =	vld [tilespmem:s2+$0x0];
	s2 =	sor.u32 s1, s6  }
0x167: {  	s15 =	sadd.s32 $0xFA80, s29;
	v24 =	vsub.f32 v31, v24;
	v25 =	vsub.f32 v33, v25;
	s6 =	sor.u32 s1, s12;
	v19 =	vld [tilespmem:s2+$0x0];
	s2 =	sor.u32 s26, s12  }
0x168: {  	v22 =	vadd.f32 v30, v22;
	v26 =	vmul.f32 v26, v26;
	s16 =	sor.u32 s26, s15;
	v23 =	vmul.f32 v23, v23;
	s12 =	sadd.s32 $0xFB00, s29;
	v28 =	vld [tilespmem:s6+$0x0];
	s6 =	sor.u32 s1, s15  }
0x169: {  	v30 =	vmov s4;
	v24 =	vmul.f32 v24, v24;
	v25 =	vmul.f32 v25, v25;
	s15 =	sadd.s32 $0xFB80, s29;
	s4 =	sor.u32 s26, s12;
	v31 =	vld [tilespmem:s6+$0x0];
	s6 =	sor.u32 s1, s12  }
0x16a: {  	s17 =	sadd.s32 $0xFC00, s29;
	v30 =	vshll.u32 v30, $0x4;
	v26 =	vadd.f32 v26, v27;
	v23 =	vadd.f32 v23, v29;
	s12 =	sor.u32 s26, s15;
	v33 =	vld [tilespmem:s6+$0x0];
	s6 =	sor.u32 s1, s15  }
0x16b: {  	s28 =	sadd.s32 $0xFC80, s29;
	v27 =	vor.u32 v0, v30;
	v24 =	vadd.f32 v24, v32;
	v22 =	vadd.f32 v25, v22;
	s15 =	sor.u32 s26, s17;
	v29 =	vld [tilespmem:s6+$0x0];
	s6 =	sor.u32 s1, s17  }
0x16c: {  	v30 =	vor.u32 $0xC, v27;
	v23 =	vadd.f32 v23, v26;
	s17 =	sadd.s32 $0xFD00, s29;
	v25 =	vld [tilespmem:s6+$0x0];
	s6 =	sor.u32 s1, s28;
	s28 =	sor.u32 s26, s28  }
0x16d: {  	s5 =	sadd.s32 $0xFD80, s29;
	v32 =	vor.u32 $0xD, v27;
	v22 =	vadd.f32 v22, v24;
	v26 =	vld [tilespmem:s6+$0x0];
	s6 =	sor.u32 s1, s17;
	s17 =	sor.u32 s26, s17  }
0x16e: {  	s24 =	sor.u32 s1, s5;
	v36 =	vor.u32 $0xE, v27;
	v24 =	vld [tilespmem:s6+$0x0];
	s6 =	sor.u32 s26, s5  }
0x16f: {  	v38 =	vor.u32 $0xF, v27;
	v22 =	vadd.f32 v22, v23;
	v37 =	vld [tilespmem:s24+$0x0]  }
0x170: {  	v39 =	vor.u32 $0x8, v27;
	v23 =	vld.idx.msk [tilespmem:v27+s21+$0x0], $0xffff  }
0x171: {  	v40 =	vor.u32 $0x9, v27;
	v22 =	vmul.f32 $5.000000000e-01, v22;
	v30 =	vld.idx.msk [tilespmem:v30+s21+$0x0], $0xffff  }
0x172: {  	v41 =	vor.u32 $0x1, v27;
	v32 =	vld.idx.msk [tilespmem:v32+s21+$0x0], $0xffff  }
0x173: {  	v42 =	vor.u32 $0x2, v27;
	v22 =	vsub.f32 $-1.470301630e+01, v22;
	v36 =	vld.idx.msk [tilespmem:v36+s21+$0x0], $0xffff  }
0x174: {  	s3 =	sadd.s32 $0x2, s3;
	v43 =	vor.u32 $0x3, v27;
	v38 =	vld.idx.msk [tilespmem:v38+s21+$0x0], $0xffff  }
0x175: {  	p0 =	slt.u32 s3, $0x4E;
	v44 =	vor.u32 $0x4, v27;
	v39 =	vld.idx.msk [tilespmem:v39+s21+$0x0], $0xffff;
	[tilespmem:s0+$0x0] =	vst v22  }
0x176: {  	v22 =	vor.u32 $0x5, v27;
	v40 =	vld.idx.msk [tilespmem:v40+s21+$0x0], $0xffff  }
0x177: {  	v45 =	vor.u32 $0x6, v27;
	v41 =	vld.idx.msk [tilespmem:v41+s21+$0x0], $0xffff  }
0x178: {  	v46 =	vor.u32 $0x7, v27;
	v42 =	vld.idx.msk [tilespmem:v42+s21+$0x0], $0xffff  }
0x179: {  	v47 =	vor.u32 $0xA, v27;
	v43 =	vld.idx.msk [tilespmem:v43+s21+$0x0], $0xffff  }
0x17a: {  	v27 =	vor.u32 $0xB, v27;
	v44 =	vld.idx.msk [tilespmem:v44+s21+$0x0], $0xffff  }
0x17b: {  	v23 =	vsub.f32 v28, v23;
	v17 =	vsub.f32 v17, v30;
	v22 =	vld.idx.msk [tilespmem:v22+s21+$0x0], $0xffff  }
0x17c: {  	v18 =	vsub.f32 v18, v32;
	v20 =	vsub.f32 v20, v36;
	v28 =	vld.idx.msk [tilespmem:v45+s21+$0x0], $0xffff  }
0x17d: {  	v21 =	vsub.f32 v21, v38;
	v32 =	vsub.f32 v34, v39;
	v30 =	vld.idx.msk [tilespmem:v46+s21+$0x0], $0xffff  }
0x17e: {  	s5 =	sadd.s32 $0x12380, s29;
	v34 =	vsub.f32 v35, v40;
	v31 =	vsub.f32 v31, v41;
	v35 =	vld.idx.msk [tilespmem:v47+s21+$0x0], $0xffff  }
0x17f: {  	s24 =	sor.u32 s1, s5;
	s1 =	sor.u32 s26, s5;
	v33 =	vsub.f32 v33, v42;
	v29 =	vsub.f32 v29, v43;
	v27 =	vld.idx.msk [tilespmem:v27+s21+$0x0], $0xffff  }
0x180: {  	v23 =	vmul.f32 v23, v23;
	v17 =	vmul.f32 v17, v17;
	v25 =	vsub.f32 v25, v44;
	v36 =	vld [tilespmem:s24+$0x0]  }
0x181: {  	v18 =	vmul.f32 v18, v18;
	v22 =	vsub.f32 v26, v22;
	v26 =	vmul.f32 v32, v32;
	v16 =	vld.idx.msk [tilespmem:v16+s21+$0x0], $0xffff  }
0x182: {  	v31 =	vmul.f32 v31, v31;
	v24 =	vsub.f32 v24, v28;
	v28 =	vmul.f32 v34, v34;
	v15 =	vld.idx.msk [tilespmem:v15+s21+$0x0], $0xffff  }
0x183: {  	v32 =	vmul.f32 v33, v33;
	v29 =	vmul.f32 v29, v29;
	v30 =	vsub.f32 v37, v30;
	v13 =	vld.idx.msk [tilespmem:v13+s21+$0x0], $0xffff  }
0x184: {  	v25 =	vmul.f32 v25, v25;
	v22 =	vmul.f32 v22, v22;
	v19 =	vsub.f32 v19, v35;
	v14 =	vld.idx.msk [tilespmem:v14+s21+$0x0], $0xffff  }
0x185: {  	v24 =	vmul.f32 v24, v24;
	v30 =	vmul.f32 v30, v30;
	v27 =	vsub.f32 v36, v27;
	v12 =	vld.idx.msk [tilespmem:v12+s21+$0x0], $0xffff  }
0x186: {  	v23 =	vadd.f32 v25, v23;
	v22 =	vadd.f32 v22, v31;
	v19 =	vmul.f32 v19, v19;
	v10 =	vld.idx.msk [tilespmem:v10+s21+$0x0], $0xffff  }
0x187: {  	v24 =	vadd.f32 v24, v32;
	v25 =	vadd.f32 v30, v29;
	v27 =	vmul.f32 v27, v27;
	v11 =	vld.idx.msk [tilespmem:v11+s21+$0x0], $0xffff  }
0x188: {  	v20 =	vmul.f32 v20, v20;
	v23 =	vadd.f32 v26, v23;
	v22 =	vadd.f32 v28, v22;
	v9 =	vld.idx.msk [tilespmem:v9+s21+$0x0], $0xffff  }
0x189: {  	v21 =	vmul.f32 v21, v21;
	v19 =	vadd.f32 v19, v24;
	v24 =	vadd.f32 v27, v25;
	v25 =	vld [tilespmem:s2+$0x0]  }
0x18a: {  	v17 =	vadd.f32 v17, v23;
	v18 =	vadd.f32 v18, v22;
	v22 =	vld [tilespmem:s16+$0x0]  }
0x18b: {  	v19 =	vadd.f32 v20, v19;
	v20 =	vadd.f32 v21, v24;
	v21 =	vld [tilespmem:s4+$0x0]  }
0x18c: {  	v23 =	vld [tilespmem:s12+$0x0]  }
0x18d: {  	v17 =	vadd.f32 v18, v17;
	v18 =	vadd.f32 v20, v19;
	v19 =	vld [tilespmem:s15+$0x0]  }
0x18e: {  	v9 =	vsub.f32 v25, v9;
	v20 =	vld [tilespmem:s28+$0x0]  }
0x18f: {  	v17 =	vadd.f32 v18, v17;
	v16 =	vsub.f32 v22, v16;
	v18 =	vld [tilespmem:s17+$0x0]  }
0x190: {  	v9 =	vmul.f32 v9, v9;
	v15 =	vsub.f32 v21, v15;
	v21 =	vld [tilespmem:s6+$0x0]  }
0x191: {  	v17 =	vmul.f32 $5.000000000e-01, v17;
	v16 =	vmul.f32 v16, v16;
	v13 =	vsub.f32 v23, v13;
	v8 =	vld.idx.msk [tilespmem:v8+s21+$0x0], $0xffff  }
0x192: {  	v15 =	vmul.f32 v15, v15;
	v14 =	vsub.f32 v19, v14;
	v24 =	vld.idx.msk [tilespmem:v6+s21+$0x0], $0xffff  }
0x193: {  	v6 =	vsub.f32 $-1.470301630e+01, v17;
	v13 =	vmul.f32 v13, v13;
	v12 =	vsub.f32 v20, v12;
	v17 =	vld.idx.msk [tilespmem:v7+s21+$0x0], $0xffff  }
0x194: {  	s0 =	sadd.s32 $0x20, s0;
	v7 =	vmul.f32 v14, v14;
	v10 =	vsub.f32 v18, v10;
	v14 =	vld.idx.msk [tilespmem:v5+s21+$0x0], $0xffff  }
0x195: {  	[tilespmem:s0+$0xFFFFFFF0] =	vst v6;
	v5 =	vmul.f32 v12, v12;
	v11 =	vsub.f32 v21, v11;
	v12 =	vld [tilespmem:s13+$0x0]  }
0x196: {  	v6 =	vadd.f32 v7, v9;
	v9 =	vmul.f32 v10, v10;
	v10 =	vld [tilespmem:s22+$0x0]  }
0x197: {  	v7 =	vadd.f32 v5, v16;
	v11 =	vmul.f32 v11, v11;
	v16 =	vld [tilespmem:s23+$0x0]  }
0x198: {  	v5 =	vadd.f32 v9, v15;
	v9 =	vld [tilespmem:s1+$0x0]  }
.Ltmp6:
0x199: {  	v22 =	vadd.f32 v11, v13;
	v19 =	vld.idx.msk [tilespmem:v2+s21+$0x0], $0xffff;
	(pc) =	sbr.rel @p0 .LBB2_12-.Ltmp6, $4  }
0x19a: {  	v2 =	vsub.f32 v12, v8;
	v23 =	vld.idx.msk [tilespmem:v4+s21+$0x0], $0xffff  }
0x19b: {  	v4 =	vsub.f32 v10, v24;
	v24 =	vld.idx.msk [tilespmem:v3+s21+$0x0], $0xffff  }
0x19c: {  	v2 =	vmul.f32 v2, v2;
	v3 =	vsub.f32 v16, v17;
	v25 =	vld.idx.msk [tilespmem:v1+s21+$0x0], $0xffff  }
0x19d: {  	s10 =	sadd.s32 $0x20, s10;
	s11 =	sadd.s32 $0x100, s11;
	v4 =	vmul.f32 v4, v4;
	v1 =	vsub.f32 v9, v14;
	v26 =	vld [tilespmem:s20+$0x0]  }
0x19e: {  	v8 =	vld [tilespmem:s14+$0x0]  }
0x19f: {  	v9 =	vld [tilespmem:s8+$0x0]  }
0x1a0: {  	v10 =	vld [tilespmem:s9+$0x0];
	_ =	sdelay $0x2  }
0x1a1: {  	v2 =	vadd.f32 v2, v6;
	v4 =	vadd.f32 v4, v7  }
0x1a2: {  	v3 =	vmul.f32 v3, v3;
	v56 =	vsub.f32 v26, v19;
	v57 =	vsub.f32 v8, v23  }
0x1a3: {  	v1 =	vmul.f32 v1, v1;
	v58 =	vsub.f32 v9, v24;
	v59 =	vsub.f32 v10, v25  }
0x1a4: {  	v3 =	vadd.f32 v3, v5;
	v60 =	vmul.f32 v56, v56;
	v61 =	vmul.f32 v57, v57  }
0x1a5: {  	v1 =	vadd.f32 v1, v22;
	v62 =	vmul.f32 v58, v58;
	v63 =	vmul.f32 v59, v59  }
0x1a6: {  	v2 =	vadd.f32 v60, v2;
	v4 =	vadd.f32 v61, v4  }
0x1a7: {  	v3 =	vadd.f32 v62, v3;
	v1 =	vadd.f32 v63, v1;
	_ =	sdelay $0x1  }
0x1a8: {  	v2 =	vadd.f32 v4, v2;
	v1 =	vadd.f32 v1, v3;
	_ =	sdelay $0x1  }
0x1a9: {  	v1 =	vadd.f32 v1, v2;
	_ =	sdelay $0x1  }
0x1aa: {  	s30 =	sadd.s32 $0x1, s30;
	v1 =	vmul.f32 $5.000000000e-01, v1  }
0x1ab: {  	p0 =	sne.s32 s30, $0x28  }
.Ltmp7:
0x1ac: {  	v1 =	vsub.f32 $-1.470301630e+01, v1;
	(pc) =	sbr.rel @p0 .LBB2_2-.Ltmp7, $4  }
0x1ad: {  	s1 =	sshrl.u32 s31, $0x3;
	s24 =	rddreg [dreg:$0x3]  }
0x1ae: {  	s28 =	simm.s32 $0x0;
	s31 =	simm.s32 $0x14F00;
	s29 =	sadd.s32 s24, s1;
	[tilespmem:s0+$0x0] =	vst v1  }
0x1af: {  	[hbm4b:s29+s28] =	stream.linear.scatter [tilespmem:s31], [sflag:$0x4], $0x500, $0x38;
	[tilespmem:$0x15400] =	vst v63  }
0x1b0: {  	s5 =	rddreg [dreg:$0x5]  }
0x1b1: {  	s1 =	simm.s32 $0x4  }
0x1b2: {  	_ =	swait.ge [sflag:s1], $0x500  }
0x1b3: {  	[sflag:s1] =	ssyncset.done $0x0  }
0x1b4: {  	[sflag:s1] =	ssyncadd.s32 $0xFFFFFB00  }
0x1b5: {  	_ =	swait.ge [sflag:s1], $0x500  }
0x1b6: {  	s2 =	rddreg [dreg:$0xe]  }
0x1b7: {  	s0 =	rddreg [dreg:$0xc];
	s2 =	sadd.s32 $0x1, s2  }
0x1b8: {  	p0 =	sne.s32 s2, s0  }
.Ltmp8:
0x1b9: {  	_ = 	snop;
	(pc) =	sbr.rel @p0 .LBB2_1-.Ltmp8, $3  }
0x1ba: {  	_ =	sdelay $0x1  }
0x1bb: {  	[sflag:s1] =	ssyncset.done $0x0  }
0x1bc: {  	[sflag:s1] =	ssyncadd.s32 $0xFFFFFB00  }
0x1bd: {  	_ =	sfence.sel $0x180000  }
0x1be: {  	[bflag:$0x0] =	sbarrier.arrive $0xFFFF  }
0x1bf: {  	_ =	strace $0x90000047  }
0x1c0: {  	s0 =	stileid.u32;
	[bflag:$0x2] =	sbarrier.arrive $0xFFFF  }
0x1c1: {  	p0 =	sne.s32 s0, $0x0;
	s0 =	rddreg [dreg:$0x4]  }
0x1c2: {  	s0 =	sadd.s32 @!p0 $0x100000, s0  }
0x1c3: {  	[sflag:s0] =	ssyncadd.tile.s32 @!p0 $0x1;
	_ =	shalt  }
.Lfunc_end2:
_tile_overlayer_lowered:
.L_overlay_start_2:
0x1c4: {  	(tag) =	ssettag $0x2  }
0x1c5: {  	s0 =	rddreg [dreg:$0x0];
	s2 =	stileid.u32  }
0x1c6: {  	s1 =	rddreg [dreg:$0x1];
	p0 =	sne.s32 s2, $0x0  }
0x1c7: {  	s3 =	rddreg [dreg:$0x2];
	[bflag:$0x3] =	sbarrier.arrive $0xFFFF;
	s2 =	simm.s32 @!p0 $0x1C05  }
0x1c8: {  	[timem:s3], [sflag:s2] =	dma.local @!p0 [hbm:s0], s1  }
0x1c9: {  	s0 =	simm.s32 @!p0 $0x5  }
0x1ca: {  	_ =	swait.ge @!p0 [sflag:s0], s1  }
0x1cb: {  	s1 =	ssub.s32 @!p0 $0x0, s1;
	[sflag:s0] =	ssyncset.done @!p0 $0x0  }
0x1cc: {  	[sflag:s0] =	ssyncadd.s32 @!p0 s1  }
0x1cd: {  	[bflag:$0x3] =	sbarrier.arrive $0xFFFF  }
0x1ce: {  	_ =	shalt  }

</sc_bundles>
